<compile_context>
chip_gen: v7x
topology: tpu7x:2x2x1
jax: 0.10.2.dev20260603
libtpu: 0.0.44.dev20260713+nightly
codegen_flags: <defaults>
</compile_context>

<pallas_src>
import functools

import jax
import jax.numpy as jnp
from jax import lax
from jax.experimental import pallas as pl
from jax.experimental.pallas import tpu as pltpu
from jax.experimental.pallas import tpu_sc as plsc

N = 10000
D = 128
C = 16
K = 5000
N2 = 10240
CH = 640
NV = CH // 16
NEG_INF = float("-inf")


def _tc1_body(x_ref, w_ref, b_ref, wp_ref, predt_ref, z2_ref):
    x = x_ref[:, :]
    w = w_ref[:, :]
    bt = b_ref[:, :]
    wp = wp_ref[:, :]
    predt = jax.lax.dot_general(
        w, x, (((1,), (1,)), ((), ())), preferred_element_type=jnp.float32
    ) + bt
    predt_ref[:, :] = predt
    z = jax.lax.dot_general(
        wp, predt, (((1,), (0,)), ((), ())),
        preferred_element_type=jnp.float32)
    z2_ref[:, :] = jnp.full((1, N2), NEG_INF, jnp.float32)
    z2_ref[0:1, 0:N] = z


def _sc_body(z_hbm, out_hbm, zv, kv, cntv, bsum, totb, outv, shared):
    s = lax.axis_index("s")
    c = lax.axis_index("c")
    iota = lax.iota(jnp.int32, 16)
    ones = jnp.ones((16,), jnp.int32)
    zeros = jnp.zeros((16,), jnp.int32)

    def _lanesum(v):
        for h in (8, 4, 2, 1):
            bsum[...] = v
            v = v + plsc.load_gather(bsum, [jnp.bitwise_xor(iota, h)])
        return v

    pltpu.sync_copy(z_hbm.at[pl.ds(s * CH, CH)], zv)

    def _mk(i, carry):
        zb = zv[pl.ds(i * 16, 16)]
        u = jax.lax.bitcast_convert_type(zb, jnp.uint32)
        sign = u >> jnp.uint32(31)
        flip = jnp.where(sign == jnp.uint32(1),
                         jnp.uint32(0xFFFFFFFF), jnp.uint32(0x80000000))
        kv[pl.ds(i * 16, 16)] = u ^ flip
        return carry

    lax.fori_loop(0, NV, _mk, jnp.int32(0))

    def _share_counts(slot, packed):
        cntv[...] = packed
        pltpu.sync_copy(cntv, shared.at[slot, s])
        plsc.subcore_barrier()
        pltpu.sync_copy(shared.at[slot], totb)
        tot = lax.fori_loop(0, 16, lambda t, a: a + totb[t], zeros)
        return tot

    def _key_round(r, p):
        sh = jnp.uint32(28) - jnp.uint32(4) * r.astype(jnp.uint32)

        def _cnt(i, accs):
            kb = kv[pl.ds(i * 16, 16)]
            return tuple(
                accs[d - 1] + jnp.where(
                    kb >= (p | (jnp.uint32(d) << sh)), ones, zeros)
                for d in range(1, 16))

        accs = lax.fori_loop(0, NV, _cnt, tuple([zeros] * 15))
        packed = zeros
        for d in range(1, 16):
            packed = jnp.where(iota == d, _lanesum(accs[d - 1]), packed)
        tot = _share_counts(r, packed)
        digit = _lanesum(jnp.where((tot >= K) & (iota >= 1), ones, zeros))
        return p | (digit.astype(jnp.uint32) << sh)

    kth = lax.fori_loop(0, 8, _key_round,
                        jnp.zeros((16,), jnp.uint32))

    def _above(i, acc):
        kb = kv[pl.ds(i * 16, 16)]
        return acc + jnp.where(kb > kth, ones, zeros)

    macc = lax.fori_loop(0, NV, _above, zeros)
    packed = jnp.where(iota == 1, _lanesum(macc), zeros)
    mtot = _share_counts(8, packed)
    m = _lanesum(jnp.where(iota == 1, mtot, zeros))
    need = K - m

    base = s * CH

    def _tie_round(r, q):
        sh = jnp.int32(12) - jnp.int32(4) * r

        def _cnt(i, accs):
            kb = kv[pl.ds(i * 16, 16)]
            tie = kb == kth
            idxv = base + i * 16 + iota
            return tuple(
                accs[d - 1] + jnp.where(
                    tie & (idxv < (q | (d << sh))), ones, zeros)
                for d in range(1, 16))

        accs = lax.fori_loop(0, NV, _cnt, tuple([zeros] * 15))
        packed = zeros
        for d in range(1, 16):
            packed = jnp.where(iota == d, _lanesum(accs[d - 1]), packed)
        tot = _share_counts(9 + r, packed)
        digit = _lanesum(jnp.where((tot < need) & (iota >= 1), ones, zeros))
        return q | (digit << sh)

    jstar = lax.fori_loop(0, 4, _tie_round, zeros)

    @pl.when((s == 0) & (c == 0))
    def _write():
        res = jnp.where(iota == 0,
                        jax.lax.bitcast_convert_type(kth, jnp.int32),
                        jnp.where(iota == 1, jstar, 0))
        outv[...] = res
        pltpu.sync_copy(outv, out_hbm)


def _tc2_body(z2_ref, predt_ref, sc_ref, wp_ref, xf_ref, zs_ref, ws_ref):
    kth = jax.lax.bitcast_convert_type(sc_ref[0], jnp.uint32)
    jstar = sc_ref[1]
    wp = wp_ref[:, :]

    RB, MB = 10, N2 // 10
    for j in range(RB):
        zs_ref[j:j + 1, :] = z2_ref[0:1, pl.ds(j * MB, MB)]
    zd = zs_ref[:, :]

    u = jax.lax.bitcast_convert_type(zd, jnp.uint32)
    sign = u >> jnp.uint32(31)
    flip = jnp.where(sign == jnp.uint32(1),
                     jnp.uint32(0xFFFFFFFF), jnp.uint32(0x80000000))
    key = u ^ flip
    idx = (jax.lax.broadcasted_iota(jnp.int32, (RB, MB), 0) * MB
           + jax.lax.broadcasted_iota(jnp.int32, (RB, MB), 1))
    sel = (key > kth) | ((key == kth) & (idx <= jstar))
    norm = jnp.sqrt(jnp.sum(wp * wp)) + 1e-16
    wgt = jnp.where(sel, jnp.tanh(zd / norm), 0.0)

    for j in range(RB):
        ws_ref[0:1, pl.ds(j * MB, MB)] = wgt[j:j + 1, :]
    wsv = jax.lax.slice(ws_ref[:, :], (0, 0), (1, N))
    acc = jax.lax.dot_general(
        wsv, predt_ref[:, :], (((1,), (1,)), ((), ())),
        preferred_element_type=jnp.float32)
    xf_ref[:, :] = acc * (1.0 / K)


@functools.partial(jax.jit, static_argnames=())
def kernel(x, edge_index, batch, W, b, w_pool):
    del edge_index, batch
    bt = b.reshape(C, 1)
    wp2 = w_pool.reshape(1, C)

    predt, z2 = pl.pallas_call(
        _tc1_body,
        out_shape=(
            jax.ShapeDtypeStruct((C, N), jnp.float32),
            jax.ShapeDtypeStruct((1, N2), jnp.float32),
        ),
    )(x, W, bt, wp2)

    mesh = plsc.VectorSubcoreMesh(core_axis_name="c", subcore_axis_name="s")
    sc_sel = pl.kernel(
        _sc_body,
        mesh=mesh,
        compiler_params=pltpu.CompilerParams(needs_layout_passes=False),
        out_type=jax.ShapeDtypeStruct((16,), jnp.int32),
        scratch_types=[
            pltpu.VMEM((CH,), jnp.float32),
            pltpu.VMEM((CH,), jnp.uint32),
            pltpu.VMEM((16,), jnp.int32),
            pltpu.VMEM((16,), jnp.int32),
            pltpu.VMEM((16, 16), jnp.int32),
            pltpu.VMEM((16,), jnp.int32),
            pltpu.VMEM_SHARED((13, 16, 16), jnp.int32),
        ],
    )
    scalars = sc_sel(z2.reshape(N2))

    x_final = pl.pallas_call(
        _tc2_body,
        in_specs=[
            pl.BlockSpec(memory_space=pltpu.MemorySpace.VMEM),
            pl.BlockSpec(memory_space=pltpu.MemorySpace.VMEM),
            pl.BlockSpec(memory_space=pltpu.MemorySpace.SMEM),
            pl.BlockSpec(memory_space=pltpu.MemorySpace.VMEM),
        ],
        out_shape=jax.ShapeDtypeStruct((1, C), jnp.float32),
        scratch_shapes=[
            pltpu.VMEM((10, N2 // 10), jnp.float32),
            pltpu.VMEM((1, N2), jnp.float32),
        ],
    )(z2, predt, scalars, wp2)

    return (x_final, predt.T)

# --- scband reference (transcript-rebuilt; emitter-appended) ---
"""Pipeline reference for scband-linear-graph-classifier-20040317403820 (READ-ONLY COPY).

The authoritative reference and input builder live on the scoring server;
editing this copy changes nothing except your own understanding.
"""

import jax, jax.numpy as jnp
import numpy as np

N = 10000
D = 128
C = 16
E = 320000
RATIO = 0.5


def setup_inputs(seed: int = 0) -> dict:
    key = jax.random.key(seed)
    k1, k2, k3, k4 = jax.random.split(key, 4)
    x = jax.random.normal(k1, (N, D), dtype=jnp.float32)
    edge_index = jax.random.randint(k2, (2, E), 0, N, dtype=jnp.int32)
    batch = jnp.zeros((N,), dtype=jnp.int32)  # single graph
    # learned parameters
    W = jax.random.normal(k3, (C, D), dtype=jnp.float32) * 0.05  # nn.Linear weight
    b = jnp.zeros((C,), dtype=jnp.float32)                       # nn.Linear bias
    w_pool = jax.random.normal(k4, (C,), dtype=jnp.float32) * 0.1  # TopKPooling weight
    return {"x": x, "edge_index": edge_index, "batch": batch, "W": W, "b": b, "w_pool": w_pool}


def reference(x, edge_index, batch, W, b, w_pool):
    # node_predictions = self.lin(x)
    node_predictions = x @ W.T + b  # [N, C]
    # TopKPooling (PyG semantics, ratio=0.5, nonlinearity=tanh, min_score=None):
    # score = tanh((x_in . w) / ||w||); perm = topk(score, ratio, batch)
    score = jnp.tanh((node_predictions @ w_pool) / (jnp.linalg.norm(w_pool) + 1e-16))  # [N]
    k = int(np.ceil(RATIO * N))
    top_scores, perm = jax.lax.top_k(score, k)
    pooled_x = node_predictions[perm] * top_scores[:, None]  # x[perm] * score[perm]
    pooled_batch = batch[perm]
    # (edge filtering in TopKPooling does not affect the returned tensors; omitted)
    # global_mean_pool over pooled nodes (single graph -> num_segments=1)
    num_graphs = 1
    sums = jax.ops.segment_sum(pooled_x, pooled_batch, num_segments=num_graphs)
    counts = jax.ops.segment_sum(jnp.ones((k,), dtype=pooled_x.dtype), pooled_batch, num_segments=num_graphs)
    x_final = sums / jnp.maximum(counts, 1.0)[:, None]  # [1, C]
    return (x_final, node_predictions)

if __name__ == "__main__":
    import jax
    _d = setup_inputs()
    print(jax.jit(kernel)(*tuple(_d.values())))

</pallas_src>

<mosaic_0001>
#map = affine_map<(d0, d1) -> (0)>
module attributes {stable_mosaic.version = 14 : i64} {
  func.func @_sc_body(%arg0: i32, %arg1: i32, %arg2: memref<10240xf32, #tpu.memory_space<hbm>>, %arg3: memref<16xi32, #tpu.memory_space<hbm>>, %arg4: memref<640xf32, #tpu.memory_space<vmem>>, %arg5: memref<640xi32, #tpu.memory_space<vmem>>, %arg6: memref<16xi32, #tpu.memory_space<vmem>>, %arg7: memref<16xi32, #tpu.memory_space<vmem>>, %arg8: memref<16x16xi32, #tpu.memory_space<vmem>>, %arg9: memref<16xi32, #tpu.memory_space<vmem>>, %arg10: memref<13x16x16xi32, #tpu.memory_space<vmem_shared>>) attributes {dimension_semantics = [#tpu.dimension_semantics<core_parallel>, #tpu.dimension_semantics<subcore_parallel>], iteration_bounds = array<i64: 2, 16>, scalar_prefetch = 0 : i64, scratch_operands = 7 : i64, tpu.core_type = #tpu.core_type<sc_vector_subcore>, window_params = [{transform_indices = #map}, {transform_indices = #map}]} {
    %iota3A = tpu.iota {dimensions = array<i32: 0>} : vector<16xi32>
    %broadcast_in_dim3A = arith.constant 1 : i32
    %broadcast_in_dim3A_0 = vector.broadcast %broadcast_in_dim3A : i32 to vector<16xi32>
    %broadcast_in_dim3A_1 = arith.constant 0 : i32
    %broadcast_in_dim3A_2 = vector.broadcast %broadcast_in_dim3A_1 : i32 to vector<16xi32>
    %mul3A = arith.constant 640 : i32
    %mul3A_3 = arith.muli %arg1, %mul3A : i32
    "tpu.region"() ({
      %run_scoped3A_105 = tpu.sem_alloc : memref<!tpu.dma_semaphore, #tpu.memory_space<semaphore_mem>>
      %dma_start3A = tpu.memref_slice %arg2[%mul3A_3] : memref<10240xf32, #tpu.memory_space<hbm>> -> memref<640xf32, #tpu.memory_space<hbm>>
      %dma_start3A_106 = tpu.memref_slice %arg2[%mul3A_3] : memref<10240xf32, #tpu.memory_space<hbm>> -> memref<640xf32, #tpu.memory_space<hbm>>
      tpu.enqueue_dma source(%dma_start3A_106 : memref<640xf32, #tpu.memory_space<hbm>>) target(%arg4 : memref<640xf32, #tpu.memory_space<vmem>>) target_semaphore(%run_scoped3A_105 : memref<!tpu.dma_semaphore, #tpu.memory_space<semaphore_mem>>)
      %dma_wait3A = tpu.memref_slice %arg2[%mul3A_3] : memref<10240xf32, #tpu.memory_space<hbm>> -> memref<640xf32, #tpu.memory_space<hbm>>
      %dma_wait3A_107 = tpu.memref_slice %arg2[%mul3A_3] : memref<10240xf32, #tpu.memory_space<hbm>> -> memref<640xf32, #tpu.memory_space<hbm>>
      tpu.wait_dma2 semaphore(%run_scoped3A_105 : memref<!tpu.dma_semaphore, #tpu.memory_space<semaphore_mem>>) src(%dma_wait3A_107 : memref<640xf32, #tpu.memory_space<hbm>>) dst(%arg4 : memref<640xf32, #tpu.memory_space<vmem>>)
      tpu.yield
    }) : () -> ()
    %scan3A = arith.constant 0 : i32
    %scan3A_4 = arith.constant 0 : i32
    %scan3A_5 = arith.constant 40 : i32
    %scan3A_6 = arith.addi %scan3A_4, %scan3A_5 : i32
    %scan3A_7 = arith.constant 1 : i32
    scf.for %scan3A_105 = %scan3A_4 to %scan3A_6 step %scan3A_7  : i32 {
      %mul3A_106 = arith.constant 16 : i32
      %mul3A_107 = arith.muli %scan3A_105, %mul3A_106 : i32
      %get3A = arith.index_cast %mul3A_107 : i32 to index
      %get3A_108 = tpu.vector_load %arg4[%get3A] {strides = array<i32>} : memref<640xf32, #tpu.memory_space<vmem>>, vector<16xf32>,
      %bitcast_convert_type3A = tpu.bitcast %get3A_108 : vector<16xf32> -> vector<16xi32>
      %shift_right_logical3A = arith.constant 31 : i32
      %shift_right_logical3A_109 = vector.broadcast %shift_right_logical3A : i32 to vector<16xi32>
      %shift_right_logical3A_110 = arith.shrui %bitcast_convert_type3A, %shift_right_logical3A_109 : vector<16xi32>
      %eq3A_111 = arith.constant 1 : i32
      %eq3A_112 = vector.broadcast %eq3A_111 : i32 to vector<16xi32>
      %eq3A_113 = arith.cmpi eq, %shift_right_logical3A_110, %eq3A_112 : vector<16xi32>
      %jit3A = arith.constant -1 : i32
      %jit3A_114 = arith.constant -2147483648 : i32
      %broadcast_in_dim3A_115 = vector.broadcast %jit3A : i32 to vector<16xi32>
      %broadcast_in_dim3A_116 = vector.broadcast %jit3A_114 : i32 to vector<16xi32>
      %select_n3A_117 = arith.select %eq3A_113, %broadcast_in_dim3A_115, %broadcast_in_dim3A_116 : vector<16xi1>, vector<16xi32>
      %xor3A_118 = arith.xori %bitcast_convert_type3A, %select_n3A_117 : vector<16xi32>
      %mul3A_119 = arith.constant 16 : i32
      %mul3A_120 = arith.muli %scan3A_105, %mul3A_119 : i32
      %swap3A_121 = arith.index_cast %mul3A_120 : i32 to index
      %swap3A_122 = tpu.vector_load %arg5[%swap3A_121] {strides = array<i32>} : memref<640xi32, #tpu.memory_space<vmem>>, vector<16xi32>,
      tpu.vector_store %arg5[%swap3A_121], %xor3A_118 {strides = array<i32>} : memref<640xi32, #tpu.memory_space<vmem>>, vector<16xi32>,
    }
    %scan3A_8 = arith.constant 40 : i32
    %broadcast_in_dim3A_9 = arith.constant 0 : i32
    %broadcast_in_dim3A_10 = vector.broadcast %broadcast_in_dim3A_9 : i32 to vector<16xi32>
    %scan3A_11 = arith.constant 0 : i32
    %scan3A_12 = arith.constant 8 : i32
    %scan3A_13 = arith.addi %scan3A_11, %scan3A_12 : i32
    %scan3A_14 = arith.constant 1 : i32
    %scan3A_15 = scf.for %scan3A_105 = %scan3A_11 to %scan3A_13 step %scan3A_14 iter_args(%scan3A_106 = %broadcast_in_dim3A_10) -> (vector<16xi32>)  : i32 {
      %mul3A_107 = arith.constant 4 : i32
      %mul3A_108 = arith.muli %mul3A_107, %scan3A_105 : i32
      %sub3A_109 = arith.constant 28 : i32
      %sub3A_110 = arith.subi %sub3A_109, %mul3A_108 : i32
      %scan3A_111 = arith.constant 0 : i32
      %scan3A_112 = arith.constant 40 : i32
      %scan3A_113 = arith.addi %scan3A_111, %scan3A_112 : i32
      %scan3A_114 = arith.constant 1 : i32
      %scan3A_115:15 = scf.for %scan3A_642 = %scan3A_111 to %scan3A_113 step %scan3A_114 iter_args(%scan3A_643 = %broadcast_in_dim3A_2, %scan3A_644 = %broadcast_in_dim3A_2, %scan3A_645 = %broadcast_in_dim3A_2, %scan3A_646 = %broadcast_in_dim3A_2, %scan3A_647 = %broadcast_in_dim3A_2, %scan3A_648 = %broadcast_in_dim3A_2, %scan3A_649 = %broadcast_in_dim3A_2, %scan3A_650 = %broadcast_in_dim3A_2, %scan3A_651 = %broadcast_in_dim3A_2, %scan3A_652 = %broadcast_in_dim3A_2, %scan3A_653 = %broadcast_in_dim3A_2, %scan3A_654 = %broadcast_in_dim3A_2, %scan3A_655 = %broadcast_in_dim3A_2, %scan3A_656 = %broadcast_in_dim3A_2, %scan3A_657 = %broadcast_in_dim3A_2) -> (vector<16xi32>, vector<16xi32>, vector<16xi32>, vector<16xi32>, vector<16xi32>, vector<16xi32>, vector<16xi32>, vector<16xi32>, vector<16xi32>, vector<16xi32>, vector<16xi32>, vector<16xi32>, vector<16xi32>, vector<16xi32>, vector<16xi32>)  : i32 {
        %mul3A_658 = arith.constant 16 : i32
        %mul3A_659 = arith.muli %scan3A_642, %mul3A_658 : i32
        %get3A = arith.index_cast %mul3A_659 : i32 to index
        %get3A_660 = tpu.vector_load %arg5[%get3A] {strides = array<i32>} : memref<640xi32, #tpu.memory_space<vmem>>, vector<16xi32>,
        %shift_left3A_661 = arith.constant 1 : i32
        %shift_left3A_662 = arith.shli %shift_left3A_661, %sub3A_110 : i32
        %or3A_663 = vector.broadcast %shift_left3A_662 : i32 to vector<16xi32>
        %or3A_664 = arith.ori %scan3A_106, %or3A_663 : vector<16xi32>
        %ge3A_665 = arith.cmpi uge, %get3A_660, %or3A_664 : vector<16xi32>
        %select_n3A_666 = arith.select %ge3A_665, %broadcast_in_dim3A_0, %broadcast_in_dim3A_2 : vector<16xi1>, vector<16xi32>
        %add3A_667 = arith.addi %scan3A_643, %select_n3A_666 : vector<16xi32>
        %shift_left3A_668 = arith.constant 2 : i32
        %shift_left3A_669 = arith.shli %shift_left3A_668, %sub3A_110 : i32
        %or3A_670 = vector.broadcast %shift_left3A_669 : i32 to vector<16xi32>
        %or3A_671 = arith.ori %scan3A_106, %or3A_670 : vector<16xi32>
        %ge3A_672 = arith.cmpi uge, %get3A_660, %or3A_671 : vector<16xi32>
        %select_n3A_673 = arith.select %ge3A_672, %broadcast_in_dim3A_0, %broadcast_in_dim3A_2 : vector<16xi1>, vector<16xi32>
        %add3A_674 = arith.addi %scan3A_644, %select_n3A_673 : vector<16xi32>
        %shift_left3A_675 = arith.constant 3 : i32
        %shift_left3A_676 = arith.shli %shift_left3A_675, %sub3A_110 : i32
        %or3A_677 = vector.broadcast %shift_left3A_676 : i32 to vector<16xi32>
        %or3A_678 = arith.ori %scan3A_106, %or3A_677 : vector<16xi32>
        %ge3A_679 = arith.cmpi uge, %get3A_660, %or3A_678 : vector<16xi32>
        %select_n3A_680 = arith.select %ge3A_679, %broadcast_in_dim3A_0, %broadcast_in_dim3A_2 : vector<16xi1>, vector<16xi32>
        %add3A_681 = arith.addi %scan3A_645, %select_n3A_680 : vector<16xi32>
        %shift_left3A_682 = arith.constant 4 : i32
        %shift_left3A_683 = arith.shli %shift_left3A_682, %sub3A_110 : i32
        %or3A_684 = vector.broadcast %shift_left3A_683 : i32 to vector<16xi32>
        %or3A_685 = arith.ori %scan3A_106, %or3A_684 : vector<16xi32>
        %ge3A_686 = arith.cmpi uge, %get3A_660, %or3A_685 : vector<16xi32>
        %select_n3A_687 = arith.select %ge3A_686, %broadcast_in_dim3A_0, %broadcast_in_dim3A_2 : vector<16xi1>, vector<16xi32>
        %add3A_688 = arith.addi %scan3A_646, %select_n3A_687 : vector<16xi32>
        %shift_left3A_689 = arith.constant 5 : i32
        %shift_left3A_690 = arith.shli %shift_left3A_689, %sub3A_110 : i32
        %or3A_691 = vector.broadcast %shift_left3A_690 : i32 to vector<16xi32>
        %or3A_692 = arith.ori %scan3A_106, %or3A_691 : vector<16xi32>
        %ge3A_693 = arith.cmpi uge, %get3A_660, %or3A_692 : vector<16xi32>
        %select_n3A_694 = arith.select %ge3A_693, %broadcast_in_dim3A_0, %broadcast_in_dim3A_2 : vector<16xi1>, vector<16xi32>
        %add3A_695 = arith.addi %scan3A_647, %select_n3A_694 : vector<16xi32>
        %shift_left3A_696 = arith.constant 6 : i32
        %shift_left3A_697 = arith.shli %shift_left3A_696, %sub3A_110 : i32
        %or3A_698 = vector.broadcast %shift_left3A_697 : i32 to vector<16xi32>
        %or3A_699 = arith.ori %scan3A_106, %or3A_698 : vector<16xi32>
        %ge3A_700 = arith.cmpi uge, %get3A_660, %or3A_699 : vector<16xi32>
        %select_n3A_701 = arith.select %ge3A_700, %broadcast_in_dim3A_0, %broadcast_in_dim3A_2 : vector<16xi1>, vector<16xi32>
        %add3A_702 = arith.addi %scan3A_648, %select_n3A_701 : vector<16xi32>
        %shift_left3A_703 = arith.constant 7 : i32
        %shift_left3A_704 = arith.shli %shift_left3A_703, %sub3A_110 : i32
        %or3A_705 = vector.broadcast %shift_left3A_704 : i32 to vector<16xi32>
        %or3A_706 = arith.ori %scan3A_106, %or3A_705 : vector<16xi32>
        %ge3A_707 = arith.cmpi uge, %get3A_660, %or3A_706 : vector<16xi32>
        %select_n3A_708 = arith.select %ge3A_707, %broadcast_in_dim3A_0, %broadcast_in_dim3A_2 : vector<16xi1>, vector<16xi32>
        %add3A_709 = arith.addi %scan3A_649, %select_n3A_708 : vector<16xi32>
        %shift_left3A_710 = arith.constant 8 : i32
        %shift_left3A_711 = arith.shli %shift_left3A_710, %sub3A_110 : i32
        %or3A_712 = vector.broadcast %shift_left3A_711 : i32 to vector<16xi32>
        %or3A_713 = arith.ori %scan3A_106, %or3A_712 : vector<16xi32>
        %ge3A_714 = arith.cmpi uge, %get3A_660, %or3A_713 : vector<16xi32>
        %select_n3A_715 = arith.select %ge3A_714, %broadcast_in_dim3A_0, %broadcast_in_dim3A_2 : vector<16xi1>, vector<16xi32>
        %add3A_716 = arith.addi %scan3A_650, %select_n3A_715 : vector<16xi32>
        %shift_left3A_717 = arith.constant 9 : i32
        %shift_left3A_718 = arith.shli %shift_left3A_717, %sub3A_110 : i32
        %or3A_719 = vector.broadcast %shift_left3A_718 : i32 to vector<16xi32>
        %or3A_720 = arith.ori %scan3A_106, %or3A_719 : vector<16xi32>
        %ge3A_721 = arith.cmpi uge, %get3A_660, %or3A_720 : vector<16xi32>
        %select_n3A_722 = arith.select %ge3A_721, %broadcast_in_dim3A_0, %broadcast_in_dim3A_2 : vector<16xi1>, vector<16xi32>
        %add3A_723 = arith.addi %scan3A_651, %select_n3A_722 : vector<16xi32>
        %shift_left3A_724 = arith.constant 10 : i32
        %shift_left3A_725 = arith.shli %shift_left3A_724, %sub3A_110 : i32
        %or3A_726 = vector.broadcast %shift_left3A_725 : i32 to vector<16xi32>
        %or3A_727 = arith.ori %scan3A_106, %or3A_726 : vector<16xi32>
        %ge3A_728 = arith.cmpi uge, %get3A_660, %or3A_727 : vector<16xi32>
        %select_n3A_729 = arith.select %ge3A_728, %broadcast_in_dim3A_0, %broadcast_in_dim3A_2 : vector<16xi1>, vector<16xi32>
        %add3A_730 = arith.addi %scan3A_652, %select_n3A_729 : vector<16xi32>
        %shift_left3A_731 = arith.constant 11 : i32
        %shift_left3A_732 = arith.shli %shift_left3A_731, %sub3A_110 : i32
        %or3A_733 = vector.broadcast %shift_left3A_732 : i32 to vector<16xi32>
        %or3A_734 = arith.ori %scan3A_106, %or3A_733 : vector<16xi32>
        %ge3A_735 = arith.cmpi uge, %get3A_660, %or3A_734 : vector<16xi32>
        %select_n3A_736 = arith.select %ge3A_735, %broadcast_in_dim3A_0, %broadcast_in_dim3A_2 : vector<16xi1>, vector<16xi32>
        %add3A_737 = arith.addi %scan3A_653, %select_n3A_736 : vector<16xi32>
        %shift_left3A_738 = arith.constant 12 : i32
        %shift_left3A_739 = arith.shli %shift_left3A_738, %sub3A_110 : i32
        %or3A_740 = vector.broadcast %shift_left3A_739 : i32 to vector<16xi32>
        %or3A_741 = arith.ori %scan3A_106, %or3A_740 : vector<16xi32>
        %ge3A_742 = arith.cmpi uge, %get3A_660, %or3A_741 : vector<16xi32>
        %select_n3A_743 = arith.select %ge3A_742, %broadcast_in_dim3A_0, %broadcast_in_dim3A_2 : vector<16xi1>, vector<16xi32>
        %add3A_744 = arith.addi %scan3A_654, %select_n3A_743 : vector<16xi32>
        %shift_left3A_745 = arith.constant 13 : i32
        %shift_left3A_746 = arith.shli %shift_left3A_745, %sub3A_110 : i32
        %or3A_747 = vector.broadcast %shift_left3A_746 : i32 to vector<16xi32>
        %or3A_748 = arith.ori %scan3A_106, %or3A_747 : vector<16xi32>
        %ge3A_749 = arith.cmpi uge, %get3A_660, %or3A_748 : vector<16xi32>
        %select_n3A_750 = arith.select %ge3A_749, %broadcast_in_dim3A_0, %broadcast_in_dim3A_2 : vector<16xi1>, vector<16xi32>
        %add3A_751 = arith.addi %scan3A_655, %select_n3A_750 : vector<16xi32>
        %shift_left3A_752 = arith.constant 14 : i32
        %shift_left3A_753 = arith.shli %shift_left3A_752, %sub3A_110 : i32
        %or3A_754 = vector.broadcast %shift_left3A_753 : i32 to vector<16xi32>
        %or3A_755 = arith.ori %scan3A_106, %or3A_754 : vector<16xi32>
        %ge3A_756 = arith.cmpi uge, %get3A_660, %or3A_755 : vector<16xi32>
        %select_n3A_757 = arith.select %ge3A_756, %broadcast_in_dim3A_0, %broadcast_in_dim3A_2 : vector<16xi1>, vector<16xi32>
        %add3A_758 = arith.addi %scan3A_656, %select_n3A_757 : vector<16xi32>
        %shift_left3A_759 = arith.constant 15 : i32
        %shift_left3A_760 = arith.shli %shift_left3A_759, %sub3A_110 : i32
        %or3A_761 = vector.broadcast %shift_left3A_760 : i32 to vector<16xi32>
        %or3A_762 = arith.ori %scan3A_106, %or3A_761 : vector<16xi32>
        %ge3A_763 = arith.cmpi uge, %get3A_660, %or3A_762 : vector<16xi32>
        %select_n3A_764 = arith.select %ge3A_763, %broadcast_in_dim3A_0, %broadcast_in_dim3A_2 : vector<16xi1>, vector<16xi32>
        %add3A_765 = arith.addi %scan3A_657, %select_n3A_764 : vector<16xi32>
        scf.yield %add3A_667, %add3A_674, %add3A_681, %add3A_688, %add3A_695, %add3A_702, %add3A_709, %add3A_716, %add3A_723, %add3A_730, %add3A_737, %add3A_744, %add3A_751, %add3A_758, %add3A_765 : vector<16xi32>, vector<16xi32>, vector<16xi32>, vector<16xi32>, vector<16xi32>, vector<16xi32>, vector<16xi32>, vector<16xi32>, vector<16xi32>, vector<16xi32>, vector<16xi32>, vector<16xi32>, vector<16xi32>, vector<16xi32>, vector<16xi32>
      }
      %scan3A_116 = arith.constant 40 : i32
      %eq3A_117 = arith.constant 1 : i32
      %eq3A_118 = vector.broadcast %eq3A_117 : i32 to vector<16xi32>
      %eq3A_119 = arith.cmpi eq, %iota3A, %eq3A_118 : vector<16xi32>
      %swap3A_120 = arith.constant 0 : index
      %swap3A_121 = tpu.vector_load %arg7[%swap3A_120] {strides = array<i32>} : memref<16xi32, #tpu.memory_space<vmem>>, vector<16xi32>,
      tpu.vector_store %arg7[%swap3A_120], %scan3A_115#0 {strides = array<i32>} : memref<16xi32, #tpu.memory_space<vmem>>, vector<16xi32>,
      %xor3A_122 = arith.constant 8 : i32
      %xor3A_123 = vector.broadcast %xor3A_122 : i32 to vector<16xi32>
      %xor3A_124 = arith.xori %iota3A, %xor3A_123 : vector<16xi32>
      %gather3A_125 = tpu.vector_load_idx %arg7[%xor3A_124] : memref<16xi32, #tpu.memory_space<vmem>>[vector<16xi32>], vector<16xi32>,
      %add3A_126 = arith.addi %scan3A_115#0, %gather3A_125 : vector<16xi32>
      %swap3A_127 = arith.constant 0 : index
      %swap3A_128 = tpu.vector_load %arg7[%swap3A_127] {strides = array<i32>} : memref<16xi32, #tpu.memory_space<vmem>>, vector<16xi32>,
      tpu.vector_store %arg7[%swap3A_127], %add3A_126 {strides = array<i32>} : memref<16xi32, #tpu.memory_space<vmem>>, vector<16xi32>,
      %xor3A_129 = arith.constant 4 : i32
      %xor3A_130 = vector.broadcast %xor3A_129 : i32 to vector<16xi32>
      %xor3A_131 = arith.xori %iota3A, %xor3A_130 : vector<16xi32>
      %gather3A_132 = tpu.vector_load_idx %arg7[%xor3A_131] : memref<16xi32, #tpu.memory_space<vmem>>[vector<16xi32>], vector<16xi32>,
      %add3A_133 = arith.addi %add3A_126, %gather3A_132 : vector<16xi32>
      %swap3A_134 = arith.constant 0 : index
      %swap3A_135 = tpu.vector_load %arg7[%swap3A_134] {strides = array<i32>} : memref<16xi32, #tpu.memory_space<vmem>>, vector<16xi32>,
      tpu.vector_store %arg7[%swap3A_134], %add3A_133 {strides = array<i32>} : memref<16xi32, #tpu.memory_space<vmem>>, vector<16xi32>,
      %xor3A_136 = arith.constant 2 : i32
      %xor3A_137 = vector.broadcast %xor3A_136 : i32 to vector<16xi32>
      %xor3A_138 = arith.xori %iota3A, %xor3A_137 : vector<16xi32>
      %gather3A_139 = tpu.vector_load_idx %arg7[%xor3A_138] : memref<16xi32, #tpu.memory_space<vmem>>[vector<16xi32>], vector<16xi32>,
      %add3A_140 = arith.addi %add3A_133, %gather3A_139 : vector<16xi32>
      %swap3A_141 = arith.constant 0 : index
      %swap3A_142 = tpu.vector_load %arg7[%swap3A_141] {strides = array<i32>} : memref<16xi32, #tpu.memory_space<vmem>>, vector<16xi32>,
      tpu.vector_store %arg7[%swap3A_141], %add3A_140 {strides = array<i32>} : memref<16xi32, #tpu.memory_space<vmem>>, vector<16xi32>,
      %xor3A_143 = arith.constant 1 : i32
      %xor3A_144 = vector.broadcast %xor3A_143 : i32 to vector<16xi32>
      %xor3A_145 = arith.xori %iota3A, %xor3A_144 : vector<16xi32>
      %gather3A_146 = tpu.vector_load_idx %arg7[%xor3A_145] : memref<16xi32, #tpu.memory_space<vmem>>[vector<16xi32>], vector<16xi32>,
      %add3A_147 = arith.addi %add3A_140, %gather3A_146 : vector<16xi32>
      %select_n3A_148 = arith.select %eq3A_119, %add3A_147, %broadcast_in_dim3A_2 : vector<16xi1>, vector<16xi32>
      %eq3A_149 = arith.constant 2 : i32
      %eq3A_150 = vector.broadcast %eq3A_149 : i32 to vector<16xi32>
      %eq3A_151 = arith.cmpi eq, %iota3A, %eq3A_150 : vector<16xi32>
      %swap3A_152 = arith.constant 0 : index
      %swap3A_153 = tpu.vector_load %arg7[%swap3A_152] {strides = array<i32>} : memref<16xi32, #tpu.memory_space<vmem>>, vector<16xi32>,
      tpu.vector_store %arg7[%swap3A_152], %scan3A_115#1 {strides = array<i32>} : memref<16xi32, #tpu.memory_space<vmem>>, vector<16xi32>,
      %xor3A_154 = arith.constant 8 : i32
      %xor3A_155 = vector.broadcast %xor3A_154 : i32 to vector<16xi32>
      %xor3A_156 = arith.xori %iota3A, %xor3A_155 : vector<16xi32>
      %gather3A_157 = tpu.vector_load_idx %arg7[%xor3A_156] : memref<16xi32, #tpu.memory_space<vmem>>[vector<16xi32>], vector<16xi32>,
      %add3A_158 = arith.addi %scan3A_115#1, %gather3A_157 : vector<16xi32>
      %swap3A_159 = arith.constant 0 : index
      %swap3A_160 = tpu.vector_load %arg7[%swap3A_159] {strides = array<i32>} : memref<16xi32, #tpu.memory_space<vmem>>, vector<16xi32>,
      tpu.vector_store %arg7[%swap3A_159], %add3A_158 {strides = array<i32>} : memref<16xi32, #tpu.memory_space<vmem>>, vector<16xi32>,
      %xor3A_161 = arith.constant 4 : i32
      %xor3A_162 = vector.broadcast %xor3A_161 : i32 to vector<16xi32>
      %xor3A_163 = arith.xori %iota3A, %xor3A_162 : vector<16xi32>
      %gather3A_164 = tpu.vector_load_idx %arg7[%xor3A_163] : memref<16xi32, #tpu.memory_space<vmem>>[vector<16xi32>], vector<16xi32>,
      %add3A_165 = arith.addi %add3A_158, %gather3A_164 : vector<16xi32>
      %swap3A_166 = arith.constant 0 : index
      %swap3A_167 = tpu.vector_load %arg7[%swap3A_166] {strides = array<i32>} : memref<16xi32, #tpu.memory_space<vmem>>, vector<16xi32>,
      tpu.vector_store %arg7[%swap3A_166], %add3A_165 {strides = array<i32>} : memref<16xi32, #tpu.memory_space<vmem>>, vector<16xi32>,
      %xor3A_168 = arith.constant 2 : i32
      %xor3A_169 = vector.broadcast %xor3A_168 : i32 to vector<16xi32>
      %xor3A_170 = arith.xori %iota3A, %xor3A_169 : vector<16xi32>
      %gather3A_171 = tpu.vector_load_idx %arg7[%xor3A_170] : memref<16xi32, #tpu.memory_space<vmem>>[vector<16xi32>], vector<16xi32>,
      %add3A_172 = arith.addi %add3A_165, %gather3A_171 : vector<16xi32>
      %swap3A_173 = arith.constant 0 : index
      %swap3A_174 = tpu.vector_load %arg7[%swap3A_173] {strides = array<i32>} : memref<16xi32, #tpu.memory_space<vmem>>, vector<16xi32>,
      tpu.vector_store %arg7[%swap3A_173], %add3A_172 {strides = array<i32>} : memref<16xi32, #tpu.memory_space<vmem>>, vector<16xi32>,
      %xor3A_175 = arith.constant 1 : i32
      %xor3A_176 = vector.broadcast %xor3A_175 : i32 to vector<16xi32>
      %xor3A_177 = arith.xori %iota3A, %xor3A_176 : vector<16xi32>
      %gather3A_178 = tpu.vector_load_idx %arg7[%xor3A_177] : memref<16xi32, #tpu.memory_space<vmem>>[vector<16xi32>], vector<16xi32>,
      %add3A_179 = arith.addi %add3A_172, %gather3A_178 : vector<16xi32>
      %select_n3A_180 = arith.select %eq3A_151, %add3A_179, %select_n3A_148 : vector<16xi1>, vector<16xi32>
      %eq3A_181 = arith.constant 3 : i32
      %eq3A_182 = vector.broadcast %eq3A_181 : i32 to vector<16xi32>
      %eq3A_183 = arith.cmpi eq, %iota3A, %eq3A_182 : vector<16xi32>
      %swap3A_184 = arith.constant 0 : index
      %swap3A_185 = tpu.vector_load %arg7[%swap3A_184] {strides = array<i32>} : memref<16xi32, #tpu.memory_space<vmem>>, vector<16xi32>,
      tpu.vector_store %arg7[%swap3A_184], %scan3A_115#2 {strides = array<i32>} : memref<16xi32, #tpu.memory_space<vmem>>, vector<16xi32>,
      %xor3A_186 = arith.constant 8 : i32
      %xor3A_187 = vector.broadcast %xor3A_186 : i32 to vector<16xi32>
      %xor3A_188 = arith.xori %iota3A, %xor3A_187 : vector<16xi32>
      %gather3A_189 = tpu.vector_load_idx %arg7[%xor3A_188] : memref<16xi32, #tpu.memory_space<vmem>>[vector<16xi32>], vector<16xi32>,
      %add3A_190 = arith.addi %scan3A_115#2, %gather3A_189 : vector<16xi32>
      %swap3A_191 = arith.constant 0 : index
      %swap3A_192 = tpu.vector_load %arg7[%swap3A_191] {strides = array<i32>} : memref<16xi32, #tpu.memory_space<vmem>>, vector<16xi32>,
      tpu.vector_store %arg7[%swap3A_191], %add3A_190 {strides = array<i32>} : memref<16xi32, #tpu.memory_space<vmem>>, vector<16xi32>,
      %xor3A_193 = arith.constant 4 : i32
      %xor3A_194 = vector.broadcast %xor3A_193 : i32 to vector<16xi32>
      %xor3A_195 = arith.xori %iota3A, %xor3A_194 : vector<16xi32>
      %gather3A_196 = tpu.vector_load_idx %arg7[%xor3A_195] : memref<16xi32, #tpu.memory_space<vmem>>[vector<16xi32>], vector<16xi32>,
      %add3A_197 = arith.addi %add3A_190, %gather3A_196 : vector<16xi32>
      %swap3A_198 = arith.constant 0 : index
      %swap3A_199 = tpu.vector_load %arg7[%swap3A_198] {strides = array<i32>} : memref<16xi32, #tpu.memory_space<vmem>>, vector<16xi32>,
      tpu.vector_store %arg7[%swap3A_198], %add3A_197 {strides = array<i32>} : memref<16xi32, #tpu.memory_space<vmem>>, vector<16xi32>,
      %xor3A_200 = arith.constant 2 : i32
      %xor3A_201 = vector.broadcast %xor3A_200 : i32 to vector<16xi32>
      %xor3A_202 = arith.xori %iota3A, %xor3A_201 : vector<16xi32>
      %gather3A_203 = tpu.vector_load_idx %arg7[%xor3A_202] : memref<16xi32, #tpu.memory_space<vmem>>[vector<16xi32>], vector<16xi32>,
      %add3A_204 = arith.addi %add3A_197, %gather3A_203 : vector<16xi32>
      %swap3A_205 = arith.constant 0 : index
      %swap3A_206 = tpu.vector_load %arg7[%swap3A_205] {strides = array<i32>} : memref<16xi32, #tpu.memory_space<vmem>>, vector<16xi32>,
      tpu.vector_store %arg7[%swap3A_205], %add3A_204 {strides = array<i32>} : memref<16xi32, #tpu.memory_space<vmem>>, vector<16xi32>,
      %xor3A_207 = arith.constant 1 : i32
      %xor3A_208 = vector.broadcast %xor3A_207 : i32 to vector<16xi32>
      %xor3A_209 = arith.xori %iota3A, %xor3A_208 : vector<16xi32>
      %gather3A_210 = tpu.vector_load_idx %arg7[%xor3A_209] : memref<16xi32, #tpu.memory_space<vmem>>[vector<16xi32>], vector<16xi32>,
      %add3A_211 = arith.addi %add3A_204, %gather3A_210 : vector<16xi32>
      %select_n3A_212 = arith.select %eq3A_183, %add3A_211, %select_n3A_180 : vector<16xi1>, vector<16xi32>
      %eq3A_213 = arith.constant 4 : i32
      %eq3A_214 = vector.broadcast %eq3A_213 : i32 to vector<16xi32>
      %eq3A_215 = arith.cmpi eq, %iota3A, %eq3A_214 : vector<16xi32>
      %swap3A_216 = arith.constant 0 : index
      %swap3A_217 = tpu.vector_load %arg7[%swap3A_216] {strides = array<i32>} : memref<16xi32, #tpu.memory_space<vmem>>, vector<16xi32>,
      tpu.vector_store %arg7[%swap3A_216], %scan3A_115#3 {strides = array<i32>} : memref<16xi32, #tpu.memory_space<vmem>>, vector<16xi32>,
      %xor3A_218 = arith.constant 8 : i32
      %xor3A_219 = vector.broadcast %xor3A_218 : i32 to vector<16xi32>
      %xor3A_220 = arith.xori %iota3A, %xor3A_219 : vector<16xi32>
      %gather3A_221 = tpu.vector_load_idx %arg7[%xor3A_220] : memref<16xi32, #tpu.memory_space<vmem>>[vector<16xi32>], vector<16xi32>,
      %add3A_222 = arith.addi %scan3A_115#3, %gather3A_221 : vector<16xi32>
      %swap3A_223 = arith.constant 0 : index
      %swap3A_224 = tpu.vector_load %arg7[%swap3A_223] {strides = array<i32>} : memref<16xi32, #tpu.memory_space<vmem>>, vector<16xi32>,
      tpu.vector_store %arg7[%swap3A_223], %add3A_222 {strides = array<i32>} : memref<16xi32, #tpu.memory_space<vmem>>, vector<16xi32>,
      %xor3A_225 = arith.constant 4 : i32
      %xor3A_226 = vector.broadcast %xor3A_225 : i32 to vector<16xi32>
      %xor3A_227 = arith.xori %iota3A, %xor3A_226 : vector<16xi32>
      %gather3A_228 = tpu.vector_load_idx %arg7[%xor3A_227] : memref<16xi32, #tpu.memory_space<vmem>>[vector<16xi32>], vector<16xi32>,
      %add3A_229 = arith.addi %add3A_222, %gather3A_228 : vector<16xi32>
      %swap3A_230 = arith.constant 0 : index
      %swap3A_231 = tpu.vector_load %arg7[%swap3A_230] {strides = array<i32>} : memref<16xi32, #tpu.memory_space<vmem>>, vector<16xi32>,
      tpu.vector_store %arg7[%swap3A_230], %add3A_229 {strides = array<i32>} : memref<16xi32, #tpu.memory_space<vmem>>, vector<16xi32>,
      %xor3A_232 = arith.constant 2 : i32
      %xor3A_233 = vector.broadcast %xor3A_232 : i32 to vector<16xi32>
      %xor3A_234 = arith.xori %iota3A, %xor3A_233 : vector<16xi32>
      %gather3A_235 = tpu.vector_load_idx %arg7[%xor3A_234] : memref<16xi32, #tpu.memory_space<vmem>>[vector<16xi32>], vector<16xi32>,
      %add3A_236 = arith.addi %add3A_229, %gather3A_235 : vector<16xi32>
      %swap3A_237 = arith.constant 0 : index
      %swap3A_238 = tpu.vector_load %arg7[%swap3A_237] {strides = array<i32>} : memref<16xi32, #tpu.memory_space<vmem>>, vector<16xi32>,
      tpu.vector_store %arg7[%swap3A_237], %add3A_236 {strides = array<i32>} : memref<16xi32, #tpu.memory_space<vmem>>, vector<16xi32>,
      %xor3A_239 = arith.constant 1 : i32
      %xor3A_240 = vector.broadcast %xor3A_239 : i32 to vector<16xi32>
      %xor3A_241 = arith.xori %iota3A, %xor3A_240 : vector<16xi32>
      %gather3A_242 = tpu.vector_load_idx %arg7[%xor3A_241] : memref<16xi32, #tpu.memory_space<vmem>>[vector<16xi32>], vector<16xi32>,
      %add3A_243 = arith.addi %add3A_236, %gather3A_242 : vector<16xi32>
      %select_n3A_244 = arith.select %eq3A_215, %add3A_243, %select_n3A_212 : vector<16xi1>, vector<16xi32>
      %eq3A_245 = arith.constant 5 : i32
      %eq3A_246 = vector.broadcast %eq3A_245 : i32 to vector<16xi32>
      %eq3A_247 = arith.cmpi eq, %iota3A, %eq3A_246 : vector<16xi32>
      %swap3A_248 = arith.constant 0 : index
      %swap3A_249 = tpu.vector_load %arg7[%swap3A_248] {strides = array<i32>} : memref<16xi32, #tpu.memory_space<vmem>>, vector<16xi32>,
      tpu.vector_store %arg7[%swap3A_248], %scan3A_115#4 {strides = array<i32>} : memref<16xi32, #tpu.memory_space<vmem>>, vector<16xi32>,
      %xor3A_250 = arith.constant 8 : i32
      %xor3A_251 = vector.broadcast %xor3A_250 : i32 to vector<16xi32>
      %xor3A_252 = arith.xori %iota3A, %xor3A_251 : vector<16xi32>
      %gather3A_253 = tpu.vector_load_idx %arg7[%xor3A_252] : memref<16xi32, #tpu.memory_space<vmem>>[vector<16xi32>], vector<16xi32>,
      %add3A_254 = arith.addi %scan3A_115#4, %gather3A_253 : vector<16xi32>
      %swap3A_255 = arith.constant 0 : index
      %swap3A_256 = tpu.vector_load %arg7[%swap3A_255] {strides = array<i32>} : memref<16xi32, #tpu.memory_space<vmem>>, vector<16xi32>,
      tpu.vector_store %arg7[%swap3A_255], %add3A_254 {strides = array<i32>} : memref<16xi32, #tpu.memory_space<vmem>>, vector<16xi32>,
      %xor3A_257 = arith.constant 4 : i32
      %xor3A_258 = vector.broadcast %xor3A_257 : i32 to vector<16xi32>
      %xor3A_259 = arith.xori %iota3A, %xor3A_258 : vector<16xi32>
      %gather3A_260 = tpu.vector_load_idx %arg7[%xor3A_259] : memref<16xi32, #tpu.memory_space<vmem>>[vector<16xi32>], vector<16xi32>,
      %add3A_261 = arith.addi %add3A_254, %gather3A_260 : vector<16xi32>
      %swap3A_262 = arith.constant 0 : index
      %swap3A_263 = tpu.vector_load %arg7[%swap3A_262] {strides = array<i32>} : memref<16xi32, #tpu.memory_space<vmem>>, vector<16xi32>,
      tpu.vector_store %arg7[%swap3A_262], %add3A_261 {strides = array<i32>} : memref<16xi32, #tpu.memory_space<vmem>>, vector<16xi32>,
      %xor3A_264 = arith.constant 2 : i32
      %xor3A_265 = vector.broadcast %xor3A_264 : i32 to vector<16xi32>
      %xor3A_266 = arith.xori %iota3A, %xor3A_265 : vector<16xi32>
      %gather3A_267 = tpu.vector_load_idx %arg7[%xor3A_266] : memref<16xi32, #tpu.memory_space<vmem>>[vector<16xi32>], vector<16xi32>,
      %add3A_268 = arith.addi %add3A_261, %gather3A_267 : vector<16xi32>
      %swap3A_269 = arith.constant 0 : index
      %swap3A_270 = tpu.vector_load %arg7[%swap3A_269] {strides = array<i32>} : memref<16xi32, #tpu.memory_space<vmem>>, vector<16xi32>,
      tpu.vector_store %arg7[%swap3A_269], %add3A_268 {strides = array<i32>} : memref<16xi32, #tpu.memory_space<vmem>>, vector<16xi32>,
      %xor3A_271 = arith.constant 1 : i32
      %xor3A_272 = vector.broadcast %xor3A_271 : i32 to vector<16xi32>
      %xor3A_273 = arith.xori %iota3A, %xor3A_272 : vector<16xi32>
      %gather3A_274 = tpu.vector_load_idx %arg7[%xor3A_273] : memref<16xi32, #tpu.memory_space<vmem>>[vector<16xi32>], vector<16xi32>,
      %add3A_275 = arith.addi %add3A_268, %gather3A_274 : vector<16xi32>
      %select_n3A_276 = arith.select %eq3A_247, %add3A_275, %select_n3A_244 : vector<16xi1>, vector<16xi32>
      %eq3A_277 = arith.constant 6 : i32
      %eq3A_278 = vector.broadcast %eq3A_277 : i32 to vector<16xi32>
      %eq3A_279 = arith.cmpi eq, %iota3A, %eq3A_278 : vector<16xi32>
      %swap3A_280 = arith.constant 0 : index
      %swap3A_281 = tpu.vector_load %arg7[%swap3A_280] {strides = array<i32>} : memref<16xi32, #tpu.memory_space<vmem>>, vector<16xi32>,
      tpu.vector_store %arg7[%swap3A_280], %scan3A_115#5 {strides = array<i32>} : memref<16xi32, #tpu.memory_space<vmem>>, vector<16xi32>,
      %xor3A_282 = arith.constant 8 : i32
      %xor3A_283 = vector.broadcast %xor3A_282 : i32 to vector<16xi32>
      %xor3A_284 = arith.xori %iota3A, %xor3A_283 : vector<16xi32>
      %gather3A_285 = tpu.vector_load_idx %arg7[%xor3A_284] : memref<16xi32, #tpu.memory_space<vmem>>[vector<16xi32>], vector<16xi32>,
      %add3A_286 = arith.addi %scan3A_115#5, %gather3A_285 : vector<16xi32>
      %swap3A_287 = arith.constant 0 : index
      %swap3A_288 = tpu.vector_load %arg7[%swap3A_287] {strides = array<i32>} : memref<16xi32, #tpu.memory_space<vmem>>, vector<16xi32>,
      tpu.vector_store %arg7[%swap3A_287], %add3A_286 {strides = array<i32>} : memref<16xi32, #tpu.memory_space<vmem>>, vector<16xi32>,
      %xor3A_289 = arith.constant 4 : i32
      %xor3A_290 = vector.broadcast %xor3A_289 : i32 to vector<16xi32>
      %xor3A_291 = arith.xori %iota3A, %xor3A_290 : vector<16xi32>
      %gather3A_292 = tpu.vector_load_idx %arg7[%xor3A_291] : memref<16xi32, #tpu.memory_space<vmem>>[vector<16xi32>], vector<16xi32>,
      %add3A_293 = arith.addi %add3A_286, %gather3A_292 : vector<16xi32>
      %swap3A_294 = arith.constant 0 : index
      %swap3A_295 = tpu.vector_load %arg7[%swap3A_294] {strides = array<i32>} : memref<16xi32, #tpu.memory_space<vmem>>, vector<16xi32>,
      tpu.vector_store %arg7[%swap3A_294], %add3A_293 {strides = array<i32>} : memref<16xi32, #tpu.memory_space<vmem>>, vector<16xi32>,
      %xor3A_296 = arith.constant 2 : i32
      %xor3A_297 = vector.broadcast %xor3A_296 : i32 to vector<16xi32>
      %xor3A_298 = arith.xori %iota3A, %xor3A_297 : vector<16xi32>
      %gather3A_299 = tpu.vector_load_idx %arg7[%xor3A_298] : memref<16xi32, #tpu.memory_space<vmem>>[vector<16xi32>], vector<16xi32>,
      %add3A_300 = arith.addi %add3A_293, %gather3A_299 : vector<16xi32>
      %swap3A_301 = arith.constant 0 : index
      %swap3A_302 = tpu.vector_load %arg7[%swap3A_301] {strides = array<i32>} : memref<16xi32, #tpu.memory_space<vmem>>, vector<16xi32>,
      tpu.vector_store %arg7[%swap3A_301], %add3A_300 {strides = array<i32>} : memref<16xi32, #tpu.memory_space<vmem>>, vector<16xi32>,
      %xor3A_303 = arith.constant 1 : i32
      %xor3A_304 = vector.broadcast %xor3A_303 : i32 to vector<16xi32>
      %xor3A_305 = arith.xori %iota3A, %xor3A_304 : vector<16xi32>
      %gather3A_306 = tpu.vector_load_idx %arg7[%xor3A_305] : memref<16xi32, #tpu.memory_space<vmem>>[vector<16xi32>], vector<16xi32>,
      %add3A_307 = arith.addi %add3A_300, %gather3A_306 : vector<16xi32>
      %select_n3A_308 = arith.select %eq3A_279, %add3A_307, %select_n3A_276 : vector<16xi1>, vector<16xi32>
      %eq3A_309 = arith.constant 7 : i32
      %eq3A_310 = vector.broadcast %eq3A_309 : i32 to vector<16xi32>
      %eq3A_311 = arith.cmpi eq, %iota3A, %eq3A_310 : vector<16xi32>
      %swap3A_312 = arith.constant 0 : index
      %swap3A_313 = tpu.vector_load %arg7[%swap3A_312] {strides = array<i32>} : memref<16xi32, #tpu.memory_space<vmem>>, vector<16xi32>,
      tpu.vector_store %arg7[%swap3A_312], %scan3A_115#6 {strides = array<i32>} : memref<16xi32, #tpu.memory_space<vmem>>, vector<16xi32>,
      %xor3A_314 = arith.constant 8 : i32
      %xor3A_315 = vector.broadcast %xor3A_314 : i32 to vector<16xi32>
      %xor3A_316 = arith.xori %iota3A, %xor3A_315 : vector<16xi32>
      %gather3A_317 = tpu.vector_load_idx %arg7[%xor3A_316] : memref<16xi32, #tpu.memory_space<vmem>>[vector<16xi32>], vector<16xi32>,
      %add3A_318 = arith.addi %scan3A_115#6, %gather3A_317 : vector<16xi32>
      %swap3A_319 = arith.constant 0 : index
      %swap3A_320 = tpu.vector_load %arg7[%swap3A_319] {strides = array<i32>} : memref<16xi32, #tpu.memory_space<vmem>>, vector<16xi32>,
      tpu.vector_store %arg7[%swap3A_319], %add3A_318 {strides = array<i32>} : memref<16xi32, #tpu.memory_space<vmem>>, vector<16xi32>,
      %xor3A_321 = arith.constant 4 : i32
      %xor3A_322 = vector.broadcast %xor3A_321 : i32 to vector<16xi32>
      %xor3A_323 = arith.xori %iota3A, %xor3A_322 : vector<16xi32>
      %gather3A_324 = tpu.vector_load_idx %arg7[%xor3A_323] : memref<16xi32, #tpu.memory_space<vmem>>[vector<16xi32>], vector<16xi32>,
      %add3A_325 = arith.addi %add3A_318, %gather3A_324 : vector<16xi32>
      %swap3A_326 = arith.constant 0 : index
      %swap3A_327 = tpu.vector_load %arg7[%swap3A_326] {strides = array<i32>} : memref<16xi32, #tpu.memory_space<vmem>>, vector<16xi32>,
      tpu.vector_store %arg7[%swap3A_326], %add3A_325 {strides = array<i32>} : memref<16xi32, #tpu.memory_space<vmem>>, vector<16xi32>,
      %xor3A_328 = arith.constant 2 : i32
      %xor3A_329 = vector.broadcast %xor3A_328 : i32 to vector<16xi32>
      %xor3A_330 = arith.xori %iota3A, %xor3A_329 : vector<16xi32>
      %gather3A_331 = tpu.vector_load_idx %arg7[%xor3A_330] : memref<16xi32, #tpu.memory_space<vmem>>[vector<16xi32>], vector<16xi32>,
      %add3A_332 = arith.addi %add3A_325, %gather3A_331 : vector<16xi32>
      %swap3A_333 = arith.constant 0 : index
      %swap3A_334 = tpu.vector_load %arg7[%swap3A_333] {strides = array<i32>} : memref<16xi32, #tpu.memory_space<vmem>>, vector<16xi32>,
      tpu.vector_store %arg7[%swap3A_333], %add3A_332 {strides = array<i32>} : memref<16xi32, #tpu.memory_space<vmem>>, vector<16xi32>,
      %xor3A_335 = arith.constant 1 : i32
      %xor3A_336 = vector.broadcast %xor3A_335 : i32 to vector<16xi32>
      %xor3A_337 = arith.xori %iota3A, %xor3A_336 : vector<16xi32>
      %gather3A_338 = tpu.vector_load_idx %arg7[%xor3A_337] : memref<16xi32, #tpu.memory_space<vmem>>[vector<16xi32>], vector<16xi32>,
      %add3A_339 = arith.addi %add3A_332, %gather3A_338 : vector<16xi32>
      %select_n3A_340 = arith.select %eq3A_311, %add3A_339, %select_n3A_308 : vector<16xi1>, vector<16xi32>
      %eq3A_341 = arith.constant 8 : i32
      %eq3A_342 = vector.broadcast %eq3A_341 : i32 to vector<16xi32>
      %eq3A_343 = arith.cmpi eq, %iota3A, %eq3A_342 : vector<16xi32>
      %swap3A_344 = arith.constant 0 : index
      %swap3A_345 = tpu.vector_load %arg7[%swap3A_344] {strides = array<i32>} : memref<16xi32, #tpu.memory_space<vmem>>, vector<16xi32>,
      tpu.vector_store %arg7[%swap3A_344], %scan3A_115#7 {strides = array<i32>} : memref<16xi32, #tpu.memory_space<vmem>>, vector<16xi32>,
      %xor3A_346 = arith.constant 8 : i32
      %xor3A_347 = vector.broadcast %xor3A_346 : i32 to vector<16xi32>
      %xor3A_348 = arith.xori %iota3A, %xor3A_347 : vector<16xi32>
      %gather3A_349 = tpu.vector_load_idx %arg7[%xor3A_348] : memref<16xi32, #tpu.memory_space<vmem>>[vector<16xi32>], vector<16xi32>,
      %add3A_350 = arith.addi %scan3A_115#7, %gather3A_349 : vector<16xi32>
      %swap3A_351 = arith.constant 0 : index
      %swap3A_352 = tpu.vector_load %arg7[%swap3A_351] {strides = array<i32>} : memref<16xi32, #tpu.memory_space<vmem>>, vector<16xi32>,
      tpu.vector_store %arg7[%swap3A_351], %add3A_350 {strides = array<i32>} : memref<16xi32, #tpu.memory_space<vmem>>, vector<16xi32>,
      %xor3A_353 = arith.constant 4 : i32
      %xor3A_354 = vector.broadcast %xor3A_353 : i32 to vector<16xi32>
      %xor3A_355 = arith.xori %iota3A, %xor3A_354 : vector<16xi32>
      %gather3A_356 = tpu.vector_load_idx %arg7[%xor3A_355] : memref<16xi32, #tpu.memory_space<vmem>>[vector<16xi32>], vector<16xi32>,
      %add3A_357 = arith.addi %add3A_350, %gather3A_356 : vector<16xi32>
      %swap3A_358 = arith.constant 0 : index
      %swap3A_359 = tpu.vector_load %arg7[%swap3A_358] {strides = array<i32>} : memref<16xi32, #tpu.memory_space<vmem>>, vector<16xi32>,
      tpu.vector_store %arg7[%swap3A_358], %add3A_357 {strides = array<i32>} : memref<16xi32, #tpu.memory_space<vmem>>, vector<16xi32>,
      %xor3A_360 = arith.constant 2 : i32
      %xor3A_361 = vector.broadcast %xor3A_360 : i32 to vector<16xi32>
      %xor3A_362 = arith.xori %iota3A, %xor3A_361 : vector<16xi32>
      %gather3A_363 = tpu.vector_load_idx %arg7[%xor3A_362] : memref<16xi32, #tpu.memory_space<vmem>>[vector<16xi32>], vector<16xi32>,
      %add3A_364 = arith.addi %add3A_357, %gather3A_363 : vector<16xi32>
      %swap3A_365 = arith.constant 0 : index
      %swap3A_366 = tpu.vector_load %arg7[%swap3A_365] {strides = array<i32>} : memref<16xi32, #tpu.memory_space<vmem>>, vector<16xi32>,
      tpu.vector_store %arg7[%swap3A_365], %add3A_364 {strides = array<i32>} : memref<16xi32, #tpu.memory_space<vmem>>, vector<16xi32>,
      %xor3A_367 = arith.constant 1 : i32
      %xor3A_368 = vector.broadcast %xor3A_367 : i32 to vector<16xi32>
      %xor3A_369 = arith.xori %iota3A, %xor3A_368 : vector<16xi32>
      %gather3A_370 = tpu.vector_load_idx %arg7[%xor3A_369] : memref<16xi32, #tpu.memory_space<vmem>>[vector<16xi32>], vector<16xi32>,
      %add3A_371 = arith.addi %add3A_364, %gather3A_370 : vector<16xi32>
      %select_n3A_372 = arith.select %eq3A_343, %add3A_371, %select_n3A_340 : vector<16xi1>, vector<16xi32>
      %eq3A_373 = arith.constant 9 : i32
      %eq3A_374 = vector.broadcast %eq3A_373 : i32 to vector<16xi32>
      %eq3A_375 = arith.cmpi eq, %iota3A, %eq3A_374 : vector<16xi32>
      %swap3A_376 = arith.constant 0 : index
      %swap3A_377 = tpu.vector_load %arg7[%swap3A_376] {strides = array<i32>} : memref<16xi32, #tpu.memory_space<vmem>>, vector<16xi32>,
      tpu.vector_store %arg7[%swap3A_376], %scan3A_115#8 {strides = array<i32>} : memref<16xi32, #tpu.memory_space<vmem>>, vector<16xi32>,
      %xor3A_378 = arith.constant 8 : i32
      %xor3A_379 = vector.broadcast %xor3A_378 : i32 to vector<16xi32>
      %xor3A_380 = arith.xori %iota3A, %xor3A_379 : vector<16xi32>
      %gather3A_381 = tpu.vector_load_idx %arg7[%xor3A_380] : memref<16xi32, #tpu.memory_space<vmem>>[vector<16xi32>], vector<16xi32>,
      %add3A_382 = arith.addi %scan3A_115#8, %gather3A_381 : vector<16xi32>
      %swap3A_383 = arith.constant 0 : index
      %swap3A_384 = tpu.vector_load %arg7[%swap3A_383] {strides = array<i32>} : memref<16xi32, #tpu.memory_space<vmem>>, vector<16xi32>,
      tpu.vector_store %arg7[%swap3A_383], %add3A_382 {strides = array<i32>} : memref<16xi32, #tpu.memory_space<vmem>>, vector<16xi32>,
      %xor3A_385 = arith.constant 4 : i32
      %xor3A_386 = vector.broadcast %xor3A_385 : i32 to vector<16xi32>
      %xor3A_387 = arith.xori %iota3A, %xor3A_386 : vector<16xi32>
      %gather3A_388 = tpu.vector_load_idx %arg7[%xor3A_387] : memref<16xi32, #tpu.memory_space<vmem>>[vector<16xi32>], vector<16xi32>,
      %add3A_389 = arith.addi %add3A_382, %gather3A_388 : vector<16xi32>
      %swap3A_390 = arith.constant 0 : index
      %swap3A_391 = tpu.vector_load %arg7[%swap3A_390] {strides = array<i32>} : memref<16xi32, #tpu.memory_space<vmem>>, vector<16xi32>,
      tpu.vector_store %arg7[%swap3A_390], %add3A_389 {strides = array<i32>} : memref<16xi32, #tpu.memory_space<vmem>>, vector<16xi32>,
      %xor3A_392 = arith.constant 2 : i32
      %xor3A_393 = vector.broadcast %xor3A_392 : i32 to vector<16xi32>
      %xor3A_394 = arith.xori %iota3A, %xor3A_393 : vector<16xi32>
      %gather3A_395 = tpu.vector_load_idx %arg7[%xor3A_394] : memref<16xi32, #tpu.memory_space<vmem>>[vector<16xi32>], vector<16xi32>,
      %add3A_396 = arith.addi %add3A_389, %gather3A_395 : vector<16xi32>
      %swap3A_397 = arith.constant 0 : index
      %swap3A_398 = tpu.vector_load %arg7[%swap3A_397] {strides = array<i32>} : memref<16xi32, #tpu.memory_space<vmem>>, vector<16xi32>,
      tpu.vector_store %arg7[%swap3A_397], %add3A_396 {strides = array<i32>} : memref<16xi32, #tpu.memory_space<vmem>>, vector<16xi32>,
      %xor3A_399 = arith.constant 1 : i32
      %xor3A_400 = vector.broadcast %xor3A_399 : i32 to vector<16xi32>
      %xor3A_401 = arith.xori %iota3A, %xor3A_400 : vector<16xi32>
      %gather3A_402 = tpu.vector_load_idx %arg7[%xor3A_401] : memref<16xi32, #tpu.memory_space<vmem>>[vector<16xi32>], vector<16xi32>,
      %add3A_403 = arith.addi %add3A_396, %gather3A_402 : vector<16xi32>
      %select_n3A_404 = arith.select %eq3A_375, %add3A_403, %select_n3A_372 : vector<16xi1>, vector<16xi32>
      %eq3A_405 = arith.constant 10 : i32
      %eq3A_406 = vector.broadcast %eq3A_405 : i32 to vector<16xi32>
      %eq3A_407 = arith.cmpi eq, %iota3A, %eq3A_406 : vector<16xi32>
      %swap3A_408 = arith.constant 0 : index
      %swap3A_409 = tpu.vector_load %arg7[%swap3A_408] {strides = array<i32>} : memref<16xi32, #tpu.memory_space<vmem>>, vector<16xi32>,
      tpu.vector_store %arg7[%swap3A_408], %scan3A_115#9 {strides = array<i32>} : memref<16xi32, #tpu.memory_space<vmem>>, vector<16xi32>,
      %xor3A_410 = arith.constant 8 : i32
      %xor3A_411 = vector.broadcast %xor3A_410 : i32 to vector<16xi32>
      %xor3A_412 = arith.xori %iota3A, %xor3A_411 : vector<16xi32>
      %gather3A_413 = tpu.vector_load_idx %arg7[%xor3A_412] : memref<16xi32, #tpu.memory_space<vmem>>[vector<16xi32>], vector<16xi32>,
      %add3A_414 = arith.addi %scan3A_115#9, %gather3A_413 : vector<16xi32>
      %swap3A_415 = arith.constant 0 : index
      %swap3A_416 = tpu.vector_load %arg7[%swap3A_415] {strides = array<i32>} : memref<16xi32, #tpu.memory_space<vmem>>, vector<16xi32>,
      tpu.vector_store %arg7[%swap3A_415], %add3A_414 {strides = array<i32>} : memref<16xi32, #tpu.memory_space<vmem>>, vector<16xi32>,
      %xor3A_417 = arith.constant 4 : i32
      %xor3A_418 = vector.broadcast %xor3A_417 : i32 to vector<16xi32>
      %xor3A_419 = arith.xori %iota3A, %xor3A_418 : vector<16xi32>
      %gather3A_420 = tpu.vector_load_idx %arg7[%xor3A_419] : memref<16xi32, #tpu.memory_space<vmem>>[vector<16xi32>], vector<16xi32>,
      %add3A_421 = arith.addi %add3A_414, %gather3A_420 : vector<16xi32>
      %swap3A_422 = arith.constant 0 : index
      %swap3A_423 = tpu.vector_load %arg7[%swap3A_422] {strides = array<i32>} : memref<16xi32, #tpu.memory_space<vmem>>, vector<16xi32>,
      tpu.vector_store %arg7[%swap3A_422], %add3A_421 {strides = array<i32>} : memref<16xi32, #tpu.memory_space<vmem>>, vector<16xi32>,
      %xor3A_424 = arith.constant 2 : i32
      %xor3A_425 = vector.broadcast %xor3A_424 : i32 to vector<16xi32>
      %xor3A_426 = arith.xori %iota3A, %xor3A_425 : vector<16xi32>
      %gather3A_427 = tpu.vector_load_idx %arg7[%xor3A_426] : memref<16xi32, #tpu.memory_space<vmem>>[vector<16xi32>], vector<16xi32>,
      %add3A_428 = arith.addi %add3A_421, %gather3A_427 : vector<16xi32>
      %swap3A_429 = arith.constant 0 : index
      %swap3A_430 = tpu.vector_load %arg7[%swap3A_429] {strides = array<i32>} : memref<16xi32, #tpu.memory_space<vmem>>, vector<16xi32>,
      tpu.vector_store %arg7[%swap3A_429], %add3A_428 {strides = array<i32>} : memref<16xi32, #tpu.memory_space<vmem>>, vector<16xi32>,
      %xor3A_431 = arith.constant 1 : i32
      %xor3A_432 = vector.broadcast %xor3A_431 : i32 to vector<16xi32>
      %xor3A_433 = arith.xori %iota3A, %xor3A_432 : vector<16xi32>
      %gather3A_434 = tpu.vector_load_idx %arg7[%xor3A_433] : memref<16xi32, #tpu.memory_space<vmem>>[vector<16xi32>], vector<16xi32>,
      %add3A_435 = arith.addi %add3A_428, %gather3A_434 : vector<16xi32>
      %select_n3A_436 = arith.select %eq3A_407, %add3A_435, %select_n3A_404 : vector<16xi1>, vector<16xi32>
      %eq3A_437 = arith.constant 11 : i32
      %eq3A_438 = vector.broadcast %eq3A_437 : i32 to vector<16xi32>
      %eq3A_439 = arith.cmpi eq, %iota3A, %eq3A_438 : vector<16xi32>
      %swap3A_440 = arith.constant 0 : index
      %swap3A_441 = tpu.vector_load %arg7[%swap3A_440] {strides = array<i32>} : memref<16xi32, #tpu.memory_space<vmem>>, vector<16xi32>,
      tpu.vector_store %arg7[%swap3A_440], %scan3A_115#10 {strides = array<i32>} : memref<16xi32, #tpu.memory_space<vmem>>, vector<16xi32>,
      %xor3A_442 = arith.constant 8 : i32
      %xor3A_443 = vector.broadcast %xor3A_442 : i32 to vector<16xi32>
      %xor3A_444 = arith.xori %iota3A, %xor3A_443 : vector<16xi32>
      %gather3A_445 = tpu.vector_load_idx %arg7[%xor3A_444] : memref<16xi32, #tpu.memory_space<vmem>>[vector<16xi32>], vector<16xi32>,
      %add3A_446 = arith.addi %scan3A_115#10, %gather3A_445 : vector<16xi32>
      %swap3A_447 = arith.constant 0 : index
      %swap3A_448 = tpu.vector_load %arg7[%swap3A_447] {strides = array<i32>} : memref<16xi32, #tpu.memory_space<vmem>>, vector<16xi32>,
      tpu.vector_store %arg7[%swap3A_447], %add3A_446 {strides = array<i32>} : memref<16xi32, #tpu.memory_space<vmem>>, vector<16xi32>,
      %xor3A_449 = arith.constant 4 : i32
      %xor3A_450 = vector.broadcast %xor3A_449 : i32 to vector<16xi32>
      %xor3A_451 = arith.xori %iota3A, %xor3A_450 : vector<16xi32>
      %gather3A_452 = tpu.vector_load_idx %arg7[%xor3A_451] : memref<16xi32, #tpu.memory_space<vmem>>[vector<16xi32>], vector<16xi32>,
      %add3A_453 = arith.addi %add3A_446, %gather3A_452 : vector<16xi32>
      %swap3A_454 = arith.constant 0 : index
      %swap3A_455 = tpu.vector_load %arg7[%swap3A_454] {strides = array<i32>} : memref<16xi32, #tpu.memory_space<vmem>>, vector<16xi32>,
      tpu.vector_store %arg7[%swap3A_454], %add3A_453 {strides = array<i32>} : memref<16xi32, #tpu.memory_space<vmem>>, vector<16xi32>,
      %xor3A_456 = arith.constant 2 : i32
      %xor3A_457 = vector.broadcast %xor3A_456 : i32 to vector<16xi32>
      %xor3A_458 = arith.xori %iota3A, %xor3A_457 : vector<16xi32>
      %gather3A_459 = tpu.vector_load_idx %arg7[%xor3A_458] : memref<16xi32, #tpu.memory_space<vmem>>[vector<16xi32>], vector<16xi32>,
      %add3A_460 = arith.addi %add3A_453, %gather3A_459 : vector<16xi32>
      %swap3A_461 = arith.constant 0 : index
      %swap3A_462 = tpu.vector_load %arg7[%swap3A_461] {strides = array<i32>} : memref<16xi32, #tpu.memory_space<vmem>>, vector<16xi32>,
      tpu.vector_store %arg7[%swap3A_461], %add3A_460 {strides = array<i32>} : memref<16xi32, #tpu.memory_space<vmem>>, vector<16xi32>,
      %xor3A_463 = arith.constant 1 : i32
      %xor3A_464 = vector.broadcast %xor3A_463 : i32 to vector<16xi32>
      %xor3A_465 = arith.xori %iota3A, %xor3A_464 : vector<16xi32>
      %gather3A_466 = tpu.vector_load_idx %arg7[%xor3A_465] : memref<16xi32, #tpu.memory_space<vmem>>[vector<16xi32>], vector<16xi32>,
      %add3A_467 = arith.addi %add3A_460, %gather3A_466 : vector<16xi32>
      %select_n3A_468 = arith.select %eq3A_439, %add3A_467, %select_n3A_436 : vector<16xi1>, vector<16xi32>
      %eq3A_469 = arith.constant 12 : i32
      %eq3A_470 = vector.broadcast %eq3A_469 : i32 to vector<16xi32>
      %eq3A_471 = arith.cmpi eq, %iota3A, %eq3A_470 : vector<16xi32>
      %swap3A_472 = arith.constant 0 : index
      %swap3A_473 = tpu.vector_load %arg7[%swap3A_472] {strides = array<i32>} : memref<16xi32, #tpu.memory_space<vmem>>, vector<16xi32>,
      tpu.vector_store %arg7[%swap3A_472], %scan3A_115#11 {strides = array<i32>} : memref<16xi32, #tpu.memory_space<vmem>>, vector<16xi32>,
      %xor3A_474 = arith.constant 8 : i32
      %xor3A_475 = vector.broadcast %xor3A_474 : i32 to vector<16xi32>
      %xor3A_476 = arith.xori %iota3A, %xor3A_475 : vector<16xi32>
      %gather3A_477 = tpu.vector_load_idx %arg7[%xor3A_476] : memref<16xi32, #tpu.memory_space<vmem>>[vector<16xi32>], vector<16xi32>,
      %add3A_478 = arith.addi %scan3A_115#11, %gather3A_477 : vector<16xi32>
      %swap3A_479 = arith.constant 0 : index
      %swap3A_480 = tpu.vector_load %arg7[%swap3A_479] {strides = array<i32>} : memref<16xi32, #tpu.memory_space<vmem>>, vector<16xi32>,
      tpu.vector_store %arg7[%swap3A_479], %add3A_478 {strides = array<i32>} : memref<16xi32, #tpu.memory_space<vmem>>, vector<16xi32>,
      %xor3A_481 = arith.constant 4 : i32
      %xor3A_482 = vector.broadcast %xor3A_481 : i32 to vector<16xi32>
      %xor3A_483 = arith.xori %iota3A, %xor3A_482 : vector<16xi32>
      %gather3A_484 = tpu.vector_load_idx %arg7[%xor3A_483] : memref<16xi32, #tpu.memory_space<vmem>>[vector<16xi32>], vector<16xi32>,
      %add3A_485 = arith.addi %add3A_478, %gather3A_484 : vector<16xi32>
      %swap3A_486 = arith.constant 0 : index
      %swap3A_487 = tpu.vector_load %arg7[%swap3A_486] {strides = array<i32>} : memref<16xi32, #tpu.memory_space<vmem>>, vector<16xi32>,
      tpu.vector_store %arg7[%swap3A_486], %add3A_485 {strides = array<i32>} : memref<16xi32, #tpu.memory_space<vmem>>, vector<16xi32>,
      %xor3A_488 = arith.constant 2 : i32
      %xor3A_489 = vector.broadcast %xor3A_488 : i32 to vector<16xi32>
      %xor3A_490 = arith.xori %iota3A, %xor3A_489 : vector<16xi32>
      %gather3A_491 = tpu.vector_load_idx %arg7[%xor3A_490] : memref<16xi32, #tpu.memory_space<vmem>>[vector<16xi32>], vector<16xi32>,
      %add3A_492 = arith.addi %add3A_485, %gather3A_491 : vector<16xi32>
      %swap3A_493 = arith.constant 0 : index
      %swap3A_494 = tpu.vector_load %arg7[%swap3A_493] {strides = array<i32>} : memref<16xi32, #tpu.memory_space<vmem>>, vector<16xi32>,
      tpu.vector_store %arg7[%swap3A_493], %add3A_492 {strides = array<i32>} : memref<16xi32, #tpu.memory_space<vmem>>, vector<16xi32>,
      %xor3A_495 = arith.constant 1 : i32
      %xor3A_496 = vector.broadcast %xor3A_495 : i32 to vector<16xi32>
      %xor3A_497 = arith.xori %iota3A, %xor3A_496 : vector<16xi32>
      %gather3A_498 = tpu.vector_load_idx %arg7[%xor3A_497] : memref<16xi32, #tpu.memory_space<vmem>>[vector<16xi32>], vector<16xi32>,
      %add3A_499 = arith.addi %add3A_492, %gather3A_498 : vector<16xi32>
      %select_n3A_500 = arith.select %eq3A_471, %add3A_499, %select_n3A_468 : vector<16xi1>, vector<16xi32>
      %eq3A_501 = arith.constant 13 : i32
      %eq3A_502 = vector.broadcast %eq3A_501 : i32 to vector<16xi32>
      %eq3A_503 = arith.cmpi eq, %iota3A, %eq3A_502 : vector<16xi32>
      %swap3A_504 = arith.constant 0 : index
      %swap3A_505 = tpu.vector_load %arg7[%swap3A_504] {strides = array<i32>} : memref<16xi32, #tpu.memory_space<vmem>>, vector<16xi32>,
      tpu.vector_store %arg7[%swap3A_504], %scan3A_115#12 {strides = array<i32>} : memref<16xi32, #tpu.memory_space<vmem>>, vector<16xi32>,
      %xor3A_506 = arith.constant 8 : i32
      %xor3A_507 = vector.broadcast %xor3A_506 : i32 to vector<16xi32>
      %xor3A_508 = arith.xori %iota3A, %xor3A_507 : vector<16xi32>
      %gather3A_509 = tpu.vector_load_idx %arg7[%xor3A_508] : memref<16xi32, #tpu.memory_space<vmem>>[vector<16xi32>], vector<16xi32>,
      %add3A_510 = arith.addi %scan3A_115#12, %gather3A_509 : vector<16xi32>
      %swap3A_511 = arith.constant 0 : index
      %swap3A_512 = tpu.vector_load %arg7[%swap3A_511] {strides = array<i32>} : memref<16xi32, #tpu.memory_space<vmem>>, vector<16xi32>,
      tpu.vector_store %arg7[%swap3A_511], %add3A_510 {strides = array<i32>} : memref<16xi32, #tpu.memory_space<vmem>>, vector<16xi32>,
      %xor3A_513 = arith.constant 4 : i32
      %xor3A_514 = vector.broadcast %xor3A_513 : i32 to vector<16xi32>
      %xor3A_515 = arith.xori %iota3A, %xor3A_514 : vector<16xi32>
      %gather3A_516 = tpu.vector_load_idx %arg7[%xor3A_515] : memref<16xi32, #tpu.memory_space<vmem>>[vector<16xi32>], vector<16xi32>,
      %add3A_517 = arith.addi %add3A_510, %gather3A_516 : vector<16xi32>
      %swap3A_518 = arith.constant 0 : index
      %swap3A_519 = tpu.vector_load %arg7[%swap3A_518] {strides = array<i32>} : memref<16xi32, #tpu.memory_space<vmem>>, vector<16xi32>,
      tpu.vector_store %arg7[%swap3A_518], %add3A_517 {strides = array<i32>} : memref<16xi32, #tpu.memory_space<vmem>>, vector<16xi32>,
      %xor3A_520 = arith.constant 2 : i32
      %xor3A_521 = vector.broadcast %xor3A_520 : i32 to vector<16xi32>
      %xor3A_522 = arith.xori %iota3A, %xor3A_521 : vector<16xi32>
      %gather3A_523 = tpu.vector_load_idx %arg7[%xor3A_522] : memref<16xi32, #tpu.memory_space<vmem>>[vector<16xi32>], vector<16xi32>,
      %add3A_524 = arith.addi %add3A_517, %gather3A_523 : vector<16xi32>
      %swap3A_525 = arith.constant 0 : index
      %swap3A_526 = tpu.vector_load %arg7[%swap3A_525] {strides = array<i32>} : memref<16xi32, #tpu.memory_space<vmem>>, vector<16xi32>,
      tpu.vector_store %arg7[%swap3A_525], %add3A_524 {strides = array<i32>} : memref<16xi32, #tpu.memory_space<vmem>>, vector<16xi32>,
      %xor3A_527 = arith.constant 1 : i32
      %xor3A_528 = vector.broadcast %xor3A_527 : i32 to vector<16xi32>
      %xor3A_529 = arith.xori %iota3A, %xor3A_528 : vector<16xi32>
      %gather3A_530 = tpu.vector_load_idx %arg7[%xor3A_529] : memref<16xi32, #tpu.memory_space<vmem>>[vector<16xi32>], vector<16xi32>,
      %add3A_531 = arith.addi %add3A_524, %gather3A_530 : vector<16xi32>
      %select_n3A_532 = arith.select %eq3A_503, %add3A_531, %select_n3A_500 : vector<16xi1>, vector<16xi32>
      %eq3A_533 = arith.constant 14 : i32
      %eq3A_534 = vector.broadcast %eq3A_533 : i32 to vector<16xi32>
      %eq3A_535 = arith.cmpi eq, %iota3A, %eq3A_534 : vector<16xi32>
      %swap3A_536 = arith.constant 0 : index
      %swap3A_537 = tpu.vector_load %arg7[%swap3A_536] {strides = array<i32>} : memref<16xi32, #tpu.memory_space<vmem>>, vector<16xi32>,
      tpu.vector_store %arg7[%swap3A_536], %scan3A_115#13 {strides = array<i32>} : memref<16xi32, #tpu.memory_space<vmem>>, vector<16xi32>,
      %xor3A_538 = arith.constant 8 : i32
      %xor3A_539 = vector.broadcast %xor3A_538 : i32 to vector<16xi32>
      %xor3A_540 = arith.xori %iota3A, %xor3A_539 : vector<16xi32>
      %gather3A_541 = tpu.vector_load_idx %arg7[%xor3A_540] : memref<16xi32, #tpu.memory_space<vmem>>[vector<16xi32>], vector<16xi32>,
      %add3A_542 = arith.addi %scan3A_115#13, %gather3A_541 : vector<16xi32>
      %swap3A_543 = arith.constant 0 : index
      %swap3A_544 = tpu.vector_load %arg7[%swap3A_543] {strides = array<i32>} : memref<16xi32, #tpu.memory_space<vmem>>, vector<16xi32>,
      tpu.vector_store %arg7[%swap3A_543], %add3A_542 {strides = array<i32>} : memref<16xi32, #tpu.memory_space<vmem>>, vector<16xi32>,
      %xor3A_545 = arith.constant 4 : i32
      %xor3A_546 = vector.broadcast %xor3A_545 : i32 to vector<16xi32>
      %xor3A_547 = arith.xori %iota3A, %xor3A_546 : vector<16xi32>
      %gather3A_548 = tpu.vector_load_idx %arg7[%xor3A_547] : memref<16xi32, #tpu.memory_space<vmem>>[vector<16xi32>], vector<16xi32>,
      %add3A_549 = arith.addi %add3A_542, %gather3A_548 : vector<16xi32>
      %swap3A_550 = arith.constant 0 : index
      %swap3A_551 = tpu.vector_load %arg7[%swap3A_550] {strides = array<i32>} : memref<16xi32, #tpu.memory_space<vmem>>, vector<16xi32>,
      tpu.vector_store %arg7[%swap3A_550], %add3A_549 {strides = array<i32>} : memref<16xi32, #tpu.memory_space<vmem>>, vector<16xi32>,
      %xor3A_552 = arith.constant 2 : i32
      %xor3A_553 = vector.broadcast %xor3A_552 : i32 to vector<16xi32>
      %xor3A_554 = arith.xori %iota3A, %xor3A_553 : vector<16xi32>
      %gather3A_555 = tpu.vector_load_idx %arg7[%xor3A_554] : memref<16xi32, #tpu.memory_space<vmem>>[vector<16xi32>], vector<16xi32>,
      %add3A_556 = arith.addi %add3A_549, %gather3A_555 : vector<16xi32>
      %swap3A_557 = arith.constant 0 : index
      %swap3A_558 = tpu.vector_load %arg7[%swap3A_557] {strides = array<i32>} : memref<16xi32, #tpu.memory_space<vmem>>, vector<16xi32>,
      tpu.vector_store %arg7[%swap3A_557], %add3A_556 {strides = array<i32>} : memref<16xi32, #tpu.memory_space<vmem>>, vector<16xi32>,
      %xor3A_559 = arith.constant 1 : i32
      %xor3A_560 = vector.broadcast %xor3A_559 : i32 to vector<16xi32>
      %xor3A_561 = arith.xori %iota3A, %xor3A_560 : vector<16xi32>
      %gather3A_562 = tpu.vector_load_idx %arg7[%xor3A_561] : memref<16xi32, #tpu.memory_space<vmem>>[vector<16xi32>], vector<16xi32>,
      %add3A_563 = arith.addi %add3A_556, %gather3A_562 : vector<16xi32>
      %select_n3A_564 = arith.select %eq3A_535, %add3A_563, %select_n3A_532 : vector<16xi1>, vector<16xi32>
      %eq3A_565 = arith.constant 15 : i32
      %eq3A_566 = vector.broadcast %eq3A_565 : i32 to vector<16xi32>
      %eq3A_567 = arith.cmpi eq, %iota3A, %eq3A_566 : vector<16xi32>
      %swap3A_568 = arith.constant 0 : index
      %swap3A_569 = tpu.vector_load %arg7[%swap3A_568] {strides = array<i32>} : memref<16xi32, #tpu.memory_space<vmem>>, vector<16xi32>,
      tpu.vector_store %arg7[%swap3A_568], %scan3A_115#14 {strides = array<i32>} : memref<16xi32, #tpu.memory_space<vmem>>, vector<16xi32>,
      %xor3A_570 = arith.constant 8 : i32
      %xor3A_571 = vector.broadcast %xor3A_570 : i32 to vector<16xi32>
      %xor3A_572 = arith.xori %iota3A, %xor3A_571 : vector<16xi32>
      %gather3A_573 = tpu.vector_load_idx %arg7[%xor3A_572] : memref<16xi32, #tpu.memory_space<vmem>>[vector<16xi32>], vector<16xi32>,
      %add3A_574 = arith.addi %scan3A_115#14, %gather3A_573 : vector<16xi32>
      %swap3A_575 = arith.constant 0 : index
      %swap3A_576 = tpu.vector_load %arg7[%swap3A_575] {strides = array<i32>} : memref<16xi32, #tpu.memory_space<vmem>>, vector<16xi32>,
      tpu.vector_store %arg7[%swap3A_575], %add3A_574 {strides = array<i32>} : memref<16xi32, #tpu.memory_space<vmem>>, vector<16xi32>,
      %xor3A_577 = arith.constant 4 : i32
      %xor3A_578 = vector.broadcast %xor3A_577 : i32 to vector<16xi32>
      %xor3A_579 = arith.xori %iota3A, %xor3A_578 : vector<16xi32>
      %gather3A_580 = tpu.vector_load_idx %arg7[%xor3A_579] : memref<16xi32, #tpu.memory_space<vmem>>[vector<16xi32>], vector<16xi32>,
      %add3A_581 = arith.addi %add3A_574, %gather3A_580 : vector<16xi32>
      %swap3A_582 = arith.constant 0 : index
      %swap3A_583 = tpu.vector_load %arg7[%swap3A_582] {strides = array<i32>} : memref<16xi32, #tpu.memory_space<vmem>>, vector<16xi32>,
      tpu.vector_store %arg7[%swap3A_582], %add3A_581 {strides = array<i32>} : memref<16xi32, #tpu.memory_space<vmem>>, vector<16xi32>,
      %xor3A_584 = arith.constant 2 : i32
      %xor3A_585 = vector.broadcast %xor3A_584 : i32 to vector<16xi32>
      %xor3A_586 = arith.xori %iota3A, %xor3A_585 : vector<16xi32>
      %gather3A_587 = tpu.vector_load_idx %arg7[%xor3A_586] : memref<16xi32, #tpu.memory_space<vmem>>[vector<16xi32>], vector<16xi32>,
      %add3A_588 = arith.addi %add3A_581, %gather3A_587 : vector<16xi32>
      %swap3A_589 = arith.constant 0 : index
      %swap3A_590 = tpu.vector_load %arg7[%swap3A_589] {strides = array<i32>} : memref<16xi32, #tpu.memory_space<vmem>>, vector<16xi32>,
      tpu.vector_store %arg7[%swap3A_589], %add3A_588 {strides = array<i32>} : memref<16xi32, #tpu.memory_space<vmem>>, vector<16xi32>,
      %xor3A_591 = arith.constant 1 : i32
      %xor3A_592 = vector.broadcast %xor3A_591 : i32 to vector<16xi32>
      %xor3A_593 = arith.xori %iota3A, %xor3A_592 : vector<16xi32>
      %gather3A_594 = tpu.vector_load_idx %arg7[%xor3A_593] : memref<16xi32, #tpu.memory_space<vmem>>[vector<16xi32>], vector<16xi32>,
      %add3A_595 = arith.addi %add3A_588, %gather3A_594 : vector<16xi32>
      %select_n3A_596 = arith.select %eq3A_567, %add3A_595, %select_n3A_564 : vector<16xi1>, vector<16xi32>
      %swap3A_597 = arith.constant 0 : index
      %swap3A_598 = tpu.vector_load %arg6[%swap3A_597] {strides = array<i32>} : memref<16xi32, #tpu.memory_space<vmem>>, vector<16xi32>,
      tpu.vector_store %arg6[%swap3A_597], %select_n3A_596 {strides = array<i32>} : memref<16xi32, #tpu.memory_space<vmem>>, vector<16xi32>,
      "tpu.region"() ({
        %run_scoped3A_642 = tpu.sem_alloc : memref<!tpu.dma_semaphore, #tpu.memory_space<semaphore_mem>>
        %dma_start3A = arith.constant 0 : i32
        %dma_start3A_643 = tpu.memref_slice %arg10[%scan3A_105, %arg1, %dma_start3A] : memref<13x16x16xi32, #tpu.memory_space<vmem_shared>> -> memref<1x1x16xi32, #tpu.memory_space<vmem_shared>>
        %dma_start3A_644 = tpu.memref_squeeze %dma_start3A_643 : memref<1x1x16xi32, #tpu.memory_space<vmem_shared>> -> memref<16xi32, #tpu.memory_space<vmem_shared>>
        %dma_start3A_645 = arith.constant 0 : i32
        %dma_start3A_646 = tpu.memref_slice %arg10[%scan3A_105, %arg1, %dma_start3A_645] : memref<13x16x16xi32, #tpu.memory_space<vmem_shared>> -> memref<1x1x16xi32, #tpu.memory_space<vmem_shared>>
        %dma_start3A_647 = tpu.memref_squeeze %dma_start3A_646 : memref<1x1x16xi32, #tpu.memory_space<vmem_shared>> -> memref<16xi32, #tpu.memory_space<vmem_shared>>
        tpu.enqueue_dma source(%arg6 : memref<16xi32, #tpu.memory_space<vmem>>) target(%dma_start3A_647 : memref<16xi32, #tpu.memory_space<vmem_shared>>) target_semaphore(%run_scoped3A_642 : memref<!tpu.dma_semaphore, #tpu.memory_space<semaphore_mem>>)
        %dma_wait3A = arith.constant 0 : i32
        %dma_wait3A_648 = tpu.memref_slice %arg10[%scan3A_105, %arg1, %dma_wait3A] : memref<13x16x16xi32, #tpu.memory_space<vmem_shared>> -> memref<1x1x16xi32, #tpu.memory_space<vmem_shared>>
        %dma_wait3A_649 = tpu.memref_squeeze %dma_wait3A_648 : memref<1x1x16xi32, #tpu.memory_space<vmem_shared>> -> memref<16xi32, #tpu.memory_space<vmem_shared>>
        %dma_wait3A_650 = arith.constant 0 : i32
        %dma_wait3A_651 = tpu.memref_slice %arg10[%scan3A_105, %arg1, %dma_wait3A_650] : memref<13x16x16xi32, #tpu.memory_space<vmem_shared>> -> memref<1x1x16xi32, #tpu.memory_space<vmem_shared>>
        %dma_wait3A_652 = tpu.memref_squeeze %dma_wait3A_651 : memref<1x1x16xi32, #tpu.memory_space<vmem_shared>> -> memref<16xi32, #tpu.memory_space<vmem_shared>>
        tpu.wait_dma2 semaphore(%run_scoped3A_642 : memref<!tpu.dma_semaphore, #tpu.memory_space<semaphore_mem>>) src(%arg6 : memref<16xi32, #tpu.memory_space<vmem>>) dst(%dma_wait3A_652 : memref<16xi32, #tpu.memory_space<vmem_shared>>)
        tpu.yield
      }) : () -> ()
      %barrier3A_599 = arith.constant 0 : index
      tpu.barrier barrier_id(%barrier3A_599)
      "tpu.region"() ({
        %run_scoped3A_642 = tpu.sem_alloc : memref<!tpu.dma_semaphore, #tpu.memory_space<semaphore_mem>>
        %dma_start3A = arith.constant 0 : i32
        %dma_start3A_643 = arith.constant 0 : i32
        %dma_start3A_644 = tpu.memref_slice %arg10[%scan3A_105, %dma_start3A, %dma_start3A_643] : memref<13x16x16xi32, #tpu.memory_space<vmem_shared>> -> memref<1x16x16xi32, #tpu.memory_space<vmem_shared>>
        %dma_start3A_645 = tpu.memref_squeeze %dma_start3A_644 : memref<1x16x16xi32, #tpu.memory_space<vmem_shared>> -> memref<16x16xi32, #tpu.memory_space<vmem_shared>>
        %dma_start3A_646 = arith.constant 0 : i32
        %dma_start3A_647 = arith.constant 0 : i32
        %dma_start3A_648 = tpu.memref_slice %arg10[%scan3A_105, %dma_start3A_646, %dma_start3A_647] : memref<13x16x16xi32, #tpu.memory_space<vmem_shared>> -> memref<1x16x16xi32, #tpu.memory_space<vmem_shared>>
        %dma_start3A_649 = tpu.memref_squeeze %dma_start3A_648 : memref<1x16x16xi32, #tpu.memory_space<vmem_shared>> -> memref<16x16xi32, #tpu.memory_space<vmem_shared>>
        tpu.enqueue_dma source(%dma_start3A_649 : memref<16x16xi32, #tpu.memory_space<vmem_shared>>) target(%arg8 : memref<16x16xi32, #tpu.memory_space<vmem>>) target_semaphore(%run_scoped3A_642 : memref<!tpu.dma_semaphore, #tpu.memory_space<semaphore_mem>>)
        %dma_wait3A = arith.constant 0 : i32
        %dma_wait3A_650 = arith.constant 0 : i32
        %dma_wait3A_651 = tpu.memref_slice %arg10[%scan3A_105, %dma_wait3A, %dma_wait3A_650] : memref<13x16x16xi32, #tpu.memory_space<vmem_shared>> -> memref<1x16x16xi32, #tpu.memory_space<vmem_shared>>
        %dma_wait3A_652 = tpu.memref_squeeze %dma_wait3A_651 : memref<1x16x16xi32, #tpu.memory_space<vmem_shared>> -> memref<16x16xi32, #tpu.memory_space<vmem_shared>>
        %dma_wait3A_653 = arith.constant 0 : i32
        %dma_wait3A_654 = arith.constant 0 : i32
        %dma_wait3A_655 = tpu.memref_slice %arg10[%scan3A_105, %dma_wait3A_653, %dma_wait3A_654] : memref<13x16x16xi32, #tpu.memory_space<vmem_shared>> -> memref<1x16x16xi32, #tpu.memory_space<vmem_shared>>
        %dma_wait3A_656 = tpu.memref_squeeze %dma_wait3A_655 : memref<1x16x16xi32, #tpu.memory_space<vmem_shared>> -> memref<16x16xi32, #tpu.memory_space<vmem_shared>>
        tpu.wait_dma2 semaphore(%run_scoped3A_642 : memref<!tpu.dma_semaphore, #tpu.memory_space<semaphore_mem>>) src(%dma_wait3A_656 : memref<16x16xi32, #tpu.memory_space<vmem_shared>>) dst(%arg8 : memref<16x16xi32, #tpu.memory_space<vmem>>)
        tpu.yield
      }) : () -> ()
      %scan3A_600 = arith.constant 0 : i32
      %scan3A_601 = arith.constant 16 : i32
      %scan3A_602 = arith.addi %scan3A_600, %scan3A_601 : i32
      %scan3A_603 = arith.constant 1 : i32
      %scan3A_604 = scf.for %scan3A_642 = %scan3A_600 to %scan3A_602 step %scan3A_603 iter_args(%scan3A_643 = %broadcast_in_dim3A_2) -> (vector<16xi32>)  : i32 {
        %get3A = arith.index_cast %scan3A_642 : i32 to index
        %get3A_644 = arith.constant 0 : index
        %get3A_645 = tpu.vector_load %arg8[%get3A, %get3A_644] {strides = array<i32>} : memref<16x16xi32, #tpu.memory_space<vmem>>, vector<16xi32>,
        %add3A_646 = arith.addi %scan3A_643, %get3A_645 : vector<16xi32>
        scf.yield %add3A_646 : vector<16xi32>
      }
      %scan3A_605 = arith.constant 16 : i32
      %ge3A = arith.constant 5000 : i32
      %ge3A_606 = vector.broadcast %ge3A : i32 to vector<16xi32>
      %ge3A_607 = arith.cmpi sge, %scan3A_604, %ge3A_606 : vector<16xi32>
      %ge3A_608 = arith.constant 1 : i32
      %ge3A_609 = vector.broadcast %ge3A_608 : i32 to vector<16xi32>
      %ge3A_610 = arith.cmpi sge, %iota3A, %ge3A_609 : vector<16xi32>
      %and3A_611 = arith.andi %ge3A_607, %ge3A_610 : vector<16xi1>
      %select_n3A_612 = arith.select %and3A_611, %broadcast_in_dim3A_0, %broadcast_in_dim3A_2 : vector<16xi1>, vector<16xi32>
      %swap3A_613 = arith.constant 0 : index
      %swap3A_614 = tpu.vector_load %arg7[%swap3A_613] {strides = array<i32>} : memref<16xi32, #tpu.memory_space<vmem>>, vector<16xi32>,
      tpu.vector_store %arg7[%swap3A_613], %select_n3A_612 {strides = array<i32>} : memref<16xi32, #tpu.memory_space<vmem>>, vector<16xi32>,
      %xor3A_615 = arith.constant 8 : i32
      %xor3A_616 = vector.broadcast %xor3A_615 : i32 to vector<16xi32>
      %xor3A_617 = arith.xori %iota3A, %xor3A_616 : vector<16xi32>
      %gather3A_618 = tpu.vector_load_idx %arg7[%xor3A_617] : memref<16xi32, #tpu.memory_space<vmem>>[vector<16xi32>], vector<16xi32>,
      %add3A_619 = arith.addi %select_n3A_612, %gather3A_618 : vector<16xi32>
      %swap3A_620 = arith.constant 0 : index
      %swap3A_621 = tpu.vector_load %arg7[%swap3A_620] {strides = array<i32>} : memref<16xi32, #tpu.memory_space<vmem>>, vector<16xi32>,
      tpu.vector_store %arg7[%swap3A_620], %add3A_619 {strides = array<i32>} : memref<16xi32, #tpu.memory_space<vmem>>, vector<16xi32>,
      %xor3A_622 = arith.constant 4 : i32
      %xor3A_623 = vector.broadcast %xor3A_622 : i32 to vector<16xi32>
      %xor3A_624 = arith.xori %iota3A, %xor3A_623 : vector<16xi32>
      %gather3A_625 = tpu.vector_load_idx %arg7[%xor3A_624] : memref<16xi32, #tpu.memory_space<vmem>>[vector<16xi32>], vector<16xi32>,
      %add3A_626 = arith.addi %add3A_619, %gather3A_625 : vector<16xi32>
      %swap3A_627 = arith.constant 0 : index
      %swap3A_628 = tpu.vector_load %arg7[%swap3A_627] {strides = array<i32>} : memref<16xi32, #tpu.memory_space<vmem>>, vector<16xi32>,
      tpu.vector_store %arg7[%swap3A_627], %add3A_626 {strides = array<i32>} : memref<16xi32, #tpu.memory_space<vmem>>, vector<16xi32>,
      %xor3A_629 = arith.constant 2 : i32
      %xor3A_630 = vector.broadcast %xor3A_629 : i32 to vector<16xi32>
      %xor3A_631 = arith.xori %iota3A, %xor3A_630 : vector<16xi32>
      %gather3A_632 = tpu.vector_load_idx %arg7[%xor3A_631] : memref<16xi32, #tpu.memory_space<vmem>>[vector<16xi32>], vector<16xi32>,
      %add3A_633 = arith.addi %add3A_626, %gather3A_632 : vector<16xi32>
      %swap3A_634 = arith.constant 0 : index
      %swap3A_635 = tpu.vector_load %arg7[%swap3A_634] {strides = array<i32>} : memref<16xi32, #tpu.memory_space<vmem>>, vector<16xi32>,
      tpu.vector_store %arg7[%swap3A_634], %add3A_633 {strides = array<i32>} : memref<16xi32, #tpu.memory_space<vmem>>, vector<16xi32>,
      %xor3A_636 = arith.constant 1 : i32
      %xor3A_637 = vector.broadcast %xor3A_636 : i32 to vector<16xi32>
      %xor3A_638 = arith.xori %iota3A, %xor3A_637 : vector<16xi32>
      %gather3A_639 = tpu.vector_load_idx %arg7[%xor3A_638] : memref<16xi32, #tpu.memory_space<vmem>>[vector<16xi32>], vector<16xi32>,
      %add3A_640 = arith.addi %add3A_633, %gather3A_639 : vector<16xi32>
      %shift_left3A = vector.broadcast %sub3A_110 : i32 to vector<16xi32>
      %shift_left3A_641 = arith.shli %add3A_640, %shift_left3A : vector<16xi32>
      %or3A = arith.ori %scan3A_106, %shift_left3A_641 : vector<16xi32>
      scf.yield %or3A : vector<16xi32>
    }
    %scan3A_16 = arith.constant 8 : i32
    %scan3A_17 = arith.constant 0 : i32
    %scan3A_18 = arith.constant 40 : i32
    %scan3A_19 = arith.addi %scan3A_17, %scan3A_18 : i32
    %scan3A_20 = arith.constant 1 : i32
    %scan3A_21 = scf.for %scan3A_105 = %scan3A_17 to %scan3A_19 step %scan3A_20 iter_args(%scan3A_106 = %broadcast_in_dim3A_2) -> (vector<16xi32>)  : i32 {
      %mul3A_107 = arith.constant 16 : i32
      %mul3A_108 = arith.muli %scan3A_105, %mul3A_107 : i32
      %get3A = arith.index_cast %mul3A_108 : i32 to index
      %get3A_109 = tpu.vector_load %arg5[%get3A] {strides = array<i32>} : memref<640xi32, #tpu.memory_space<vmem>>, vector<16xi32>,
      %gt3A = arith.cmpi ugt, %get3A_109, %scan3A_15 : vector<16xi32>
      %select_n3A_110 = arith.select %gt3A, %broadcast_in_dim3A_0, %broadcast_in_dim3A_2 : vector<16xi1>, vector<16xi32>
      %add3A_111 = arith.addi %scan3A_106, %select_n3A_110 : vector<16xi32>
      scf.yield %add3A_111 : vector<16xi32>
    }
    %scan3A_22 = arith.constant 40 : i32
    %eq3A = arith.constant 1 : i32
    %eq3A_23 = vector.broadcast %eq3A : i32 to vector<16xi32>
    %eq3A_24 = arith.cmpi eq, %iota3A, %eq3A_23 : vector<16xi32>
    %swap3A = arith.constant 0 : index
    %swap3A_25 = tpu.vector_load %arg7[%swap3A] {strides = array<i32>} : memref<16xi32, #tpu.memory_space<vmem>>, vector<16xi32>,
    tpu.vector_store %arg7[%swap3A], %scan3A_21 {strides = array<i32>} : memref<16xi32, #tpu.memory_space<vmem>>, vector<16xi32>,
    %xor3A = arith.constant 8 : i32
    %xor3A_26 = vector.broadcast %xor3A : i32 to vector<16xi32>
    %xor3A_27 = arith.xori %iota3A, %xor3A_26 : vector<16xi32>
    %gather3A = tpu.vector_load_idx %arg7[%xor3A_27] : memref<16xi32, #tpu.memory_space<vmem>>[vector<16xi32>], vector<16xi32>,
    %add3A = arith.addi %scan3A_21, %gather3A : vector<16xi32>
    %swap3A_28 = arith.constant 0 : index
    %swap3A_29 = tpu.vector_load %arg7[%swap3A_28] {strides = array<i32>} : memref<16xi32, #tpu.memory_space<vmem>>, vector<16xi32>,
    tpu.vector_store %arg7[%swap3A_28], %add3A {strides = array<i32>} : memref<16xi32, #tpu.memory_space<vmem>>, vector<16xi32>,
    %xor3A_30 = arith.constant 4 : i32
    %xor3A_31 = vector.broadcast %xor3A_30 : i32 to vector<16xi32>
    %xor3A_32 = arith.xori %iota3A, %xor3A_31 : vector<16xi32>
    %gather3A_33 = tpu.vector_load_idx %arg7[%xor3A_32] : memref<16xi32, #tpu.memory_space<vmem>>[vector<16xi32>], vector<16xi32>,
    %add3A_34 = arith.addi %add3A, %gather3A_33 : vector<16xi32>
    %swap3A_35 = arith.constant 0 : index
    %swap3A_36 = tpu.vector_load %arg7[%swap3A_35] {strides = array<i32>} : memref<16xi32, #tpu.memory_space<vmem>>, vector<16xi32>,
    tpu.vector_store %arg7[%swap3A_35], %add3A_34 {strides = array<i32>} : memref<16xi32, #tpu.memory_space<vmem>>, vector<16xi32>,
    %xor3A_37 = arith.constant 2 : i32
    %xor3A_38 = vector.broadcast %xor3A_37 : i32 to vector<16xi32>
    %xor3A_39 = arith.xori %iota3A, %xor3A_38 : vector<16xi32>
    %gather3A_40 = tpu.vector_load_idx %arg7[%xor3A_39] : memref<16xi32, #tpu.memory_space<vmem>>[vector<16xi32>], vector<16xi32>,
    %add3A_41 = arith.addi %add3A_34, %gather3A_40 : vector<16xi32>
    %swap3A_42 = arith.constant 0 : index
    %swap3A_43 = tpu.vector_load %arg7[%swap3A_42] {strides = array<i32>} : memref<16xi32, #tpu.memory_space<vmem>>, vector<16xi32>,
    tpu.vector_store %arg7[%swap3A_42], %add3A_41 {strides = array<i32>} : memref<16xi32, #tpu.memory_space<vmem>>, vector<16xi32>,
    %xor3A_44 = arith.constant 1 : i32
    %xor3A_45 = vector.broadcast %xor3A_44 : i32 to vector<16xi32>
    %xor3A_46 = arith.xori %iota3A, %xor3A_45 : vector<16xi32>
    %gather3A_47 = tpu.vector_load_idx %arg7[%xor3A_46] : memref<16xi32, #tpu.memory_space<vmem>>[vector<16xi32>], vector<16xi32>,
    %add3A_48 = arith.addi %add3A_41, %gather3A_47 : vector<16xi32>
    %select_n3A = arith.select %eq3A_24, %add3A_48, %broadcast_in_dim3A_2 : vector<16xi1>, vector<16xi32>
    %swap3A_49 = arith.constant 0 : index
    %swap3A_50 = tpu.vector_load %arg6[%swap3A_49] {strides = array<i32>} : memref<16xi32, #tpu.memory_space<vmem>>, vector<16xi32>,
    tpu.vector_store %arg6[%swap3A_49], %select_n3A {strides = array<i32>} : memref<16xi32, #tpu.memory_space<vmem>>, vector<16xi32>,
    %run_scoped3A = arith.constant 8 : i32
    "tpu.region"() ({
      %run_scoped3A_105 = tpu.sem_alloc : memref<!tpu.dma_semaphore, #tpu.memory_space<semaphore_mem>>
      %dma_start3A = arith.constant 0 : i32
      %dma_start3A_106 = tpu.memref_slice %arg10[%run_scoped3A, %arg1, %dma_start3A] : memref<13x16x16xi32, #tpu.memory_space<vmem_shared>> -> memref<1x1x16xi32, #tpu.memory_space<vmem_shared>>
      %dma_start3A_107 = tpu.memref_squeeze %dma_start3A_106 : memref<1x1x16xi32, #tpu.memory_space<vmem_shared>> -> memref<16xi32, #tpu.memory_space<vmem_shared>>
      %dma_start3A_108 = arith.constant 0 : i32
      %dma_start3A_109 = tpu.memref_slice %arg10[%run_scoped3A, %arg1, %dma_start3A_108] : memref<13x16x16xi32, #tpu.memory_space<vmem_shared>> -> memref<1x1x16xi32, #tpu.memory_space<vmem_shared>>
      %dma_start3A_110 = tpu.memref_squeeze %dma_start3A_109 : memref<1x1x16xi32, #tpu.memory_space<vmem_shared>> -> memref<16xi32, #tpu.memory_space<vmem_shared>>
      tpu.enqueue_dma source(%arg6 : memref<16xi32, #tpu.memory_space<vmem>>) target(%dma_start3A_110 : memref<16xi32, #tpu.memory_space<vmem_shared>>) target_semaphore(%run_scoped3A_105 : memref<!tpu.dma_semaphore, #tpu.memory_space<semaphore_mem>>)
      %dma_wait3A = arith.constant 0 : i32
      %dma_wait3A_111 = tpu.memref_slice %arg10[%run_scoped3A, %arg1, %dma_wait3A] : memref<13x16x16xi32, #tpu.memory_space<vmem_shared>> -> memref<1x1x16xi32, #tpu.memory_space<vmem_shared>>
      %dma_wait3A_112 = tpu.memref_squeeze %dma_wait3A_111 : memref<1x1x16xi32, #tpu.memory_space<vmem_shared>> -> memref<16xi32, #tpu.memory_space<vmem_shared>>
      %dma_wait3A_113 = arith.constant 0 : i32
      %dma_wait3A_114 = tpu.memref_slice %arg10[%run_scoped3A, %arg1, %dma_wait3A_113] : memref<13x16x16xi32, #tpu.memory_space<vmem_shared>> -> memref<1x1x16xi32, #tpu.memory_space<vmem_shared>>
      %dma_wait3A_115 = tpu.memref_squeeze %dma_wait3A_114 : memref<1x1x16xi32, #tpu.memory_space<vmem_shared>> -> memref<16xi32, #tpu.memory_space<vmem_shared>>
      tpu.wait_dma2 semaphore(%run_scoped3A_105 : memref<!tpu.dma_semaphore, #tpu.memory_space<semaphore_mem>>) src(%arg6 : memref<16xi32, #tpu.memory_space<vmem>>) dst(%dma_wait3A_115 : memref<16xi32, #tpu.memory_space<vmem_shared>>)
      tpu.yield
    }) : () -> ()
    %barrier3A = arith.constant 0 : index
    tpu.barrier barrier_id(%barrier3A)
    %run_scoped3A_51 = arith.constant 8 : i32
    "tpu.region"() ({
      %run_scoped3A_105 = tpu.sem_alloc : memref<!tpu.dma_semaphore, #tpu.memory_space<semaphore_mem>>
      %dma_start3A = arith.constant 0 : i32
      %dma_start3A_106 = arith.constant 0 : i32
      %dma_start3A_107 = tpu.memref_slice %arg10[%run_scoped3A_51, %dma_start3A, %dma_start3A_106] : memref<13x16x16xi32, #tpu.memory_space<vmem_shared>> -> memref<1x16x16xi32, #tpu.memory_space<vmem_shared>>
      %dma_start3A_108 = tpu.memref_squeeze %dma_start3A_107 : memref<1x16x16xi32, #tpu.memory_space<vmem_shared>> -> memref<16x16xi32, #tpu.memory_space<vmem_shared>>
      %dma_start3A_109 = arith.constant 0 : i32
      %dma_start3A_110 = arith.constant 0 : i32
      %dma_start3A_111 = tpu.memref_slice %arg10[%run_scoped3A_51, %dma_start3A_109, %dma_start3A_110] : memref<13x16x16xi32, #tpu.memory_space<vmem_shared>> -> memref<1x16x16xi32, #tpu.memory_space<vmem_shared>>
      %dma_start3A_112 = tpu.memref_squeeze %dma_start3A_111 : memref<1x16x16xi32, #tpu.memory_space<vmem_shared>> -> memref<16x16xi32, #tpu.memory_space<vmem_shared>>
      tpu.enqueue_dma source(%dma_start3A_112 : memref<16x16xi32, #tpu.memory_space<vmem_shared>>) target(%arg8 : memref<16x16xi32, #tpu.memory_space<vmem>>) target_semaphore(%run_scoped3A_105 : memref<!tpu.dma_semaphore, #tpu.memory_space<semaphore_mem>>)
      %dma_wait3A = arith.constant 0 : i32
      %dma_wait3A_113 = arith.constant 0 : i32
      %dma_wait3A_114 = tpu.memref_slice %arg10[%run_scoped3A_51, %dma_wait3A, %dma_wait3A_113] : memref<13x16x16xi32, #tpu.memory_space<vmem_shared>> -> memref<1x16x16xi32, #tpu.memory_space<vmem_shared>>
      %dma_wait3A_115 = tpu.memref_squeeze %dma_wait3A_114 : memref<1x16x16xi32, #tpu.memory_space<vmem_shared>> -> memref<16x16xi32, #tpu.memory_space<vmem_shared>>
      %dma_wait3A_116 = arith.constant 0 : i32
      %dma_wait3A_117 = arith.constant 0 : i32
      %dma_wait3A_118 = tpu.memref_slice %arg10[%run_scoped3A_51, %dma_wait3A_116, %dma_wait3A_117] : memref<13x16x16xi32, #tpu.memory_space<vmem_shared>> -> memref<1x16x16xi32, #tpu.memory_space<vmem_shared>>
      %dma_wait3A_119 = tpu.memref_squeeze %dma_wait3A_118 : memref<1x16x16xi32, #tpu.memory_space<vmem_shared>> -> memref<16x16xi32, #tpu.memory_space<vmem_shared>>
      tpu.wait_dma2 semaphore(%run_scoped3A_105 : memref<!tpu.dma_semaphore, #tpu.memory_space<semaphore_mem>>) src(%dma_wait3A_119 : memref<16x16xi32, #tpu.memory_space<vmem_shared>>) dst(%arg8 : memref<16x16xi32, #tpu.memory_space<vmem>>)
      tpu.yield
    }) : () -> ()
    %scan3A_52 = arith.constant 0 : i32
    %scan3A_53 = arith.constant 16 : i32
    %scan3A_54 = arith.addi %scan3A_52, %scan3A_53 : i32
    %scan3A_55 = arith.constant 1 : i32
    %scan3A_56 = scf.for %scan3A_105 = %scan3A_52 to %scan3A_54 step %scan3A_55 iter_args(%scan3A_106 = %broadcast_in_dim3A_2) -> (vector<16xi32>)  : i32 {
      %get3A = arith.index_cast %scan3A_105 : i32 to index
      %get3A_107 = arith.constant 0 : index
      %get3A_108 = tpu.vector_load %arg8[%get3A, %get3A_107] {strides = array<i32>} : memref<16x16xi32, #tpu.memory_space<vmem>>, vector<16xi32>,
      %add3A_109 = arith.addi %scan3A_106, %get3A_108 : vector<16xi32>
      scf.yield %add3A_109 : vector<16xi32>
    }
    %scan3A_57 = arith.constant 16 : i32
    %eq3A_58 = arith.constant 1 : i32
    %eq3A_59 = vector.broadcast %eq3A_58 : i32 to vector<16xi32>
    %eq3A_60 = arith.cmpi eq, %iota3A, %eq3A_59 : vector<16xi32>
    %select_n3A_61 = arith.select %eq3A_60, %scan3A_56, %broadcast_in_dim3A_2 : vector<16xi1>, vector<16xi32>
    %swap3A_62 = arith.constant 0 : index
    %swap3A_63 = tpu.vector_load %arg7[%swap3A_62] {strides = array<i32>} : memref<16xi32, #tpu.memory_space<vmem>>, vector<16xi32>,
    tpu.vector_store %arg7[%swap3A_62], %select_n3A_61 {strides = array<i32>} : memref<16xi32, #tpu.memory_space<vmem>>, vector<16xi32>,
    %xor3A_64 = arith.constant 8 : i32
    %xor3A_65 = vector.broadcast %xor3A_64 : i32 to vector<16xi32>
    %xor3A_66 = arith.xori %iota3A, %xor3A_65 : vector<16xi32>
    %gather3A_67 = tpu.vector_load_idx %arg7[%xor3A_66] : memref<16xi32, #tpu.memory_space<vmem>>[vector<16xi32>], vector<16xi32>,
    %add3A_68 = arith.addi %select_n3A_61, %gather3A_67 : vector<16xi32>
    %swap3A_69 = arith.constant 0 : index
    %swap3A_70 = tpu.vector_load %arg7[%swap3A_69] {strides = array<i32>} : memref<16xi32, #tpu.memory_space<vmem>>, vector<16xi32>,
    tpu.vector_store %arg7[%swap3A_69], %add3A_68 {strides = array<i32>} : memref<16xi32, #tpu.memory_space<vmem>>, vector<16xi32>,
    %xor3A_71 = arith.constant 4 : i32
    %xor3A_72 = vector.broadcast %xor3A_71 : i32 to vector<16xi32>
    %xor3A_73 = arith.xori %iota3A, %xor3A_72 : vector<16xi32>
    %gather3A_74 = tpu.vector_load_idx %arg7[%xor3A_73] : memref<16xi32, #tpu.memory_space<vmem>>[vector<16xi32>], vector<16xi32>,
    %add3A_75 = arith.addi %add3A_68, %gather3A_74 : vector<16xi32>
    %swap3A_76 = arith.constant 0 : index
    %swap3A_77 = tpu.vector_load %arg7[%swap3A_76] {strides = array<i32>} : memref<16xi32, #tpu.memory_space<vmem>>, vector<16xi32>,
    tpu.vector_store %arg7[%swap3A_76], %add3A_75 {strides = array<i32>} : memref<16xi32, #tpu.memory_space<vmem>>, vector<16xi32>,
    %xor3A_78 = arith.constant 2 : i32
    %xor3A_79 = vector.broadcast %xor3A_78 : i32 to vector<16xi32>
    %xor3A_80 = arith.xori %iota3A, %xor3A_79 : vector<16xi32>
    %gather3A_81 = tpu.vector_load_idx %arg7[%xor3A_80] : memref<16xi32, #tpu.memory_space<vmem>>[vector<16xi32>], vector<16xi32>,
    %add3A_82 = arith.addi %add3A_75, %gather3A_81 : vector<16xi32>
    %swap3A_83 = arith.constant 0 : index
    %swap3A_84 = tpu.vector_load %arg7[%swap3A_83] {strides = array<i32>} : memref<16xi32, #tpu.memory_space<vmem>>, vector<16xi32>,
    tpu.vector_store %arg7[%swap3A_83], %add3A_82 {strides = array<i32>} : memref<16xi32, #tpu.memory_space<vmem>>, vector<16xi32>,
    %xor3A_85 = arith.constant 1 : i32
    %xor3A_86 = vector.broadcast %xor3A_85 : i32 to vector<16xi32>
    %xor3A_87 = arith.xori %iota3A, %xor3A_86 : vector<16xi32>
    %gather3A_88 = tpu.vector_load_idx %arg7[%xor3A_87] : memref<16xi32, #tpu.memory_space<vmem>>[vector<16xi32>], vector<16xi32>,
    %add3A_89 = arith.addi %add3A_82, %gather3A_88 : vector<16xi32>
    %sub3A = arith.constant 5000 : i32
    %sub3A_90 = vector.broadcast %sub3A : i32 to vector<16xi32>
    %sub3A_91 = arith.subi %sub3A_90, %add3A_89 : vector<16xi32>
    %mul3A_92 = arith.constant 640 : i32
    %mul3A_93 = arith.muli %arg1, %mul3A_92 : i32
    %scan3A_94 = arith.constant 0 : i32
    %scan3A_95 = arith.constant 4 : i32
    %scan3A_96 = arith.addi %scan3A_94, %scan3A_95 : i32
    %scan3A_97 = arith.constant 1 : i32
    %scan3A_98 = scf.for %scan3A_105 = %scan3A_94 to %scan3A_96 step %scan3A_97 iter_args(%scan3A_106 = %broadcast_in_dim3A_2) -> (vector<16xi32>)  : i32 {
      %mul3A_107 = arith.constant 4 : i32
      %mul3A_108 = arith.muli %mul3A_107, %scan3A_105 : i32
      %sub3A_109 = arith.constant 12 : i32
      %sub3A_110 = arith.subi %sub3A_109, %mul3A_108 : i32
      %scan3A_111 = arith.constant 0 : i32
      %scan3A_112 = arith.constant 40 : i32
      %scan3A_113 = arith.addi %scan3A_111, %scan3A_112 : i32
      %scan3A_114 = arith.constant 1 : i32
      %scan3A_115:15 = scf.for %scan3A_641 = %scan3A_111 to %scan3A_113 step %scan3A_114 iter_args(%scan3A_642 = %broadcast_in_dim3A_2, %scan3A_643 = %broadcast_in_dim3A_2, %scan3A_644 = %broadcast_in_dim3A_2, %scan3A_645 = %broadcast_in_dim3A_2, %scan3A_646 = %broadcast_in_dim3A_2, %scan3A_647 = %broadcast_in_dim3A_2, %scan3A_648 = %broadcast_in_dim3A_2, %scan3A_649 = %broadcast_in_dim3A_2, %scan3A_650 = %broadcast_in_dim3A_2, %scan3A_651 = %broadcast_in_dim3A_2, %scan3A_652 = %broadcast_in_dim3A_2, %scan3A_653 = %broadcast_in_dim3A_2, %scan3A_654 = %broadcast_in_dim3A_2, %scan3A_655 = %broadcast_in_dim3A_2, %scan3A_656 = %broadcast_in_dim3A_2) -> (vector<16xi32>, vector<16xi32>, vector<16xi32>, vector<16xi32>, vector<16xi32>, vector<16xi32>, vector<16xi32>, vector<16xi32>, vector<16xi32>, vector<16xi32>, vector<16xi32>, vector<16xi32>, vector<16xi32>, vector<16xi32>, vector<16xi32>)  : i32 {
        %mul3A_657 = arith.constant 16 : i32
        %mul3A_658 = arith.muli %scan3A_641, %mul3A_657 : i32
        %get3A = arith.index_cast %mul3A_658 : i32 to index
        %get3A_659 = tpu.vector_load %arg5[%get3A] {strides = array<i32>} : memref<640xi32, #tpu.memory_space<vmem>>, vector<16xi32>,
        %eq3A_660 = arith.cmpi eq, %get3A_659, %scan3A_15 : vector<16xi32>
        %mul3A_661 = arith.constant 16 : i32
        %mul3A_662 = arith.muli %scan3A_641, %mul3A_661 : i32
        %add3A_663 = arith.addi %mul3A_93, %mul3A_662 : i32
        %add3A_664 = vector.broadcast %add3A_663 : i32 to vector<16xi32>
        %add3A_665 = arith.addi %add3A_664, %iota3A : vector<16xi32>
        %shift_left3A_666 = arith.constant 1 : i32
        %shift_left3A_667 = arith.shli %shift_left3A_666, %sub3A_110 : i32
        %or3A_668 = vector.broadcast %shift_left3A_667 : i32 to vector<16xi32>
        %or3A_669 = arith.ori %scan3A_106, %or3A_668 : vector<16xi32>
        %lt3A_670 = arith.cmpi slt, %add3A_665, %or3A_669 : vector<16xi32>
        %and3A_671 = arith.andi %eq3A_660, %lt3A_670 : vector<16xi1>
        %select_n3A_672 = arith.select %and3A_671, %broadcast_in_dim3A_0, %broadcast_in_dim3A_2 : vector<16xi1>, vector<16xi32>
        %add3A_673 = arith.addi %scan3A_642, %select_n3A_672 : vector<16xi32>
        %shift_left3A_674 = arith.constant 2 : i32
        %shift_left3A_675 = arith.shli %shift_left3A_674, %sub3A_110 : i32
        %or3A_676 = vector.broadcast %shift_left3A_675 : i32 to vector<16xi32>
        %or3A_677 = arith.ori %scan3A_106, %or3A_676 : vector<16xi32>
        %lt3A_678 = arith.cmpi slt, %add3A_665, %or3A_677 : vector<16xi32>
        %and3A_679 = arith.andi %eq3A_660, %lt3A_678 : vector<16xi1>
        %select_n3A_680 = arith.select %and3A_679, %broadcast_in_dim3A_0, %broadcast_in_dim3A_2 : vector<16xi1>, vector<16xi32>
        %add3A_681 = arith.addi %scan3A_643, %select_n3A_680 : vector<16xi32>
        %shift_left3A_682 = arith.constant 3 : i32
        %shift_left3A_683 = arith.shli %shift_left3A_682, %sub3A_110 : i32
        %or3A_684 = vector.broadcast %shift_left3A_683 : i32 to vector<16xi32>
        %or3A_685 = arith.ori %scan3A_106, %or3A_684 : vector<16xi32>
        %lt3A_686 = arith.cmpi slt, %add3A_665, %or3A_685 : vector<16xi32>
        %and3A_687 = arith.andi %eq3A_660, %lt3A_686 : vector<16xi1>
        %select_n3A_688 = arith.select %and3A_687, %broadcast_in_dim3A_0, %broadcast_in_dim3A_2 : vector<16xi1>, vector<16xi32>
        %add3A_689 = arith.addi %scan3A_644, %select_n3A_688 : vector<16xi32>
        %shift_left3A_690 = arith.constant 4 : i32
        %shift_left3A_691 = arith.shli %shift_left3A_690, %sub3A_110 : i32
        %or3A_692 = vector.broadcast %shift_left3A_691 : i32 to vector<16xi32>
        %or3A_693 = arith.ori %scan3A_106, %or3A_692 : vector<16xi32>
        %lt3A_694 = arith.cmpi slt, %add3A_665, %or3A_693 : vector<16xi32>
        %and3A_695 = arith.andi %eq3A_660, %lt3A_694 : vector<16xi1>
        %select_n3A_696 = arith.select %and3A_695, %broadcast_in_dim3A_0, %broadcast_in_dim3A_2 : vector<16xi1>, vector<16xi32>
        %add3A_697 = arith.addi %scan3A_645, %select_n3A_696 : vector<16xi32>
        %shift_left3A_698 = arith.constant 5 : i32
        %shift_left3A_699 = arith.shli %shift_left3A_698, %sub3A_110 : i32
        %or3A_700 = vector.broadcast %shift_left3A_699 : i32 to vector<16xi32>
        %or3A_701 = arith.ori %scan3A_106, %or3A_700 : vector<16xi32>
        %lt3A_702 = arith.cmpi slt, %add3A_665, %or3A_701 : vector<16xi32>
        %and3A_703 = arith.andi %eq3A_660, %lt3A_702 : vector<16xi1>
        %select_n3A_704 = arith.select %and3A_703, %broadcast_in_dim3A_0, %broadcast_in_dim3A_2 : vector<16xi1>, vector<16xi32>
        %add3A_705 = arith.addi %scan3A_646, %select_n3A_704 : vector<16xi32>
        %shift_left3A_706 = arith.constant 6 : i32
        %shift_left3A_707 = arith.shli %shift_left3A_706, %sub3A_110 : i32
        %or3A_708 = vector.broadcast %shift_left3A_707 : i32 to vector<16xi32>
        %or3A_709 = arith.ori %scan3A_106, %or3A_708 : vector<16xi32>
        %lt3A_710 = arith.cmpi slt, %add3A_665, %or3A_709 : vector<16xi32>
        %and3A_711 = arith.andi %eq3A_660, %lt3A_710 : vector<16xi1>
        %select_n3A_712 = arith.select %and3A_711, %broadcast_in_dim3A_0, %broadcast_in_dim3A_2 : vector<16xi1>, vector<16xi32>
        %add3A_713 = arith.addi %scan3A_647, %select_n3A_712 : vector<16xi32>
        %shift_left3A_714 = arith.constant 7 : i32
        %shift_left3A_715 = arith.shli %shift_left3A_714, %sub3A_110 : i32
        %or3A_716 = vector.broadcast %shift_left3A_715 : i32 to vector<16xi32>
        %or3A_717 = arith.ori %scan3A_106, %or3A_716 : vector<16xi32>
        %lt3A_718 = arith.cmpi slt, %add3A_665, %or3A_717 : vector<16xi32>
        %and3A_719 = arith.andi %eq3A_660, %lt3A_718 : vector<16xi1>
        %select_n3A_720 = arith.select %and3A_719, %broadcast_in_dim3A_0, %broadcast_in_dim3A_2 : vector<16xi1>, vector<16xi32>
        %add3A_721 = arith.addi %scan3A_648, %select_n3A_720 : vector<16xi32>
        %shift_left3A_722 = arith.constant 8 : i32
        %shift_left3A_723 = arith.shli %shift_left3A_722, %sub3A_110 : i32
        %or3A_724 = vector.broadcast %shift_left3A_723 : i32 to vector<16xi32>
        %or3A_725 = arith.ori %scan3A_106, %or3A_724 : vector<16xi32>
        %lt3A_726 = arith.cmpi slt, %add3A_665, %or3A_725 : vector<16xi32>
        %and3A_727 = arith.andi %eq3A_660, %lt3A_726 : vector<16xi1>
        %select_n3A_728 = arith.select %and3A_727, %broadcast_in_dim3A_0, %broadcast_in_dim3A_2 : vector<16xi1>, vector<16xi32>
        %add3A_729 = arith.addi %scan3A_649, %select_n3A_728 : vector<16xi32>
        %shift_left3A_730 = arith.constant 9 : i32
        %shift_left3A_731 = arith.shli %shift_left3A_730, %sub3A_110 : i32
        %or3A_732 = vector.broadcast %shift_left3A_731 : i32 to vector<16xi32>
        %or3A_733 = arith.ori %scan3A_106, %or3A_732 : vector<16xi32>
        %lt3A_734 = arith.cmpi slt, %add3A_665, %or3A_733 : vector<16xi32>
        %and3A_735 = arith.andi %eq3A_660, %lt3A_734 : vector<16xi1>
        %select_n3A_736 = arith.select %and3A_735, %broadcast_in_dim3A_0, %broadcast_in_dim3A_2 : vector<16xi1>, vector<16xi32>
        %add3A_737 = arith.addi %scan3A_650, %select_n3A_736 : vector<16xi32>
        %shift_left3A_738 = arith.constant 10 : i32
        %shift_left3A_739 = arith.shli %shift_left3A_738, %sub3A_110 : i32
        %or3A_740 = vector.broadcast %shift_left3A_739 : i32 to vector<16xi32>
        %or3A_741 = arith.ori %scan3A_106, %or3A_740 : vector<16xi32>
        %lt3A_742 = arith.cmpi slt, %add3A_665, %or3A_741 : vector<16xi32>
        %and3A_743 = arith.andi %eq3A_660, %lt3A_742 : vector<16xi1>
        %select_n3A_744 = arith.select %and3A_743, %broadcast_in_dim3A_0, %broadcast_in_dim3A_2 : vector<16xi1>, vector<16xi32>
        %add3A_745 = arith.addi %scan3A_651, %select_n3A_744 : vector<16xi32>
        %shift_left3A_746 = arith.constant 11 : i32
        %shift_left3A_747 = arith.shli %shift_left3A_746, %sub3A_110 : i32
        %or3A_748 = vector.broadcast %shift_left3A_747 : i32 to vector<16xi32>
        %or3A_749 = arith.ori %scan3A_106, %or3A_748 : vector<16xi32>
        %lt3A_750 = arith.cmpi slt, %add3A_665, %or3A_749 : vector<16xi32>
        %and3A_751 = arith.andi %eq3A_660, %lt3A_750 : vector<16xi1>
        %select_n3A_752 = arith.select %and3A_751, %broadcast_in_dim3A_0, %broadcast_in_dim3A_2 : vector<16xi1>, vector<16xi32>
        %add3A_753 = arith.addi %scan3A_652, %select_n3A_752 : vector<16xi32>
        %shift_left3A_754 = arith.constant 12 : i32
        %shift_left3A_755 = arith.shli %shift_left3A_754, %sub3A_110 : i32
        %or3A_756 = vector.broadcast %shift_left3A_755 : i32 to vector<16xi32>
        %or3A_757 = arith.ori %scan3A_106, %or3A_756 : vector<16xi32>
        %lt3A_758 = arith.cmpi slt, %add3A_665, %or3A_757 : vector<16xi32>
        %and3A_759 = arith.andi %eq3A_660, %lt3A_758 : vector<16xi1>
        %select_n3A_760 = arith.select %and3A_759, %broadcast_in_dim3A_0, %broadcast_in_dim3A_2 : vector<16xi1>, vector<16xi32>
        %add3A_761 = arith.addi %scan3A_653, %select_n3A_760 : vector<16xi32>
        %shift_left3A_762 = arith.constant 13 : i32
        %shift_left3A_763 = arith.shli %shift_left3A_762, %sub3A_110 : i32
        %or3A_764 = vector.broadcast %shift_left3A_763 : i32 to vector<16xi32>
        %or3A_765 = arith.ori %scan3A_106, %or3A_764 : vector<16xi32>
        %lt3A_766 = arith.cmpi slt, %add3A_665, %or3A_765 : vector<16xi32>
        %and3A_767 = arith.andi %eq3A_660, %lt3A_766 : vector<16xi1>
        %select_n3A_768 = arith.select %and3A_767, %broadcast_in_dim3A_0, %broadcast_in_dim3A_2 : vector<16xi1>, vector<16xi32>
        %add3A_769 = arith.addi %scan3A_654, %select_n3A_768 : vector<16xi32>
        %shift_left3A_770 = arith.constant 14 : i32
        %shift_left3A_771 = arith.shli %shift_left3A_770, %sub3A_110 : i32
        %or3A_772 = vector.broadcast %shift_left3A_771 : i32 to vector<16xi32>
        %or3A_773 = arith.ori %scan3A_106, %or3A_772 : vector<16xi32>
        %lt3A_774 = arith.cmpi slt, %add3A_665, %or3A_773 : vector<16xi32>
        %and3A_775 = arith.andi %eq3A_660, %lt3A_774 : vector<16xi1>
        %select_n3A_776 = arith.select %and3A_775, %broadcast_in_dim3A_0, %broadcast_in_dim3A_2 : vector<16xi1>, vector<16xi32>
        %add3A_777 = arith.addi %scan3A_655, %select_n3A_776 : vector<16xi32>
        %shift_left3A_778 = arith.constant 15 : i32
        %shift_left3A_779 = arith.shli %shift_left3A_778, %sub3A_110 : i32
        %or3A_780 = vector.broadcast %shift_left3A_779 : i32 to vector<16xi32>
        %or3A_781 = arith.ori %scan3A_106, %or3A_780 : vector<16xi32>
        %lt3A_782 = arith.cmpi slt, %add3A_665, %or3A_781 : vector<16xi32>
        %and3A_783 = arith.andi %eq3A_660, %lt3A_782 : vector<16xi1>
        %select_n3A_784 = arith.select %and3A_783, %broadcast_in_dim3A_0, %broadcast_in_dim3A_2 : vector<16xi1>, vector<16xi32>
        %add3A_785 = arith.addi %scan3A_656, %select_n3A_784 : vector<16xi32>
        scf.yield %add3A_673, %add3A_681, %add3A_689, %add3A_697, %add3A_705, %add3A_713, %add3A_721, %add3A_729, %add3A_737, %add3A_745, %add3A_753, %add3A_761, %add3A_769, %add3A_777, %add3A_785 : vector<16xi32>, vector<16xi32>, vector<16xi32>, vector<16xi32>, vector<16xi32>, vector<16xi32>, vector<16xi32>, vector<16xi32>, vector<16xi32>, vector<16xi32>, vector<16xi32>, vector<16xi32>, vector<16xi32>, vector<16xi32>, vector<16xi32>
      }
      %scan3A_116 = arith.constant 40 : i32
      %eq3A_117 = arith.constant 1 : i32
      %eq3A_118 = vector.broadcast %eq3A_117 : i32 to vector<16xi32>
      %eq3A_119 = arith.cmpi eq, %iota3A, %eq3A_118 : vector<16xi32>
      %swap3A_120 = arith.constant 0 : index
      %swap3A_121 = tpu.vector_load %arg7[%swap3A_120] {strides = array<i32>} : memref<16xi32, #tpu.memory_space<vmem>>, vector<16xi32>,
      tpu.vector_store %arg7[%swap3A_120], %scan3A_115#0 {strides = array<i32>} : memref<16xi32, #tpu.memory_space<vmem>>, vector<16xi32>,
      %xor3A_122 = arith.constant 8 : i32
      %xor3A_123 = vector.broadcast %xor3A_122 : i32 to vector<16xi32>
      %xor3A_124 = arith.xori %iota3A, %xor3A_123 : vector<16xi32>
      %gather3A_125 = tpu.vector_load_idx %arg7[%xor3A_124] : memref<16xi32, #tpu.memory_space<vmem>>[vector<16xi32>], vector<16xi32>,
      %add3A_126 = arith.addi %scan3A_115#0, %gather3A_125 : vector<16xi32>
      %swap3A_127 = arith.constant 0 : index
      %swap3A_128 = tpu.vector_load %arg7[%swap3A_127] {strides = array<i32>} : memref<16xi32, #tpu.memory_space<vmem>>, vector<16xi32>,
      tpu.vector_store %arg7[%swap3A_127], %add3A_126 {strides = array<i32>} : memref<16xi32, #tpu.memory_space<vmem>>, vector<16xi32>,
      %xor3A_129 = arith.constant 4 : i32
      %xor3A_130 = vector.broadcast %xor3A_129 : i32 to vector<16xi32>
      %xor3A_131 = arith.xori %iota3A, %xor3A_130 : vector<16xi32>
      %gather3A_132 = tpu.vector_load_idx %arg7[%xor3A_131] : memref<16xi32, #tpu.memory_space<vmem>>[vector<16xi32>], vector<16xi32>,
      %add3A_133 = arith.addi %add3A_126, %gather3A_132 : vector<16xi32>
      %swap3A_134 = arith.constant 0 : index
      %swap3A_135 = tpu.vector_load %arg7[%swap3A_134] {strides = array<i32>} : memref<16xi32, #tpu.memory_space<vmem>>, vector<16xi32>,
      tpu.vector_store %arg7[%swap3A_134], %add3A_133 {strides = array<i32>} : memref<16xi32, #tpu.memory_space<vmem>>, vector<16xi32>,
      %xor3A_136 = arith.constant 2 : i32
      %xor3A_137 = vector.broadcast %xor3A_136 : i32 to vector<16xi32>
      %xor3A_138 = arith.xori %iota3A, %xor3A_137 : vector<16xi32>
      %gather3A_139 = tpu.vector_load_idx %arg7[%xor3A_138] : memref<16xi32, #tpu.memory_space<vmem>>[vector<16xi32>], vector<16xi32>,
      %add3A_140 = arith.addi %add3A_133, %gather3A_139 : vector<16xi32>
      %swap3A_141 = arith.constant 0 : index
      %swap3A_142 = tpu.vector_load %arg7[%swap3A_141] {strides = array<i32>} : memref<16xi32, #tpu.memory_space<vmem>>, vector<16xi32>,
      tpu.vector_store %arg7[%swap3A_141], %add3A_140 {strides = array<i32>} : memref<16xi32, #tpu.memory_space<vmem>>, vector<16xi32>,
      %xor3A_143 = arith.constant 1 : i32
      %xor3A_144 = vector.broadcast %xor3A_143 : i32 to vector<16xi32>
      %xor3A_145 = arith.xori %iota3A, %xor3A_144 : vector<16xi32>
      %gather3A_146 = tpu.vector_load_idx %arg7[%xor3A_145] : memref<16xi32, #tpu.memory_space<vmem>>[vector<16xi32>], vector<16xi32>,
      %add3A_147 = arith.addi %add3A_140, %gather3A_146 : vector<16xi32>
      %select_n3A_148 = arith.select %eq3A_119, %add3A_147, %broadcast_in_dim3A_2 : vector<16xi1>, vector<16xi32>
      %eq3A_149 = arith.constant 2 : i32
      %eq3A_150 = vector.broadcast %eq3A_149 : i32 to vector<16xi32>
      %eq3A_151 = arith.cmpi eq, %iota3A, %eq3A_150 : vector<16xi32>
      %swap3A_152 = arith.constant 0 : index
      %swap3A_153 = tpu.vector_load %arg7[%swap3A_152] {strides = array<i32>} : memref<16xi32, #tpu.memory_space<vmem>>, vector<16xi32>,
      tpu.vector_store %arg7[%swap3A_152], %scan3A_115#1 {strides = array<i32>} : memref<16xi32, #tpu.memory_space<vmem>>, vector<16xi32>,
      %xor3A_154 = arith.constant 8 : i32
      %xor3A_155 = vector.broadcast %xor3A_154 : i32 to vector<16xi32>
      %xor3A_156 = arith.xori %iota3A, %xor3A_155 : vector<16xi32>
      %gather3A_157 = tpu.vector_load_idx %arg7[%xor3A_156] : memref<16xi32, #tpu.memory_space<vmem>>[vector<16xi32>], vector<16xi32>,
      %add3A_158 = arith.addi %scan3A_115#1, %gather3A_157 : vector<16xi32>
      %swap3A_159 = arith.constant 0 : index
      %swap3A_160 = tpu.vector_load %arg7[%swap3A_159] {strides = array<i32>} : memref<16xi32, #tpu.memory_space<vmem>>, vector<16xi32>,
      tpu.vector_store %arg7[%swap3A_159], %add3A_158 {strides = array<i32>} : memref<16xi32, #tpu.memory_space<vmem>>, vector<16xi32>,
      %xor3A_161 = arith.constant 4 : i32
      %xor3A_162 = vector.broadcast %xor3A_161 : i32 to vector<16xi32>
      %xor3A_163 = arith.xori %iota3A, %xor3A_162 : vector<16xi32>
      %gather3A_164 = tpu.vector_load_idx %arg7[%xor3A_163] : memref<16xi32, #tpu.memory_space<vmem>>[vector<16xi32>], vector<16xi32>,
      %add3A_165 = arith.addi %add3A_158, %gather3A_164 : vector<16xi32>
      %swap3A_166 = arith.constant 0 : index
      %swap3A_167 = tpu.vector_load %arg7[%swap3A_166] {strides = array<i32>} : memref<16xi32, #tpu.memory_space<vmem>>, vector<16xi32>,
      tpu.vector_store %arg7[%swap3A_166], %add3A_165 {strides = array<i32>} : memref<16xi32, #tpu.memory_space<vmem>>, vector<16xi32>,
      %xor3A_168 = arith.constant 2 : i32
      %xor3A_169 = vector.broadcast %xor3A_168 : i32 to vector<16xi32>
      %xor3A_170 = arith.xori %iota3A, %xor3A_169 : vector<16xi32>
      %gather3A_171 = tpu.vector_load_idx %arg7[%xor3A_170] : memref<16xi32, #tpu.memory_space<vmem>>[vector<16xi32>], vector<16xi32>,
      %add3A_172 = arith.addi %add3A_165, %gather3A_171 : vector<16xi32>
      %swap3A_173 = arith.constant 0 : index
      %swap3A_174 = tpu.vector_load %arg7[%swap3A_173] {strides = array<i32>} : memref<16xi32, #tpu.memory_space<vmem>>, vector<16xi32>,
      tpu.vector_store %arg7[%swap3A_173], %add3A_172 {strides = array<i32>} : memref<16xi32, #tpu.memory_space<vmem>>, vector<16xi32>,
      %xor3A_175 = arith.constant 1 : i32
      %xor3A_176 = vector.broadcast %xor3A_175 : i32 to vector<16xi32>
      %xor3A_177 = arith.xori %iota3A, %xor3A_176 : vector<16xi32>
      %gather3A_178 = tpu.vector_load_idx %arg7[%xor3A_177] : memref<16xi32, #tpu.memory_space<vmem>>[vector<16xi32>], vector<16xi32>,
      %add3A_179 = arith.addi %add3A_172, %gather3A_178 : vector<16xi32>
      %select_n3A_180 = arith.select %eq3A_151, %add3A_179, %select_n3A_148 : vector<16xi1>, vector<16xi32>
      %eq3A_181 = arith.constant 3 : i32
      %eq3A_182 = vector.broadcast %eq3A_181 : i32 to vector<16xi32>
      %eq3A_183 = arith.cmpi eq, %iota3A, %eq3A_182 : vector<16xi32>
      %swap3A_184 = arith.constant 0 : index
      %swap3A_185 = tpu.vector_load %arg7[%swap3A_184] {strides = array<i32>} : memref<16xi32, #tpu.memory_space<vmem>>, vector<16xi32>,
      tpu.vector_store %arg7[%swap3A_184], %scan3A_115#2 {strides = array<i32>} : memref<16xi32, #tpu.memory_space<vmem>>, vector<16xi32>,
      %xor3A_186 = arith.constant 8 : i32
      %xor3A_187 = vector.broadcast %xor3A_186 : i32 to vector<16xi32>
      %xor3A_188 = arith.xori %iota3A, %xor3A_187 : vector<16xi32>
      %gather3A_189 = tpu.vector_load_idx %arg7[%xor3A_188] : memref<16xi32, #tpu.memory_space<vmem>>[vector<16xi32>], vector<16xi32>,
      %add3A_190 = arith.addi %scan3A_115#2, %gather3A_189 : vector<16xi32>
      %swap3A_191 = arith.constant 0 : index
      %swap3A_192 = tpu.vector_load %arg7[%swap3A_191] {strides = array<i32>} : memref<16xi32, #tpu.memory_space<vmem>>, vector<16xi32>,
      tpu.vector_store %arg7[%swap3A_191], %add3A_190 {strides = array<i32>} : memref<16xi32, #tpu.memory_space<vmem>>, vector<16xi32>,
      %xor3A_193 = arith.constant 4 : i32
      %xor3A_194 = vector.broadcast %xor3A_193 : i32 to vector<16xi32>
      %xor3A_195 = arith.xori %iota3A, %xor3A_194 : vector<16xi32>
      %gather3A_196 = tpu.vector_load_idx %arg7[%xor3A_195] : memref<16xi32, #tpu.memory_space<vmem>>[vector<16xi32>], vector<16xi32>,
      %add3A_197 = arith.addi %add3A_190, %gather3A_196 : vector<16xi32>
      %swap3A_198 = arith.constant 0 : index
      %swap3A_199 = tpu.vector_load %arg7[%swap3A_198] {strides = array<i32>} : memref<16xi32, #tpu.memory_space<vmem>>, vector<16xi32>,
      tpu.vector_store %arg7[%swap3A_198], %add3A_197 {strides = array<i32>} : memref<16xi32, #tpu.memory_space<vmem>>, vector<16xi32>,
      %xor3A_200 = arith.constant 2 : i32
      %xor3A_201 = vector.broadcast %xor3A_200 : i32 to vector<16xi32>
      %xor3A_202 = arith.xori %iota3A, %xor3A_201 : vector<16xi32>
      %gather3A_203 = tpu.vector_load_idx %arg7[%xor3A_202] : memref<16xi32, #tpu.memory_space<vmem>>[vector<16xi32>], vector<16xi32>,
      %add3A_204 = arith.addi %add3A_197, %gather3A_203 : vector<16xi32>
      %swap3A_205 = arith.constant 0 : index
      %swap3A_206 = tpu.vector_load %arg7[%swap3A_205] {strides = array<i32>} : memref<16xi32, #tpu.memory_space<vmem>>, vector<16xi32>,
      tpu.vector_store %arg7[%swap3A_205], %add3A_204 {strides = array<i32>} : memref<16xi32, #tpu.memory_space<vmem>>, vector<16xi32>,
      %xor3A_207 = arith.constant 1 : i32
      %xor3A_208 = vector.broadcast %xor3A_207 : i32 to vector<16xi32>
      %xor3A_209 = arith.xori %iota3A, %xor3A_208 : vector<16xi32>
      %gather3A_210 = tpu.vector_load_idx %arg7[%xor3A_209] : memref<16xi32, #tpu.memory_space<vmem>>[vector<16xi32>], vector<16xi32>,
      %add3A_211 = arith.addi %add3A_204, %gather3A_210 : vector<16xi32>
      %select_n3A_212 = arith.select %eq3A_183, %add3A_211, %select_n3A_180 : vector<16xi1>, vector<16xi32>
      %eq3A_213 = arith.constant 4 : i32
      %eq3A_214 = vector.broadcast %eq3A_213 : i32 to vector<16xi32>
      %eq3A_215 = arith.cmpi eq, %iota3A, %eq3A_214 : vector<16xi32>
      %swap3A_216 = arith.constant 0 : index
      %swap3A_217 = tpu.vector_load %arg7[%swap3A_216] {strides = array<i32>} : memref<16xi32, #tpu.memory_space<vmem>>, vector<16xi32>,
      tpu.vector_store %arg7[%swap3A_216], %scan3A_115#3 {strides = array<i32>} : memref<16xi32, #tpu.memory_space<vmem>>, vector<16xi32>,
      %xor3A_218 = arith.constant 8 : i32
      %xor3A_219 = vector.broadcast %xor3A_218 : i32 to vector<16xi32>
      %xor3A_220 = arith.xori %iota3A, %xor3A_219 : vector<16xi32>
      %gather3A_221 = tpu.vector_load_idx %arg7[%xor3A_220] : memref<16xi32, #tpu.memory_space<vmem>>[vector<16xi32>], vector<16xi32>,
      %add3A_222 = arith.addi %scan3A_115#3, %gather3A_221 : vector<16xi32>
      %swap3A_223 = arith.constant 0 : index
      %swap3A_224 = tpu.vector_load %arg7[%swap3A_223] {strides = array<i32>} : memref<16xi32, #tpu.memory_space<vmem>>, vector<16xi32>,
      tpu.vector_store %arg7[%swap3A_223], %add3A_222 {strides = array<i32>} : memref<16xi32, #tpu.memory_space<vmem>>, vector<16xi32>,
      %xor3A_225 = arith.constant 4 : i32
      %xor3A_226 = vector.broadcast %xor3A_225 : i32 to vector<16xi32>
      %xor3A_227 = arith.xori %iota3A, %xor3A_226 : vector<16xi32>
      %gather3A_228 = tpu.vector_load_idx %arg7[%xor3A_227] : memref<16xi32, #tpu.memory_space<vmem>>[vector<16xi32>], vector<16xi32>,
      %add3A_229 = arith.addi %add3A_222, %gather3A_228 : vector<16xi32>
      %swap3A_230 = arith.constant 0 : index
      %swap3A_231 = tpu.vector_load %arg7[%swap3A_230] {strides = array<i32>} : memref<16xi32, #tpu.memory_space<vmem>>, vector<16xi32>,
      tpu.vector_store %arg7[%swap3A_230], %add3A_229 {strides = array<i32>} : memref<16xi32, #tpu.memory_space<vmem>>, vector<16xi32>,
      %xor3A_232 = arith.constant 2 : i32
      %xor3A_233 = vector.broadcast %xor3A_232 : i32 to vector<16xi32>
      %xor3A_234 = arith.xori %iota3A, %xor3A_233 : vector<16xi32>
      %gather3A_235 = tpu.vector_load_idx %arg7[%xor3A_234] : memref<16xi32, #tpu.memory_space<vmem>>[vector<16xi32>], vector<16xi32>,
      %add3A_236 = arith.addi %add3A_229, %gather3A_235 : vector<16xi32>
      %swap3A_237 = arith.constant 0 : index
      %swap3A_238 = tpu.vector_load %arg7[%swap3A_237] {strides = array<i32>} : memref<16xi32, #tpu.memory_space<vmem>>, vector<16xi32>,
      tpu.vector_store %arg7[%swap3A_237], %add3A_236 {strides = array<i32>} : memref<16xi32, #tpu.memory_space<vmem>>, vector<16xi32>,
      %xor3A_239 = arith.constant 1 : i32
      %xor3A_240 = vector.broadcast %xor3A_239 : i32 to vector<16xi32>
      %xor3A_241 = arith.xori %iota3A, %xor3A_240 : vector<16xi32>
      %gather3A_242 = tpu.vector_load_idx %arg7[%xor3A_241] : memref<16xi32, #tpu.memory_space<vmem>>[vector<16xi32>], vector<16xi32>,
      %add3A_243 = arith.addi %add3A_236, %gather3A_242 : vector<16xi32>
      %select_n3A_244 = arith.select %eq3A_215, %add3A_243, %select_n3A_212 : vector<16xi1>, vector<16xi32>
      %eq3A_245 = arith.constant 5 : i32
      %eq3A_246 = vector.broadcast %eq3A_245 : i32 to vector<16xi32>
      %eq3A_247 = arith.cmpi eq, %iota3A, %eq3A_246 : vector<16xi32>
      %swap3A_248 = arith.constant 0 : index
      %swap3A_249 = tpu.vector_load %arg7[%swap3A_248] {strides = array<i32>} : memref<16xi32, #tpu.memory_space<vmem>>, vector<16xi32>,
      tpu.vector_store %arg7[%swap3A_248], %scan3A_115#4 {strides = array<i32>} : memref<16xi32, #tpu.memory_space<vmem>>, vector<16xi32>,
      %xor3A_250 = arith.constant 8 : i32
      %xor3A_251 = vector.broadcast %xor3A_250 : i32 to vector<16xi32>
      %xor3A_252 = arith.xori %iota3A, %xor3A_251 : vector<16xi32>
      %gather3A_253 = tpu.vector_load_idx %arg7[%xor3A_252] : memref<16xi32, #tpu.memory_space<vmem>>[vector<16xi32>], vector<16xi32>,
      %add3A_254 = arith.addi %scan3A_115#4, %gather3A_253 : vector<16xi32>
      %swap3A_255 = arith.constant 0 : index
      %swap3A_256 = tpu.vector_load %arg7[%swap3A_255] {strides = array<i32>} : memref<16xi32, #tpu.memory_space<vmem>>, vector<16xi32>,
      tpu.vector_store %arg7[%swap3A_255], %add3A_254 {strides = array<i32>} : memref<16xi32, #tpu.memory_space<vmem>>, vector<16xi32>,
      %xor3A_257 = arith.constant 4 : i32
      %xor3A_258 = vector.broadcast %xor3A_257 : i32 to vector<16xi32>
      %xor3A_259 = arith.xori %iota3A, %xor3A_258 : vector<16xi32>
      %gather3A_260 = tpu.vector_load_idx %arg7[%xor3A_259] : memref<16xi32, #tpu.memory_space<vmem>>[vector<16xi32>], vector<16xi32>,
      %add3A_261 = arith.addi %add3A_254, %gather3A_260 : vector<16xi32>
      %swap3A_262 = arith.constant 0 : index
      %swap3A_263 = tpu.vector_load %arg7[%swap3A_262] {strides = array<i32>} : memref<16xi32, #tpu.memory_space<vmem>>, vector<16xi32>,
      tpu.vector_store %arg7[%swap3A_262], %add3A_261 {strides = array<i32>} : memref<16xi32, #tpu.memory_space<vmem>>, vector<16xi32>,
      %xor3A_264 = arith.constant 2 : i32
      %xor3A_265 = vector.broadcast %xor3A_264 : i32 to vector<16xi32>
      %xor3A_266 = arith.xori %iota3A, %xor3A_265 : vector<16xi32>
      %gather3A_267 = tpu.vector_load_idx %arg7[%xor3A_266] : memref<16xi32, #tpu.memory_space<vmem>>[vector<16xi32>], vector<16xi32>,
      %add3A_268 = arith.addi %add3A_261, %gather3A_267 : vector<16xi32>
      %swap3A_269 = arith.constant 0 : index
      %swap3A_270 = tpu.vector_load %arg7[%swap3A_269] {strides = array<i32>} : memref<16xi32, #tpu.memory_space<vmem>>, vector<16xi32>,
      tpu.vector_store %arg7[%swap3A_269], %add3A_268 {strides = array<i32>} : memref<16xi32, #tpu.memory_space<vmem>>, vector<16xi32>,
      %xor3A_271 = arith.constant 1 : i32
      %xor3A_272 = vector.broadcast %xor3A_271 : i32 to vector<16xi32>
      %xor3A_273 = arith.xori %iota3A, %xor3A_272 : vector<16xi32>
      %gather3A_274 = tpu.vector_load_idx %arg7[%xor3A_273] : memref<16xi32, #tpu.memory_space<vmem>>[vector<16xi32>], vector<16xi32>,
      %add3A_275 = arith.addi %add3A_268, %gather3A_274 : vector<16xi32>
      %select_n3A_276 = arith.select %eq3A_247, %add3A_275, %select_n3A_244 : vector<16xi1>, vector<16xi32>
      %eq3A_277 = arith.constant 6 : i32
      %eq3A_278 = vector.broadcast %eq3A_277 : i32 to vector<16xi32>
      %eq3A_279 = arith.cmpi eq, %iota3A, %eq3A_278 : vector<16xi32>
      %swap3A_280 = arith.constant 0 : index
      %swap3A_281 = tpu.vector_load %arg7[%swap3A_280] {strides = array<i32>} : memref<16xi32, #tpu.memory_space<vmem>>, vector<16xi32>,
      tpu.vector_store %arg7[%swap3A_280], %scan3A_115#5 {strides = array<i32>} : memref<16xi32, #tpu.memory_space<vmem>>, vector<16xi32>,
      %xor3A_282 = arith.constant 8 : i32
      %xor3A_283 = vector.broadcast %xor3A_282 : i32 to vector<16xi32>
      %xor3A_284 = arith.xori %iota3A, %xor3A_283 : vector<16xi32>
      %gather3A_285 = tpu.vector_load_idx %arg7[%xor3A_284] : memref<16xi32, #tpu.memory_space<vmem>>[vector<16xi32>], vector<16xi32>,
      %add3A_286 = arith.addi %scan3A_115#5, %gather3A_285 : vector<16xi32>
      %swap3A_287 = arith.constant 0 : index
      %swap3A_288 = tpu.vector_load %arg7[%swap3A_287] {strides = array<i32>} : memref<16xi32, #tpu.memory_space<vmem>>, vector<16xi32>,
      tpu.vector_store %arg7[%swap3A_287], %add3A_286 {strides = array<i32>} : memref<16xi32, #tpu.memory_space<vmem>>, vector<16xi32>,
      %xor3A_289 = arith.constant 4 : i32
      %xor3A_290 = vector.broadcast %xor3A_289 : i32 to vector<16xi32>
      %xor3A_291 = arith.xori %iota3A, %xor3A_290 : vector<16xi32>
      %gather3A_292 = tpu.vector_load_idx %arg7[%xor3A_291] : memref<16xi32, #tpu.memory_space<vmem>>[vector<16xi32>], vector<16xi32>,
      %add3A_293 = arith.addi %add3A_286, %gather3A_292 : vector<16xi32>
      %swap3A_294 = arith.constant 0 : index
      %swap3A_295 = tpu.vector_load %arg7[%swap3A_294] {strides = array<i32>} : memref<16xi32, #tpu.memory_space<vmem>>, vector<16xi32>,
      tpu.vector_store %arg7[%swap3A_294], %add3A_293 {strides = array<i32>} : memref<16xi32, #tpu.memory_space<vmem>>, vector<16xi32>,
      %xor3A_296 = arith.constant 2 : i32
      %xor3A_297 = vector.broadcast %xor3A_296 : i32 to vector<16xi32>
      %xor3A_298 = arith.xori %iota3A, %xor3A_297 : vector<16xi32>
      %gather3A_299 = tpu.vector_load_idx %arg7[%xor3A_298] : memref<16xi32, #tpu.memory_space<vmem>>[vector<16xi32>], vector<16xi32>,
      %add3A_300 = arith.addi %add3A_293, %gather3A_299 : vector<16xi32>
      %swap3A_301 = arith.constant 0 : index
      %swap3A_302 = tpu.vector_load %arg7[%swap3A_301] {strides = array<i32>} : memref<16xi32, #tpu.memory_space<vmem>>, vector<16xi32>,
      tpu.vector_store %arg7[%swap3A_301], %add3A_300 {strides = array<i32>} : memref<16xi32, #tpu.memory_space<vmem>>, vector<16xi32>,
      %xor3A_303 = arith.constant 1 : i32
      %xor3A_304 = vector.broadcast %xor3A_303 : i32 to vector<16xi32>
      %xor3A_305 = arith.xori %iota3A, %xor3A_304 : vector<16xi32>
      %gather3A_306 = tpu.vector_load_idx %arg7[%xor3A_305] : memref<16xi32, #tpu.memory_space<vmem>>[vector<16xi32>], vector<16xi32>,
      %add3A_307 = arith.addi %add3A_300, %gather3A_306 : vector<16xi32>
      %select_n3A_308 = arith.select %eq3A_279, %add3A_307, %select_n3A_276 : vector<16xi1>, vector<16xi32>
      %eq3A_309 = arith.constant 7 : i32
      %eq3A_310 = vector.broadcast %eq3A_309 : i32 to vector<16xi32>
      %eq3A_311 = arith.cmpi eq, %iota3A, %eq3A_310 : vector<16xi32>
      %swap3A_312 = arith.constant 0 : index
      %swap3A_313 = tpu.vector_load %arg7[%swap3A_312] {strides = array<i32>} : memref<16xi32, #tpu.memory_space<vmem>>, vector<16xi32>,
      tpu.vector_store %arg7[%swap3A_312], %scan3A_115#6 {strides = array<i32>} : memref<16xi32, #tpu.memory_space<vmem>>, vector<16xi32>,
      %xor3A_314 = arith.constant 8 : i32
      %xor3A_315 = vector.broadcast %xor3A_314 : i32 to vector<16xi32>
      %xor3A_316 = arith.xori %iota3A, %xor3A_315 : vector<16xi32>
      %gather3A_317 = tpu.vector_load_idx %arg7[%xor3A_316] : memref<16xi32, #tpu.memory_space<vmem>>[vector<16xi32>], vector<16xi32>,
      %add3A_318 = arith.addi %scan3A_115#6, %gather3A_317 : vector<16xi32>
      %swap3A_319 = arith.constant 0 : index
      %swap3A_320 = tpu.vector_load %arg7[%swap3A_319] {strides = array<i32>} : memref<16xi32, #tpu.memory_space<vmem>>, vector<16xi32>,
      tpu.vector_store %arg7[%swap3A_319], %add3A_318 {strides = array<i32>} : memref<16xi32, #tpu.memory_space<vmem>>, vector<16xi32>,
      %xor3A_321 = arith.constant 4 : i32
      %xor3A_322 = vector.broadcast %xor3A_321 : i32 to vector<16xi32>
      %xor3A_323 = arith.xori %iota3A, %xor3A_322 : vector<16xi32>
      %gather3A_324 = tpu.vector_load_idx %arg7[%xor3A_323] : memref<16xi32, #tpu.memory_space<vmem>>[vector<16xi32>], vector<16xi32>,
      %add3A_325 = arith.addi %add3A_318, %gather3A_324 : vector<16xi32>
      %swap3A_326 = arith.constant 0 : index
      %swap3A_327 = tpu.vector_load %arg7[%swap3A_326] {strides = array<i32>} : memref<16xi32, #tpu.memory_space<vmem>>, vector<16xi32>,
      tpu.vector_store %arg7[%swap3A_326], %add3A_325 {strides = array<i32>} : memref<16xi32, #tpu.memory_space<vmem>>, vector<16xi32>,
      %xor3A_328 = arith.constant 2 : i32
      %xor3A_329 = vector.broadcast %xor3A_328 : i32 to vector<16xi32>
      %xor3A_330 = arith.xori %iota3A, %xor3A_329 : vector<16xi32>
      %gather3A_331 = tpu.vector_load_idx %arg7[%xor3A_330] : memref<16xi32, #tpu.memory_space<vmem>>[vector<16xi32>], vector<16xi32>,
      %add3A_332 = arith.addi %add3A_325, %gather3A_331 : vector<16xi32>
      %swap3A_333 = arith.constant 0 : index
      %swap3A_334 = tpu.vector_load %arg7[%swap3A_333] {strides = array<i32>} : memref<16xi32, #tpu.memory_space<vmem>>, vector<16xi32>,
      tpu.vector_store %arg7[%swap3A_333], %add3A_332 {strides = array<i32>} : memref<16xi32, #tpu.memory_space<vmem>>, vector<16xi32>,
      %xor3A_335 = arith.constant 1 : i32
      %xor3A_336 = vector.broadcast %xor3A_335 : i32 to vector<16xi32>
      %xor3A_337 = arith.xori %iota3A, %xor3A_336 : vector<16xi32>
      %gather3A_338 = tpu.vector_load_idx %arg7[%xor3A_337] : memref<16xi32, #tpu.memory_space<vmem>>[vector<16xi32>], vector<16xi32>,
      %add3A_339 = arith.addi %add3A_332, %gather3A_338 : vector<16xi32>
      %select_n3A_340 = arith.select %eq3A_311, %add3A_339, %select_n3A_308 : vector<16xi1>, vector<16xi32>
      %eq3A_341 = arith.constant 8 : i32
      %eq3A_342 = vector.broadcast %eq3A_341 : i32 to vector<16xi32>
      %eq3A_343 = arith.cmpi eq, %iota3A, %eq3A_342 : vector<16xi32>
      %swap3A_344 = arith.constant 0 : index
      %swap3A_345 = tpu.vector_load %arg7[%swap3A_344] {strides = array<i32>} : memref<16xi32, #tpu.memory_space<vmem>>, vector<16xi32>,
      tpu.vector_store %arg7[%swap3A_344], %scan3A_115#7 {strides = array<i32>} : memref<16xi32, #tpu.memory_space<vmem>>, vector<16xi32>,
      %xor3A_346 = arith.constant 8 : i32
      %xor3A_347 = vector.broadcast %xor3A_346 : i32 to vector<16xi32>
      %xor3A_348 = arith.xori %iota3A, %xor3A_347 : vector<16xi32>
      %gather3A_349 = tpu.vector_load_idx %arg7[%xor3A_348] : memref<16xi32, #tpu.memory_space<vmem>>[vector<16xi32>], vector<16xi32>,
      %add3A_350 = arith.addi %scan3A_115#7, %gather3A_349 : vector<16xi32>
      %swap3A_351 = arith.constant 0 : index
      %swap3A_352 = tpu.vector_load %arg7[%swap3A_351] {strides = array<i32>} : memref<16xi32, #tpu.memory_space<vmem>>, vector<16xi32>,
      tpu.vector_store %arg7[%swap3A_351], %add3A_350 {strides = array<i32>} : memref<16xi32, #tpu.memory_space<vmem>>, vector<16xi32>,
      %xor3A_353 = arith.constant 4 : i32
      %xor3A_354 = vector.broadcast %xor3A_353 : i32 to vector<16xi32>
      %xor3A_355 = arith.xori %iota3A, %xor3A_354 : vector<16xi32>
      %gather3A_356 = tpu.vector_load_idx %arg7[%xor3A_355] : memref<16xi32, #tpu.memory_space<vmem>>[vector<16xi32>], vector<16xi32>,
      %add3A_357 = arith.addi %add3A_350, %gather3A_356 : vector<16xi32>
      %swap3A_358 = arith.constant 0 : index
      %swap3A_359 = tpu.vector_load %arg7[%swap3A_358] {strides = array<i32>} : memref<16xi32, #tpu.memory_space<vmem>>, vector<16xi32>,
      tpu.vector_store %arg7[%swap3A_358], %add3A_357 {strides = array<i32>} : memref<16xi32, #tpu.memory_space<vmem>>, vector<16xi32>,
      %xor3A_360 = arith.constant 2 : i32
      %xor3A_361 = vector.broadcast %xor3A_360 : i32 to vector<16xi32>
      %xor3A_362 = arith.xori %iota3A, %xor3A_361 : vector<16xi32>
      %gather3A_363 = tpu.vector_load_idx %arg7[%xor3A_362] : memref<16xi32, #tpu.memory_space<vmem>>[vector<16xi32>], vector<16xi32>,
      %add3A_364 = arith.addi %add3A_357, %gather3A_363 : vector<16xi32>
      %swap3A_365 = arith.constant 0 : index
      %swap3A_366 = tpu.vector_load %arg7[%swap3A_365] {strides = array<i32>} : memref<16xi32, #tpu.memory_space<vmem>>, vector<16xi32>,
      tpu.vector_store %arg7[%swap3A_365], %add3A_364 {strides = array<i32>} : memref<16xi32, #tpu.memory_space<vmem>>, vector<16xi32>,
      %xor3A_367 = arith.constant 1 : i32
      %xor3A_368 = vector.broadcast %xor3A_367 : i32 to vector<16xi32>
      %xor3A_369 = arith.xori %iota3A, %xor3A_368 : vector<16xi32>
      %gather3A_370 = tpu.vector_load_idx %arg7[%xor3A_369] : memref<16xi32, #tpu.memory_space<vmem>>[vector<16xi32>], vector<16xi32>,
      %add3A_371 = arith.addi %add3A_364, %gather3A_370 : vector<16xi32>
      %select_n3A_372 = arith.select %eq3A_343, %add3A_371, %select_n3A_340 : vector<16xi1>, vector<16xi32>
      %eq3A_373 = arith.constant 9 : i32
      %eq3A_374 = vector.broadcast %eq3A_373 : i32 to vector<16xi32>
      %eq3A_375 = arith.cmpi eq, %iota3A, %eq3A_374 : vector<16xi32>
      %swap3A_376 = arith.constant 0 : index
      %swap3A_377 = tpu.vector_load %arg7[%swap3A_376] {strides = array<i32>} : memref<16xi32, #tpu.memory_space<vmem>>, vector<16xi32>,
      tpu.vector_store %arg7[%swap3A_376], %scan3A_115#8 {strides = array<i32>} : memref<16xi32, #tpu.memory_space<vmem>>, vector<16xi32>,
      %xor3A_378 = arith.constant 8 : i32
      %xor3A_379 = vector.broadcast %xor3A_378 : i32 to vector<16xi32>
      %xor3A_380 = arith.xori %iota3A, %xor3A_379 : vector<16xi32>
      %gather3A_381 = tpu.vector_load_idx %arg7[%xor3A_380] : memref<16xi32, #tpu.memory_space<vmem>>[vector<16xi32>], vector<16xi32>,
      %add3A_382 = arith.addi %scan3A_115#8, %gather3A_381 : vector<16xi32>
      %swap3A_383 = arith.constant 0 : index
      %swap3A_384 = tpu.vector_load %arg7[%swap3A_383] {strides = array<i32>} : memref<16xi32, #tpu.memory_space<vmem>>, vector<16xi32>,
      tpu.vector_store %arg7[%swap3A_383], %add3A_382 {strides = array<i32>} : memref<16xi32, #tpu.memory_space<vmem>>, vector<16xi32>,
      %xor3A_385 = arith.constant 4 : i32
      %xor3A_386 = vector.broadcast %xor3A_385 : i32 to vector<16xi32>
      %xor3A_387 = arith.xori %iota3A, %xor3A_386 : vector<16xi32>
      %gather3A_388 = tpu.vector_load_idx %arg7[%xor3A_387] : memref<16xi32, #tpu.memory_space<vmem>>[vector<16xi32>], vector<16xi32>,
      %add3A_389 = arith.addi %add3A_382, %gather3A_388 : vector<16xi32>
      %swap3A_390 = arith.constant 0 : index
      %swap3A_391 = tpu.vector_load %arg7[%swap3A_390] {strides = array<i32>} : memref<16xi32, #tpu.memory_space<vmem>>, vector<16xi32>,
      tpu.vector_store %arg7[%swap3A_390], %add3A_389 {strides = array<i32>} : memref<16xi32, #tpu.memory_space<vmem>>, vector<16xi32>,
      %xor3A_392 = arith.constant 2 : i32
      %xor3A_393 = vector.broadcast %xor3A_392 : i32 to vector<16xi32>
      %xor3A_394 = arith.xori %iota3A, %xor3A_393 : vector<16xi32>
      %gather3A_395 = tpu.vector_load_idx %arg7[%xor3A_394] : memref<16xi32, #tpu.memory_space<vmem>>[vector<16xi32>], vector<16xi32>,
      %add3A_396 = arith.addi %add3A_389, %gather3A_395 : vector<16xi32>
      %swap3A_397 = arith.constant 0 : index
      %swap3A_398 = tpu.vector_load %arg7[%swap3A_397] {strides = array<i32>} : memref<16xi32, #tpu.memory_space<vmem>>, vector<16xi32>,
      tpu.vector_store %arg7[%swap3A_397], %add3A_396 {strides = array<i32>} : memref<16xi32, #tpu.memory_space<vmem>>, vector<16xi32>,
      %xor3A_399 = arith.constant 1 : i32
      %xor3A_400 = vector.broadcast %xor3A_399 : i32 to vector<16xi32>
      %xor3A_401 = arith.xori %iota3A, %xor3A_400 : vector<16xi32>
      %gather3A_402 = tpu.vector_load_idx %arg7[%xor3A_401] : memref<16xi32, #tpu.memory_space<vmem>>[vector<16xi32>], vector<16xi32>,
      %add3A_403 = arith.addi %add3A_396, %gather3A_402 : vector<16xi32>
      %select_n3A_404 = arith.select %eq3A_375, %add3A_403, %select_n3A_372 : vector<16xi1>, vector<16xi32>
      %eq3A_405 = arith.constant 10 : i32
      %eq3A_406 = vector.broadcast %eq3A_405 : i32 to vector<16xi32>
      %eq3A_407 = arith.cmpi eq, %iota3A, %eq3A_406 : vector<16xi32>
      %swap3A_408 = arith.constant 0 : index
      %swap3A_409 = tpu.vector_load %arg7[%swap3A_408] {strides = array<i32>} : memref<16xi32, #tpu.memory_space<vmem>>, vector<16xi32>,
      tpu.vector_store %arg7[%swap3A_408], %scan3A_115#9 {strides = array<i32>} : memref<16xi32, #tpu.memory_space<vmem>>, vector<16xi32>,
      %xor3A_410 = arith.constant 8 : i32
      %xor3A_411 = vector.broadcast %xor3A_410 : i32 to vector<16xi32>
      %xor3A_412 = arith.xori %iota3A, %xor3A_411 : vector<16xi32>
      %gather3A_413 = tpu.vector_load_idx %arg7[%xor3A_412] : memref<16xi32, #tpu.memory_space<vmem>>[vector<16xi32>], vector<16xi32>,
      %add3A_414 = arith.addi %scan3A_115#9, %gather3A_413 : vector<16xi32>
      %swap3A_415 = arith.constant 0 : index
      %swap3A_416 = tpu.vector_load %arg7[%swap3A_415] {strides = array<i32>} : memref<16xi32, #tpu.memory_space<vmem>>, vector<16xi32>,
      tpu.vector_store %arg7[%swap3A_415], %add3A_414 {strides = array<i32>} : memref<16xi32, #tpu.memory_space<vmem>>, vector<16xi32>,
      %xor3A_417 = arith.constant 4 : i32
      %xor3A_418 = vector.broadcast %xor3A_417 : i32 to vector<16xi32>
      %xor3A_419 = arith.xori %iota3A, %xor3A_418 : vector<16xi32>
      %gather3A_420 = tpu.vector_load_idx %arg7[%xor3A_419] : memref<16xi32, #tpu.memory_space<vmem>>[vector<16xi32>], vector<16xi32>,
      %add3A_421 = arith.addi %add3A_414, %gather3A_420 : vector<16xi32>
      %swap3A_422 = arith.constant 0 : index
      %swap3A_423 = tpu.vector_load %arg7[%swap3A_422] {strides = array<i32>} : memref<16xi32, #tpu.memory_space<vmem>>, vector<16xi32>,
      tpu.vector_store %arg7[%swap3A_422], %add3A_421 {strides = array<i32>} : memref<16xi32, #tpu.memory_space<vmem>>, vector<16xi32>,
      %xor3A_424 = arith.constant 2 : i32
      %xor3A_425 = vector.broadcast %xor3A_424 : i32 to vector<16xi32>
      %xor3A_426 = arith.xori %iota3A, %xor3A_425 : vector<16xi32>
      %gather3A_427 = tpu.vector_load_idx %arg7[%xor3A_426] : memref<16xi32, #tpu.memory_space<vmem>>[vector<16xi32>], vector<16xi32>,
      %add3A_428 = arith.addi %add3A_421, %gather3A_427 : vector<16xi32>
      %swap3A_429 = arith.constant 0 : index
      %swap3A_430 = tpu.vector_load %arg7[%swap3A_429] {strides = array<i32>} : memref<16xi32, #tpu.memory_space<vmem>>, vector<16xi32>,
      tpu.vector_store %arg7[%swap3A_429], %add3A_428 {strides = array<i32>} : memref<16xi32, #tpu.memory_space<vmem>>, vector<16xi32>,
      %xor3A_431 = arith.constant 1 : i32
      %xor3A_432 = vector.broadcast %xor3A_431 : i32 to vector<16xi32>
      %xor3A_433 = arith.xori %iota3A, %xor3A_432 : vector<16xi32>
      %gather3A_434 = tpu.vector_load_idx %arg7[%xor3A_433] : memref<16xi32, #tpu.memory_space<vmem>>[vector<16xi32>], vector<16xi32>,
      %add3A_435 = arith.addi %add3A_428, %gather3A_434 : vector<16xi32>
      %select_n3A_436 = arith.select %eq3A_407, %add3A_435, %select_n3A_404 : vector<16xi1>, vector<16xi32>
      %eq3A_437 = arith.constant 11 : i32
      %eq3A_438 = vector.broadcast %eq3A_437 : i32 to vector<16xi32>
      %eq3A_439 = arith.cmpi eq, %iota3A, %eq3A_438 : vector<16xi32>
      %swap3A_440 = arith.constant 0 : index
      %swap3A_441 = tpu.vector_load %arg7[%swap3A_440] {strides = array<i32>} : memref<16xi32, #tpu.memory_space<vmem>>, vector<16xi32>,
      tpu.vector_store %arg7[%swap3A_440], %scan3A_115#10 {strides = array<i32>} : memref<16xi32, #tpu.memory_space<vmem>>, vector<16xi32>,
      %xor3A_442 = arith.constant 8 : i32
      %xor3A_443 = vector.broadcast %xor3A_442 : i32 to vector<16xi32>
      %xor3A_444 = arith.xori %iota3A, %xor3A_443 : vector<16xi32>
      %gather3A_445 = tpu.vector_load_idx %arg7[%xor3A_444] : memref<16xi32, #tpu.memory_space<vmem>>[vector<16xi32>], vector<16xi32>,
      %add3A_446 = arith.addi %scan3A_115#10, %gather3A_445 : vector<16xi32>
      %swap3A_447 = arith.constant 0 : index
      %swap3A_448 = tpu.vector_load %arg7[%swap3A_447] {strides = array<i32>} : memref<16xi32, #tpu.memory_space<vmem>>, vector<16xi32>,
      tpu.vector_store %arg7[%swap3A_447], %add3A_446 {strides = array<i32>} : memref<16xi32, #tpu.memory_space<vmem>>, vector<16xi32>,
      %xor3A_449 = arith.constant 4 : i32
      %xor3A_450 = vector.broadcast %xor3A_449 : i32 to vector<16xi32>
      %xor3A_451 = arith.xori %iota3A, %xor3A_450 : vector<16xi32>
      %gather3A_452 = tpu.vector_load_idx %arg7[%xor3A_451] : memref<16xi32, #tpu.memory_space<vmem>>[vector<16xi32>], vector<16xi32>,
      %add3A_453 = arith.addi %add3A_446, %gather3A_452 : vector<16xi32>
      %swap3A_454 = arith.constant 0 : index
      %swap3A_455 = tpu.vector_load %arg7[%swap3A_454] {strides = array<i32>} : memref<16xi32, #tpu.memory_space<vmem>>, vector<16xi32>,
      tpu.vector_store %arg7[%swap3A_454], %add3A_453 {strides = array<i32>} : memref<16xi32, #tpu.memory_space<vmem>>, vector<16xi32>,
      %xor3A_456 = arith.constant 2 : i32
      %xor3A_457 = vector.broadcast %xor3A_456 : i32 to vector<16xi32>
      %xor3A_458 = arith.xori %iota3A, %xor3A_457 : vector<16xi32>
      %gather3A_459 = tpu.vector_load_idx %arg7[%xor3A_458] : memref<16xi32, #tpu.memory_space<vmem>>[vector<16xi32>], vector<16xi32>,
      %add3A_460 = arith.addi %add3A_453, %gather3A_459 : vector<16xi32>
      %swap3A_461 = arith.constant 0 : index
      %swap3A_462 = tpu.vector_load %arg7[%swap3A_461] {strides = array<i32>} : memref<16xi32, #tpu.memory_space<vmem>>, vector<16xi32>,
      tpu.vector_store %arg7[%swap3A_461], %add3A_460 {strides = array<i32>} : memref<16xi32, #tpu.memory_space<vmem>>, vector<16xi32>,
      %xor3A_463 = arith.constant 1 : i32
      %xor3A_464 = vector.broadcast %xor3A_463 : i32 to vector<16xi32>
      %xor3A_465 = arith.xori %iota3A, %xor3A_464 : vector<16xi32>
      %gather3A_466 = tpu.vector_load_idx %arg7[%xor3A_465] : memref<16xi32, #tpu.memory_space<vmem>>[vector<16xi32>], vector<16xi32>,
      %add3A_467 = arith.addi %add3A_460, %gather3A_466 : vector<16xi32>
      %select_n3A_468 = arith.select %eq3A_439, %add3A_467, %select_n3A_436 : vector<16xi1>, vector<16xi32>
      %eq3A_469 = arith.constant 12 : i32
      %eq3A_470 = vector.broadcast %eq3A_469 : i32 to vector<16xi32>
      %eq3A_471 = arith.cmpi eq, %iota3A, %eq3A_470 : vector<16xi32>
      %swap3A_472 = arith.constant 0 : index
      %swap3A_473 = tpu.vector_load %arg7[%swap3A_472] {strides = array<i32>} : memref<16xi32, #tpu.memory_space<vmem>>, vector<16xi32>,
      tpu.vector_store %arg7[%swap3A_472], %scan3A_115#11 {strides = array<i32>} : memref<16xi32, #tpu.memory_space<vmem>>, vector<16xi32>,
      %xor3A_474 = arith.constant 8 : i32
      %xor3A_475 = vector.broadcast %xor3A_474 : i32 to vector<16xi32>
      %xor3A_476 = arith.xori %iota3A, %xor3A_475 : vector<16xi32>
      %gather3A_477 = tpu.vector_load_idx %arg7[%xor3A_476] : memref<16xi32, #tpu.memory_space<vmem>>[vector<16xi32>], vector<16xi32>,
      %add3A_478 = arith.addi %scan3A_115#11, %gather3A_477 : vector<16xi32>
      %swap3A_479 = arith.constant 0 : index
      %swap3A_480 = tpu.vector_load %arg7[%swap3A_479] {strides = array<i32>} : memref<16xi32, #tpu.memory_space<vmem>>, vector<16xi32>,
      tpu.vector_store %arg7[%swap3A_479], %add3A_478 {strides = array<i32>} : memref<16xi32, #tpu.memory_space<vmem>>, vector<16xi32>,
      %xor3A_481 = arith.constant 4 : i32
      %xor3A_482 = vector.broadcast %xor3A_481 : i32 to vector<16xi32>
      %xor3A_483 = arith.xori %iota3A, %xor3A_482 : vector<16xi32>
      %gather3A_484 = tpu.vector_load_idx %arg7[%xor3A_483] : memref<16xi32, #tpu.memory_space<vmem>>[vector<16xi32>], vector<16xi32>,
      %add3A_485 = arith.addi %add3A_478, %gather3A_484 : vector<16xi32>
      %swap3A_486 = arith.constant 0 : index
      %swap3A_487 = tpu.vector_load %arg7[%swap3A_486] {strides = array<i32>} : memref<16xi32, #tpu.memory_space<vmem>>, vector<16xi32>,
      tpu.vector_store %arg7[%swap3A_486], %add3A_485 {strides = array<i32>} : memref<16xi32, #tpu.memory_space<vmem>>, vector<16xi32>,
      %xor3A_488 = arith.constant 2 : i32
      %xor3A_489 = vector.broadcast %xor3A_488 : i32 to vector<16xi32>
      %xor3A_490 = arith.xori %iota3A, %xor3A_489 : vector<16xi32>
      %gather3A_491 = tpu.vector_load_idx %arg7[%xor3A_490] : memref<16xi32, #tpu.memory_space<vmem>>[vector<16xi32>], vector<16xi32>,
      %add3A_492 = arith.addi %add3A_485, %gather3A_491 : vector<16xi32>
      %swap3A_493 = arith.constant 0 : index
      %swap3A_494 = tpu.vector_load %arg7[%swap3A_493] {strides = array<i32>} : memref<16xi32, #tpu.memory_space<vmem>>, vector<16xi32>,
      tpu.vector_store %arg7[%swap3A_493], %add3A_492 {strides = array<i32>} : memref<16xi32, #tpu.memory_space<vmem>>, vector<16xi32>,
      %xor3A_495 = arith.constant 1 : i32
      %xor3A_496 = vector.broadcast %xor3A_495 : i32 to vector<16xi32>
      %xor3A_497 = arith.xori %iota3A, %xor3A_496 : vector<16xi32>
      %gather3A_498 = tpu.vector_load_idx %arg7[%xor3A_497] : memref<16xi32, #tpu.memory_space<vmem>>[vector<16xi32>], vector<16xi32>,
      %add3A_499 = arith.addi %add3A_492, %gather3A_498 : vector<16xi32>
      %select_n3A_500 = arith.select %eq3A_471, %add3A_499, %select_n3A_468 : vector<16xi1>, vector<16xi32>
      %eq3A_501 = arith.constant 13 : i32
      %eq3A_502 = vector.broadcast %eq3A_501 : i32 to vector<16xi32>
      %eq3A_503 = arith.cmpi eq, %iota3A, %eq3A_502 : vector<16xi32>
      %swap3A_504 = arith.constant 0 : index
      %swap3A_505 = tpu.vector_load %arg7[%swap3A_504] {strides = array<i32>} : memref<16xi32, #tpu.memory_space<vmem>>, vector<16xi32>,
      tpu.vector_store %arg7[%swap3A_504], %scan3A_115#12 {strides = array<i32>} : memref<16xi32, #tpu.memory_space<vmem>>, vector<16xi32>,
      %xor3A_506 = arith.constant 8 : i32
      %xor3A_507 = vector.broadcast %xor3A_506 : i32 to vector<16xi32>
      %xor3A_508 = arith.xori %iota3A, %xor3A_507 : vector<16xi32>
      %gather3A_509 = tpu.vector_load_idx %arg7[%xor3A_508] : memref<16xi32, #tpu.memory_space<vmem>>[vector<16xi32>], vector<16xi32>,
      %add3A_510 = arith.addi %scan3A_115#12, %gather3A_509 : vector<16xi32>
      %swap3A_511 = arith.constant 0 : index
      %swap3A_512 = tpu.vector_load %arg7[%swap3A_511] {strides = array<i32>} : memref<16xi32, #tpu.memory_space<vmem>>, vector<16xi32>,
      tpu.vector_store %arg7[%swap3A_511], %add3A_510 {strides = array<i32>} : memref<16xi32, #tpu.memory_space<vmem>>, vector<16xi32>,
      %xor3A_513 = arith.constant 4 : i32
      %xor3A_514 = vector.broadcast %xor3A_513 : i32 to vector<16xi32>
      %xor3A_515 = arith.xori %iota3A, %xor3A_514 : vector<16xi32>
      %gather3A_516 = tpu.vector_load_idx %arg7[%xor3A_515] : memref<16xi32, #tpu.memory_space<vmem>>[vector<16xi32>], vector<16xi32>,
      %add3A_517 = arith.addi %add3A_510, %gather3A_516 : vector<16xi32>
      %swap3A_518 = arith.constant 0 : index
      %swap3A_519 = tpu.vector_load %arg7[%swap3A_518] {strides = array<i32>} : memref<16xi32, #tpu.memory_space<vmem>>, vector<16xi32>,
      tpu.vector_store %arg7[%swap3A_518], %add3A_517 {strides = array<i32>} : memref<16xi32, #tpu.memory_space<vmem>>, vector<16xi32>,
      %xor3A_520 = arith.constant 2 : i32
      %xor3A_521 = vector.broadcast %xor3A_520 : i32 to vector<16xi32>
      %xor3A_522 = arith.xori %iota3A, %xor3A_521 : vector<16xi32>
      %gather3A_523 = tpu.vector_load_idx %arg7[%xor3A_522] : memref<16xi32, #tpu.memory_space<vmem>>[vector<16xi32>], vector<16xi32>,
      %add3A_524 = arith.addi %add3A_517, %gather3A_523 : vector<16xi32>
      %swap3A_525 = arith.constant 0 : index
      %swap3A_526 = tpu.vector_load %arg7[%swap3A_525] {strides = array<i32>} : memref<16xi32, #tpu.memory_space<vmem>>, vector<16xi32>,
      tpu.vector_store %arg7[%swap3A_525], %add3A_524 {strides = array<i32>} : memref<16xi32, #tpu.memory_space<vmem>>, vector<16xi32>,
      %xor3A_527 = arith.constant 1 : i32
      %xor3A_528 = vector.broadcast %xor3A_527 : i32 to vector<16xi32>
      %xor3A_529 = arith.xori %iota3A, %xor3A_528 : vector<16xi32>
      %gather3A_530 = tpu.vector_load_idx %arg7[%xor3A_529] : memref<16xi32, #tpu.memory_space<vmem>>[vector<16xi32>], vector<16xi32>,
      %add3A_531 = arith.addi %add3A_524, %gather3A_530 : vector<16xi32>
      %select_n3A_532 = arith.select %eq3A_503, %add3A_531, %select_n3A_500 : vector<16xi1>, vector<16xi32>
      %eq3A_533 = arith.constant 14 : i32
      %eq3A_534 = vector.broadcast %eq3A_533 : i32 to vector<16xi32>
      %eq3A_535 = arith.cmpi eq, %iota3A, %eq3A_534 : vector<16xi32>
      %swap3A_536 = arith.constant 0 : index
      %swap3A_537 = tpu.vector_load %arg7[%swap3A_536] {strides = array<i32>} : memref<16xi32, #tpu.memory_space<vmem>>, vector<16xi32>,
      tpu.vector_store %arg7[%swap3A_536], %scan3A_115#13 {strides = array<i32>} : memref<16xi32, #tpu.memory_space<vmem>>, vector<16xi32>,
      %xor3A_538 = arith.constant 8 : i32
      %xor3A_539 = vector.broadcast %xor3A_538 : i32 to vector<16xi32>
      %xor3A_540 = arith.xori %iota3A, %xor3A_539 : vector<16xi32>
      %gather3A_541 = tpu.vector_load_idx %arg7[%xor3A_540] : memref<16xi32, #tpu.memory_space<vmem>>[vector<16xi32>], vector<16xi32>,
      %add3A_542 = arith.addi %scan3A_115#13, %gather3A_541 : vector<16xi32>
      %swap3A_543 = arith.constant 0 : index
      %swap3A_544 = tpu.vector_load %arg7[%swap3A_543] {strides = array<i32>} : memref<16xi32, #tpu.memory_space<vmem>>, vector<16xi32>,
      tpu.vector_store %arg7[%swap3A_543], %add3A_542 {strides = array<i32>} : memref<16xi32, #tpu.memory_space<vmem>>, vector<16xi32>,
      %xor3A_545 = arith.constant 4 : i32
      %xor3A_546 = vector.broadcast %xor3A_545 : i32 to vector<16xi32>
      %xor3A_547 = arith.xori %iota3A, %xor3A_546 : vector<16xi32>
      %gather3A_548 = tpu.vector_load_idx %arg7[%xor3A_547] : memref<16xi32, #tpu.memory_space<vmem>>[vector<16xi32>], vector<16xi32>,
      %add3A_549 = arith.addi %add3A_542, %gather3A_548 : vector<16xi32>
      %swap3A_550 = arith.constant 0 : index
      %swap3A_551 = tpu.vector_load %arg7[%swap3A_550] {strides = array<i32>} : memref<16xi32, #tpu.memory_space<vmem>>, vector<16xi32>,
      tpu.vector_store %arg7[%swap3A_550], %add3A_549 {strides = array<i32>} : memref<16xi32, #tpu.memory_space<vmem>>, vector<16xi32>,
      %xor3A_552 = arith.constant 2 : i32
      %xor3A_553 = vector.broadcast %xor3A_552 : i32 to vector<16xi32>
      %xor3A_554 = arith.xori %iota3A, %xor3A_553 : vector<16xi32>
      %gather3A_555 = tpu.vector_load_idx %arg7[%xor3A_554] : memref<16xi32, #tpu.memory_space<vmem>>[vector<16xi32>], vector<16xi32>,
      %add3A_556 = arith.addi %add3A_549, %gather3A_555 : vector<16xi32>
      %swap3A_557 = arith.constant 0 : index
      %swap3A_558 = tpu.vector_load %arg7[%swap3A_557] {strides = array<i32>} : memref<16xi32, #tpu.memory_space<vmem>>, vector<16xi32>,
      tpu.vector_store %arg7[%swap3A_557], %add3A_556 {strides = array<i32>} : memref<16xi32, #tpu.memory_space<vmem>>, vector<16xi32>,
      %xor3A_559 = arith.constant 1 : i32
      %xor3A_560 = vector.broadcast %xor3A_559 : i32 to vector<16xi32>
      %xor3A_561 = arith.xori %iota3A, %xor3A_560 : vector<16xi32>
      %gather3A_562 = tpu.vector_load_idx %arg7[%xor3A_561] : memref<16xi32, #tpu.memory_space<vmem>>[vector<16xi32>], vector<16xi32>,
      %add3A_563 = arith.addi %add3A_556, %gather3A_562 : vector<16xi32>
      %select_n3A_564 = arith.select %eq3A_535, %add3A_563, %select_n3A_532 : vector<16xi1>, vector<16xi32>
      %eq3A_565 = arith.constant 15 : i32
      %eq3A_566 = vector.broadcast %eq3A_565 : i32 to vector<16xi32>
      %eq3A_567 = arith.cmpi eq, %iota3A, %eq3A_566 : vector<16xi32>
      %swap3A_568 = arith.constant 0 : index
      %swap3A_569 = tpu.vector_load %arg7[%swap3A_568] {strides = array<i32>} : memref<16xi32, #tpu.memory_space<vmem>>, vector<16xi32>,
      tpu.vector_store %arg7[%swap3A_568], %scan3A_115#14 {strides = array<i32>} : memref<16xi32, #tpu.memory_space<vmem>>, vector<16xi32>,
      %xor3A_570 = arith.constant 8 : i32
      %xor3A_571 = vector.broadcast %xor3A_570 : i32 to vector<16xi32>
      %xor3A_572 = arith.xori %iota3A, %xor3A_571 : vector<16xi32>
      %gather3A_573 = tpu.vector_load_idx %arg7[%xor3A_572] : memref<16xi32, #tpu.memory_space<vmem>>[vector<16xi32>], vector<16xi32>,
      %add3A_574 = arith.addi %scan3A_115#14, %gather3A_573 : vector<16xi32>
      %swap3A_575 = arith.constant 0 : index
      %swap3A_576 = tpu.vector_load %arg7[%swap3A_575] {strides = array<i32>} : memref<16xi32, #tpu.memory_space<vmem>>, vector<16xi32>,
      tpu.vector_store %arg7[%swap3A_575], %add3A_574 {strides = array<i32>} : memref<16xi32, #tpu.memory_space<vmem>>, vector<16xi32>,
      %xor3A_577 = arith.constant 4 : i32
      %xor3A_578 = vector.broadcast %xor3A_577 : i32 to vector<16xi32>
      %xor3A_579 = arith.xori %iota3A, %xor3A_578 : vector<16xi32>
      %gather3A_580 = tpu.vector_load_idx %arg7[%xor3A_579] : memref<16xi32, #tpu.memory_space<vmem>>[vector<16xi32>], vector<16xi32>,
      %add3A_581 = arith.addi %add3A_574, %gather3A_580 : vector<16xi32>
      %swap3A_582 = arith.constant 0 : index
      %swap3A_583 = tpu.vector_load %arg7[%swap3A_582] {strides = array<i32>} : memref<16xi32, #tpu.memory_space<vmem>>, vector<16xi32>,
      tpu.vector_store %arg7[%swap3A_582], %add3A_581 {strides = array<i32>} : memref<16xi32, #tpu.memory_space<vmem>>, vector<16xi32>,
      %xor3A_584 = arith.constant 2 : i32
      %xor3A_585 = vector.broadcast %xor3A_584 : i32 to vector<16xi32>
      %xor3A_586 = arith.xori %iota3A, %xor3A_585 : vector<16xi32>
      %gather3A_587 = tpu.vector_load_idx %arg7[%xor3A_586] : memref<16xi32, #tpu.memory_space<vmem>>[vector<16xi32>], vector<16xi32>,
      %add3A_588 = arith.addi %add3A_581, %gather3A_587 : vector<16xi32>
      %swap3A_589 = arith.constant 0 : index
      %swap3A_590 = tpu.vector_load %arg7[%swap3A_589] {strides = array<i32>} : memref<16xi32, #tpu.memory_space<vmem>>, vector<16xi32>,
      tpu.vector_store %arg7[%swap3A_589], %add3A_588 {strides = array<i32>} : memref<16xi32, #tpu.memory_space<vmem>>, vector<16xi32>,
      %xor3A_591 = arith.constant 1 : i32
      %xor3A_592 = vector.broadcast %xor3A_591 : i32 to vector<16xi32>
      %xor3A_593 = arith.xori %iota3A, %xor3A_592 : vector<16xi32>
      %gather3A_594 = tpu.vector_load_idx %arg7[%xor3A_593] : memref<16xi32, #tpu.memory_space<vmem>>[vector<16xi32>], vector<16xi32>,
      %add3A_595 = arith.addi %add3A_588, %gather3A_594 : vector<16xi32>
      %select_n3A_596 = arith.select %eq3A_567, %add3A_595, %select_n3A_564 : vector<16xi1>, vector<16xi32>
      %add3A_597 = arith.constant 9 : i32
      %add3A_598 = arith.addi %add3A_597, %scan3A_105 : i32
      %swap3A_599 = arith.constant 0 : index
      %swap3A_600 = tpu.vector_load %arg6[%swap3A_599] {strides = array<i32>} : memref<16xi32, #tpu.memory_space<vmem>>, vector<16xi32>,
      tpu.vector_store %arg6[%swap3A_599], %select_n3A_596 {strides = array<i32>} : memref<16xi32, #tpu.memory_space<vmem>>, vector<16xi32>,
      "tpu.region"() ({
        %run_scoped3A_641 = tpu.sem_alloc : memref<!tpu.dma_semaphore, #tpu.memory_space<semaphore_mem>>
        %dma_start3A = arith.constant 0 : i32
        %dma_start3A_642 = tpu.memref_slice %arg10[%add3A_598, %arg1, %dma_start3A] : memref<13x16x16xi32, #tpu.memory_space<vmem_shared>> -> memref<1x1x16xi32, #tpu.memory_space<vmem_shared>>
        %dma_start3A_643 = tpu.memref_squeeze %dma_start3A_642 : memref<1x1x16xi32, #tpu.memory_space<vmem_shared>> -> memref<16xi32, #tpu.memory_space<vmem_shared>>
        %dma_start3A_644 = arith.constant 0 : i32
        %dma_start3A_645 = tpu.memref_slice %arg10[%add3A_598, %arg1, %dma_start3A_644] : memref<13x16x16xi32, #tpu.memory_space<vmem_shared>> -> memref<1x1x16xi32, #tpu.memory_space<vmem_shared>>
        %dma_start3A_646 = tpu.memref_squeeze %dma_start3A_645 : memref<1x1x16xi32, #tpu.memory_space<vmem_shared>> -> memref<16xi32, #tpu.memory_space<vmem_shared>>
        tpu.enqueue_dma source(%arg6 : memref<16xi32, #tpu.memory_space<vmem>>) target(%dma_start3A_646 : memref<16xi32, #tpu.memory_space<vmem_shared>>) target_semaphore(%run_scoped3A_641 : memref<!tpu.dma_semaphore, #tpu.memory_space<semaphore_mem>>)
        %dma_wait3A = arith.constant 0 : i32
        %dma_wait3A_647 = tpu.memref_slice %arg10[%add3A_598, %arg1, %dma_wait3A] : memref<13x16x16xi32, #tpu.memory_space<vmem_shared>> -> memref<1x1x16xi32, #tpu.memory_space<vmem_shared>>
        %dma_wait3A_648 = tpu.memref_squeeze %dma_wait3A_647 : memref<1x1x16xi32, #tpu.memory_space<vmem_shared>> -> memref<16xi32, #tpu.memory_space<vmem_shared>>
        %dma_wait3A_649 = arith.constant 0 : i32
        %dma_wait3A_650 = tpu.memref_slice %arg10[%add3A_598, %arg1, %dma_wait3A_649] : memref<13x16x16xi32, #tpu.memory_space<vmem_shared>> -> memref<1x1x16xi32, #tpu.memory_space<vmem_shared>>
        %dma_wait3A_651 = tpu.memref_squeeze %dma_wait3A_650 : memref<1x1x16xi32, #tpu.memory_space<vmem_shared>> -> memref<16xi32, #tpu.memory_space<vmem_shared>>
        tpu.wait_dma2 semaphore(%run_scoped3A_641 : memref<!tpu.dma_semaphore, #tpu.memory_space<semaphore_mem>>) src(%arg6 : memref<16xi32, #tpu.memory_space<vmem>>) dst(%dma_wait3A_651 : memref<16xi32, #tpu.memory_space<vmem_shared>>)
        tpu.yield
      }) : () -> ()
      %barrier3A_601 = arith.constant 0 : index
      tpu.barrier barrier_id(%barrier3A_601)
      "tpu.region"() ({
        %run_scoped3A_641 = tpu.sem_alloc : memref<!tpu.dma_semaphore, #tpu.memory_space<semaphore_mem>>
        %dma_start3A = arith.constant 0 : i32
        %dma_start3A_642 = arith.constant 0 : i32
        %dma_start3A_643 = tpu.memref_slice %arg10[%add3A_598, %dma_start3A, %dma_start3A_642] : memref<13x16x16xi32, #tpu.memory_space<vmem_shared>> -> memref<1x16x16xi32, #tpu.memory_space<vmem_shared>>
        %dma_start3A_644 = tpu.memref_squeeze %dma_start3A_643 : memref<1x16x16xi32, #tpu.memory_space<vmem_shared>> -> memref<16x16xi32, #tpu.memory_space<vmem_shared>>
        %dma_start3A_645 = arith.constant 0 : i32
        %dma_start3A_646 = arith.constant 0 : i32
        %dma_start3A_647 = tpu.memref_slice %arg10[%add3A_598, %dma_start3A_645, %dma_start3A_646] : memref<13x16x16xi32, #tpu.memory_space<vmem_shared>> -> memref<1x16x16xi32, #tpu.memory_space<vmem_shared>>
        %dma_start3A_648 = tpu.memref_squeeze %dma_start3A_647 : memref<1x16x16xi32, #tpu.memory_space<vmem_shared>> -> memref<16x16xi32, #tpu.memory_space<vmem_shared>>
        tpu.enqueue_dma source(%dma_start3A_648 : memref<16x16xi32, #tpu.memory_space<vmem_shared>>) target(%arg8 : memref<16x16xi32, #tpu.memory_space<vmem>>) target_semaphore(%run_scoped3A_641 : memref<!tpu.dma_semaphore, #tpu.memory_space<semaphore_mem>>)
        %dma_wait3A = arith.constant 0 : i32
        %dma_wait3A_649 = arith.constant 0 : i32
        %dma_wait3A_650 = tpu.memref_slice %arg10[%add3A_598, %dma_wait3A, %dma_wait3A_649] : memref<13x16x16xi32, #tpu.memory_space<vmem_shared>> -> memref<1x16x16xi32, #tpu.memory_space<vmem_shared>>
        %dma_wait3A_651 = tpu.memref_squeeze %dma_wait3A_650 : memref<1x16x16xi32, #tpu.memory_space<vmem_shared>> -> memref<16x16xi32, #tpu.memory_space<vmem_shared>>
        %dma_wait3A_652 = arith.constant 0 : i32
        %dma_wait3A_653 = arith.constant 0 : i32
        %dma_wait3A_654 = tpu.memref_slice %arg10[%add3A_598, %dma_wait3A_652, %dma_wait3A_653] : memref<13x16x16xi32, #tpu.memory_space<vmem_shared>> -> memref<1x16x16xi32, #tpu.memory_space<vmem_shared>>
        %dma_wait3A_655 = tpu.memref_squeeze %dma_wait3A_654 : memref<1x16x16xi32, #tpu.memory_space<vmem_shared>> -> memref<16x16xi32, #tpu.memory_space<vmem_shared>>
        tpu.wait_dma2 semaphore(%run_scoped3A_641 : memref<!tpu.dma_semaphore, #tpu.memory_space<semaphore_mem>>) src(%dma_wait3A_655 : memref<16x16xi32, #tpu.memory_space<vmem_shared>>) dst(%arg8 : memref<16x16xi32, #tpu.memory_space<vmem>>)
        tpu.yield
      }) : () -> ()
      %scan3A_602 = arith.constant 0 : i32
      %scan3A_603 = arith.constant 16 : i32
      %scan3A_604 = arith.addi %scan3A_602, %scan3A_603 : i32
      %scan3A_605 = arith.constant 1 : i32
      %scan3A_606 = scf.for %scan3A_641 = %scan3A_602 to %scan3A_604 step %scan3A_605 iter_args(%scan3A_642 = %broadcast_in_dim3A_2) -> (vector<16xi32>)  : i32 {
        %get3A = arith.index_cast %scan3A_641 : i32 to index
        %get3A_643 = arith.constant 0 : index
        %get3A_644 = tpu.vector_load %arg8[%get3A, %get3A_643] {strides = array<i32>} : memref<16x16xi32, #tpu.memory_space<vmem>>, vector<16xi32>,
        %add3A_645 = arith.addi %scan3A_642, %get3A_644 : vector<16xi32>
        scf.yield %add3A_645 : vector<16xi32>
      }
      %scan3A_607 = arith.constant 16 : i32
      %lt3A = arith.cmpi slt, %scan3A_606, %sub3A_91 : vector<16xi32>
      %ge3A = arith.constant 1 : i32
      %ge3A_608 = vector.broadcast %ge3A : i32 to vector<16xi32>
      %ge3A_609 = arith.cmpi sge, %iota3A, %ge3A_608 : vector<16xi32>
      %and3A_610 = arith.andi %lt3A, %ge3A_609 : vector<16xi1>
      %select_n3A_611 = arith.select %and3A_610, %broadcast_in_dim3A_0, %broadcast_in_dim3A_2 : vector<16xi1>, vector<16xi32>
      %swap3A_612 = arith.constant 0 : index
      %swap3A_613 = tpu.vector_load %arg7[%swap3A_612] {strides = array<i32>} : memref<16xi32, #tpu.memory_space<vmem>>, vector<16xi32>,
      tpu.vector_store %arg7[%swap3A_612], %select_n3A_611 {strides = array<i32>} : memref<16xi32, #tpu.memory_space<vmem>>, vector<16xi32>,
      %xor3A_614 = arith.constant 8 : i32
      %xor3A_615 = vector.broadcast %xor3A_614 : i32 to vector<16xi32>
      %xor3A_616 = arith.xori %iota3A, %xor3A_615 : vector<16xi32>
      %gather3A_617 = tpu.vector_load_idx %arg7[%xor3A_616] : memref<16xi32, #tpu.memory_space<vmem>>[vector<16xi32>], vector<16xi32>,
      %add3A_618 = arith.addi %select_n3A_611, %gather3A_617 : vector<16xi32>
      %swap3A_619 = arith.constant 0 : index
      %swap3A_620 = tpu.vector_load %arg7[%swap3A_619] {strides = array<i32>} : memref<16xi32, #tpu.memory_space<vmem>>, vector<16xi32>,
      tpu.vector_store %arg7[%swap3A_619], %add3A_618 {strides = array<i32>} : memref<16xi32, #tpu.memory_space<vmem>>, vector<16xi32>,
      %xor3A_621 = arith.constant 4 : i32
      %xor3A_622 = vector.broadcast %xor3A_621 : i32 to vector<16xi32>
      %xor3A_623 = arith.xori %iota3A, %xor3A_622 : vector<16xi32>
      %gather3A_624 = tpu.vector_load_idx %arg7[%xor3A_623] : memref<16xi32, #tpu.memory_space<vmem>>[vector<16xi32>], vector<16xi32>,
      %add3A_625 = arith.addi %add3A_618, %gather3A_624 : vector<16xi32>
      %swap3A_626 = arith.constant 0 : index
      %swap3A_627 = tpu.vector_load %arg7[%swap3A_626] {strides = array<i32>} : memref<16xi32, #tpu.memory_space<vmem>>, vector<16xi32>,
      tpu.vector_store %arg7[%swap3A_626], %add3A_625 {strides = array<i32>} : memref<16xi32, #tpu.memory_space<vmem>>, vector<16xi32>,
      %xor3A_628 = arith.constant 2 : i32
      %xor3A_629 = vector.broadcast %xor3A_628 : i32 to vector<16xi32>
      %xor3A_630 = arith.xori %iota3A, %xor3A_629 : vector<16xi32>
      %gather3A_631 = tpu.vector_load_idx %arg7[%xor3A_630] : memref<16xi32, #tpu.memory_space<vmem>>[vector<16xi32>], vector<16xi32>,
      %add3A_632 = arith.addi %add3A_625, %gather3A_631 : vector<16xi32>
      %swap3A_633 = arith.constant 0 : index
      %swap3A_634 = tpu.vector_load %arg7[%swap3A_633] {strides = array<i32>} : memref<16xi32, #tpu.memory_space<vmem>>, vector<16xi32>,
      tpu.vector_store %arg7[%swap3A_633], %add3A_632 {strides = array<i32>} : memref<16xi32, #tpu.memory_space<vmem>>, vector<16xi32>,
      %xor3A_635 = arith.constant 1 : i32
      %xor3A_636 = vector.broadcast %xor3A_635 : i32 to vector<16xi32>
      %xor3A_637 = arith.xori %iota3A, %xor3A_636 : vector<16xi32>
      %gather3A_638 = tpu.vector_load_idx %arg7[%xor3A_637] : memref<16xi32, #tpu.memory_space<vmem>>[vector<16xi32>], vector<16xi32>,
      %add3A_639 = arith.addi %add3A_632, %gather3A_638 : vector<16xi32>
      %shift_left3A = vector.broadcast %sub3A_110 : i32 to vector<16xi32>
      %shift_left3A_640 = arith.shli %add3A_639, %shift_left3A : vector<16xi32>
      %or3A = arith.ori %scan3A_106, %shift_left3A_640 : vector<16xi32>
      scf.yield %or3A : vector<16xi32>
    }
    %scan3A_99 = arith.constant 4 : i32
    %eq3A_100 = arith.constant 0 : i32
    %eq3A_101 = arith.cmpi eq, %arg1, %eq3A_100 : i32
    %eq3A_102 = arith.constant 0 : i32
    %eq3A_103 = arith.cmpi eq, %arg0, %eq3A_102 : i32
    %and3A = arith.andi %eq3A_101, %eq3A_103 : i1
    %convert_element_type3A = arith.extui %and3A : i1 to i32
    %cond3A = arith.constant 0 : i32
    %cond3A_104 = arith.cmpi ne, %convert_element_type3A, %cond3A : i32
    scf.if %cond3A_104 {
      %eq3A_105 = arith.constant 0 : i32
      %eq3A_106 = vector.broadcast %eq3A_105 : i32 to vector<16xi32>
      %eq3A_107 = arith.cmpi eq, %iota3A, %eq3A_106 : vector<16xi32>
      %bitcast_convert_type3A = tpu.bitcast %scan3A_15 : vector<16xi32> -> vector<16xi32>
      %eq3A_108 = arith.constant 1 : i32
      %eq3A_109 = vector.broadcast %eq3A_108 : i32 to vector<16xi32>
      %eq3A_110 = arith.cmpi eq, %iota3A, %eq3A_109 : vector<16xi32>
      %jit3A = arith.constant 0 : i32
      %broadcast_in_dim3A_111 = vector.broadcast %jit3A : i32 to vector<16xi32>
      %select_n3A_112 = arith.select %eq3A_110, %scan3A_98, %broadcast_in_dim3A_111 : vector<16xi1>, vector<16xi32>
      %select_n3A_113 = arith.select %eq3A_107, %bitcast_convert_type3A, %select_n3A_112 : vector<16xi1>, vector<16xi32>
      %swap3A_114 = arith.constant 0 : index
      %swap3A_115 = tpu.vector_load %arg9[%swap3A_114] {strides = array<i32>} : memref<16xi32, #tpu.memory_space<vmem>>, vector<16xi32>,
      tpu.vector_store %arg9[%swap3A_114], %select_n3A_113 {strides = array<i32>} : memref<16xi32, #tpu.memory_space<vmem>>, vector<16xi32>,
      "tpu.region"() ({
        %run_scoped3A_116 = tpu.sem_alloc : memref<!tpu.dma_semaphore, #tpu.memory_space<semaphore_mem>>
        tpu.enqueue_dma source(%arg9 : memref<16xi32, #tpu.memory_space<vmem>>) target(%arg3 : memref<16xi32, #tpu.memory_space<hbm>>) target_semaphore(%run_scoped3A_116 : memref<!tpu.dma_semaphore, #tpu.memory_space<semaphore_mem>>)
        tpu.wait_dma2 semaphore(%run_scoped3A_116 : memref<!tpu.dma_semaphore, #tpu.memory_space<semaphore_mem>>) src(%arg9 : memref<16xi32, #tpu.memory_space<vmem>>) dst(%arg3 : memref<16xi32, #tpu.memory_space<hbm>>)
        tpu.yield
      }) : () -> ()
    } else {
    }
    return
  }
}

module attributes {stable_mosaic.version = 14 : i64} {
  func.func @_tc1_body(%arg0: memref<10000x128xf32, #tpu.memory_space<vmem>>, %arg1: memref<16x128xf32, #tpu.memory_space<vmem>>, %arg2: memref<16x1xf32, #tpu.memory_space<vmem>>, %arg3: memref<1x16xf32, #tpu.memory_space<vmem>>, %arg4: memref<16x10000xf32, #tpu.memory_space<vmem>>, %arg5: memref<1x10240xf32, #tpu.memory_space<vmem>>) attributes {dimension_semantics = [], scalar_prefetch = 0 : i64, scratch_operands = 0 : i64, tpu.core_type = #tpu.core_type<tc>} {
    %get3A = arith.constant 0 : index
    %get3A_0 = arith.constant 0 : index
    %get3A_1 = vector.load %arg0[%get3A, %get3A_0] : memref<10000x128xf32, #tpu.memory_space<vmem>>, vector<10000x128xf32>
    %get3A_2 = arith.constant 0 : index
    %get3A_3 = arith.constant 0 : index
    %get3A_4 = vector.load %arg1[%get3A_2, %get3A_3] : memref<16x128xf32, #tpu.memory_space<vmem>>, vector<16x128xf32>
    %get3A_5 = arith.constant 0 : index
    %get3A_6 = arith.constant 0 : index
    %get3A_7 = vector.load %arg2[%get3A_5, %get3A_6] : memref<16x1xf32, #tpu.memory_space<vmem>>, vector<16x1xf32>
    %get3A_8 = arith.constant 0 : index
    %get3A_9 = arith.constant 0 : index
    %get3A_10 = vector.load %arg3[%get3A_8, %get3A_9] : memref<1x16xf32, #tpu.memory_space<vmem>>, vector<1x16xf32>
    %dot_general3A = arith.constant dense<0.000000e+00> : vector<16x10000xf32>
    %dot_general3A_11 = tpu.matmul %get3A_4, %get3A_1, %dot_general3A {dimension_numbers = #tpu.dot_dimension_numbers<[1], [1], [0], [0], [0, 0, 1, 0], [], []>, transpose_lhs_hint = false} : vector<16x128xf32>, vector<10000x128xf32>, vector<16x10000xf32> -> vector<16x10000xf32>
    %add3A = vector.broadcast %get3A_7 : vector<16x1xf32> to vector<16x10000xf32>
    %add3A_12 = arith.addf %dot_general3A_11, %add3A : vector<16x10000xf32>
    %swap3A = arith.constant 0 : index
    %swap3A_13 = arith.constant 0 : index
    %swap3A_14 = vector.load %arg4[%swap3A, %swap3A_13] : memref<16x10000xf32, #tpu.memory_space<vmem>>, vector<16x10000xf32>
    tpu.vector_store %arg4[%swap3A, %swap3A_13], %add3A_12 {strides = array<i32>} : memref<16x10000xf32, #tpu.memory_space<vmem>>, vector<16x10000xf32>,
    %dot_general3A_15 = arith.constant dense<0.000000e+00> : vector<1x10000xf32>
    %dot_general3A_16 = tpu.matmul %get3A_10, %add3A_12, %dot_general3A_15 {dimension_numbers = #tpu.dot_dimension_numbers<[1], [0], [0], [1], [0, 0, 1, 1], [], []>, transpose_lhs_hint = false} : vector<1x16xf32>, vector<16x10000xf32>, vector<1x10000xf32> -> vector<1x10000xf32>
    %broadcast_in_dim3A = arith.constant 0xFF800000 : f32
    %broadcast_in_dim3A_17 = vector.broadcast %broadcast_in_dim3A : f32 to vector<1x10240xf32>
    %swap3A_18 = arith.constant 0 : index
    %swap3A_19 = arith.constant 0 : index
    %swap3A_20 = vector.load %arg5[%swap3A_18, %swap3A_19] : memref<1x10240xf32, #tpu.memory_space<vmem>>, vector<1x10240xf32>
    tpu.vector_store %arg5[%swap3A_18, %swap3A_19], %broadcast_in_dim3A_17 {strides = array<i32>} : memref<1x10240xf32, #tpu.memory_space<vmem>>, vector<1x10240xf32>,
    %swap3A_21 = arith.constant 0 : index
    %swap3A_22 = arith.constant 0 : index
    %swap3A_23 = vector.load %arg5[%swap3A_21, %swap3A_22] : memref<1x10240xf32, #tpu.memory_space<vmem>>, vector<1x10000xf32>
    tpu.vector_store %arg5[%swap3A_21, %swap3A_22], %dot_general3A_16 {strides = array<i32>} : memref<1x10240xf32, #tpu.memory_space<vmem>>, vector<1x10000xf32>,
    return
  }
}

module attributes {stable_mosaic.version = 14 : i64} {
  func.func @_tc2_body(%arg0: memref<1x10240xf32, #tpu.memory_space<vmem>>, %arg1: memref<16x10000xf32, #tpu.memory_space<vmem>>, %arg2: memref<16xi32, #tpu.memory_space<smem>>, %arg3: memref<1x16xf32, #tpu.memory_space<vmem>>, %arg4: memref<1x16xf32, #tpu.memory_space<vmem>>, %arg5: memref<10x1024xf32, #tpu.memory_space<vmem>>, %arg6: memref<1x10240xf32, #tpu.memory_space<vmem>>) attributes {dimension_semantics = [], scalar_prefetch = 0 : i64, scratch_operands = 2 : i64, tpu.core_type = #tpu.core_type<tc>} {
    %get3A = arith.constant 0 : index
    %get3A_0 = memref.load %arg2[%get3A] : memref<16xi32, #tpu.memory_space<smem>>
    %bitcast_convert_type3A = arith.bitcast %get3A_0 : i32 to i32
    %get3A_1 = arith.constant 1 : index
    %get3A_2 = memref.load %arg2[%get3A_1] : memref<16xi32, #tpu.memory_space<smem>>
    %get3A_3 = arith.constant 0 : index
    %get3A_4 = arith.constant 0 : index
    %get3A_5 = vector.load %arg3[%get3A_3, %get3A_4] : memref<1x16xf32, #tpu.memory_space<vmem>>, vector<1x16xf32>
    %get3A_6 = arith.constant 0 : index
    %get3A_7 = arith.constant 0 : index
    %get3A_8 = vector.load %arg0[%get3A_6, %get3A_7] : memref<1x10240xf32, #tpu.memory_space<vmem>>, vector<1x1024xf32>
    %swap3A = arith.constant 0 : index
    %swap3A_9 = arith.constant 0 : index
    %swap3A_10 = vector.load %arg5[%swap3A, %swap3A_9] : memref<10x1024xf32, #tpu.memory_space<vmem>>, vector<1x1024xf32>
    tpu.vector_store %arg5[%swap3A, %swap3A_9], %get3A_8 {strides = array<i32>} : memref<10x1024xf32, #tpu.memory_space<vmem>>, vector<1x1024xf32>,
    %get3A_11 = arith.constant 0 : index
    %get3A_12 = arith.constant 1024 : index
    %get3A_13 = vector.load %arg0[%get3A_11, %get3A_12] : memref<1x10240xf32, #tpu.memory_space<vmem>>, vector<1x1024xf32>
    %swap3A_14 = arith.constant 1 : index
    %swap3A_15 = arith.constant 0 : index
    %swap3A_16 = vector.load %arg5[%swap3A_14, %swap3A_15] : memref<10x1024xf32, #tpu.memory_space<vmem>>, vector<1x1024xf32>
    tpu.vector_store %arg5[%swap3A_14, %swap3A_15], %get3A_13 {strides = array<i32>} : memref<10x1024xf32, #tpu.memory_space<vmem>>, vector<1x1024xf32>,
    %get3A_17 = arith.constant 0 : index
    %get3A_18 = arith.constant 2048 : index
    %get3A_19 = vector.load %arg0[%get3A_17, %get3A_18] : memref<1x10240xf32, #tpu.memory_space<vmem>>, vector<1x1024xf32>
    %swap3A_20 = arith.constant 2 : index
    %swap3A_21 = arith.constant 0 : index
    %swap3A_22 = vector.load %arg5[%swap3A_20, %swap3A_21] : memref<10x1024xf32, #tpu.memory_space<vmem>>, vector<1x1024xf32>
    tpu.vector_store %arg5[%swap3A_20, %swap3A_21], %get3A_19 {strides = array<i32>} : memref<10x1024xf32, #tpu.memory_space<vmem>>, vector<1x1024xf32>,
    %get3A_23 = arith.constant 0 : index
    %get3A_24 = arith.constant 3072 : index
    %get3A_25 = vector.load %arg0[%get3A_23, %get3A_24] : memref<1x10240xf32, #tpu.memory_space<vmem>>, vector<1x1024xf32>
    %swap3A_26 = arith.constant 3 : index
    %swap3A_27 = arith.constant 0 : index
    %swap3A_28 = vector.load %arg5[%swap3A_26, %swap3A_27] : memref<10x1024xf32, #tpu.memory_space<vmem>>, vector<1x1024xf32>
    tpu.vector_store %arg5[%swap3A_26, %swap3A_27], %get3A_25 {strides = array<i32>} : memref<10x1024xf32, #tpu.memory_space<vmem>>, vector<1x1024xf32>,
    %get3A_29 = arith.constant 0 : index
    %get3A_30 = arith.constant 4096 : index
    %get3A_31 = vector.load %arg0[%get3A_29, %get3A_30] : memref<1x10240xf32, #tpu.memory_space<vmem>>, vector<1x1024xf32>
    %swap3A_32 = arith.constant 4 : index
    %swap3A_33 = arith.constant 0 : index
    %swap3A_34 = vector.load %arg5[%swap3A_32, %swap3A_33] : memref<10x1024xf32, #tpu.memory_space<vmem>>, vector<1x1024xf32>
    tpu.vector_store %arg5[%swap3A_32, %swap3A_33], %get3A_31 {strides = array<i32>} : memref<10x1024xf32, #tpu.memory_space<vmem>>, vector<1x1024xf32>,
    %get3A_35 = arith.constant 0 : index
    %get3A_36 = arith.constant 5120 : index
    %get3A_37 = vector.load %arg0[%get3A_35, %get3A_36] : memref<1x10240xf32, #tpu.memory_space<vmem>>, vector<1x1024xf32>
    %swap3A_38 = arith.constant 5 : index
    %swap3A_39 = arith.constant 0 : index
    %swap3A_40 = vector.load %arg5[%swap3A_38, %swap3A_39] : memref<10x1024xf32, #tpu.memory_space<vmem>>, vector<1x1024xf32>
    tpu.vector_store %arg5[%swap3A_38, %swap3A_39], %get3A_37 {strides = array<i32>} : memref<10x1024xf32, #tpu.memory_space<vmem>>, vector<1x1024xf32>,
    %get3A_41 = arith.constant 0 : index
    %get3A_42 = arith.constant 6144 : index
    %get3A_43 = vector.load %arg0[%get3A_41, %get3A_42] : memref<1x10240xf32, #tpu.memory_space<vmem>>, vector<1x1024xf32>
    %swap3A_44 = arith.constant 6 : index
    %swap3A_45 = arith.constant 0 : index
    %swap3A_46 = vector.load %arg5[%swap3A_44, %swap3A_45] : memref<10x1024xf32, #tpu.memory_space<vmem>>, vector<1x1024xf32>
    tpu.vector_store %arg5[%swap3A_44, %swap3A_45], %get3A_43 {strides = array<i32>} : memref<10x1024xf32, #tpu.memory_space<vmem>>, vector<1x1024xf32>,
    %get3A_47 = arith.constant 0 : index
    %get3A_48 = arith.constant 7168 : index
    %get3A_49 = vector.load %arg0[%get3A_47, %get3A_48] : memref<1x10240xf32, #tpu.memory_space<vmem>>, vector<1x1024xf32>
    %swap3A_50 = arith.constant 7 : index
    %swap3A_51 = arith.constant 0 : index
    %swap3A_52 = vector.load %arg5[%swap3A_50, %swap3A_51] : memref<10x1024xf32, #tpu.memory_space<vmem>>, vector<1x1024xf32>
    tpu.vector_store %arg5[%swap3A_50, %swap3A_51], %get3A_49 {strides = array<i32>} : memref<10x1024xf32, #tpu.memory_space<vmem>>, vector<1x1024xf32>,
    %get3A_53 = arith.constant 0 : index
    %get3A_54 = arith.constant 8192 : index
    %get3A_55 = vector.load %arg0[%get3A_53, %get3A_54] : memref<1x10240xf32, #tpu.memory_space<vmem>>, vector<1x1024xf32>
    %swap3A_56 = arith.constant 8 : index
    %swap3A_57 = arith.constant 0 : index
    %swap3A_58 = vector.load %arg5[%swap3A_56, %swap3A_57] : memref<10x1024xf32, #tpu.memory_space<vmem>>, vector<1x1024xf32>
    tpu.vector_store %arg5[%swap3A_56, %swap3A_57], %get3A_55 {strides = array<i32>} : memref<10x1024xf32, #tpu.memory_space<vmem>>, vector<1x1024xf32>,
    %get3A_59 = arith.constant 0 : index
    %get3A_60 = arith.constant 9216 : index
    %get3A_61 = vector.load %arg0[%get3A_59, %get3A_60] : memref<1x10240xf32, #tpu.memory_space<vmem>>, vector<1x1024xf32>
    %swap3A_62 = arith.constant 9 : index
    %swap3A_63 = arith.constant 0 : index
    %swap3A_64 = vector.load %arg5[%swap3A_62, %swap3A_63] : memref<10x1024xf32, #tpu.memory_space<vmem>>, vector<1x1024xf32>
    tpu.vector_store %arg5[%swap3A_62, %swap3A_63], %get3A_61 {strides = array<i32>} : memref<10x1024xf32, #tpu.memory_space<vmem>>, vector<1x1024xf32>,
    %get3A_65 = arith.constant 0 : index
    %get3A_66 = arith.constant 0 : index
    %get3A_67 = vector.load %arg5[%get3A_65, %get3A_66] : memref<10x1024xf32, #tpu.memory_space<vmem>>, vector<10x1024xf32>
    %bitcast_convert_type3A_68 = tpu.bitcast %get3A_67 : vector<10x1024xf32> -> vector<10x1024xi32>
    %shift_right_logical3A = arith.constant 31 : i32
    %shift_right_logical3A_69 = vector.broadcast %shift_right_logical3A : i32 to vector<10x1024xi32>
    %shift_right_logical3A_70 = arith.shrui %bitcast_convert_type3A_68, %shift_right_logical3A_69 : vector<10x1024xi32>
    %eq3A = arith.constant 1 : i32
    %eq3A_71 = vector.broadcast %eq3A : i32 to vector<10x1024xi32>
    %eq3A_72 = arith.cmpi eq, %shift_right_logical3A_70, %eq3A_71 : vector<10x1024xi32>
    %jit3A = arith.constant -1 : i32
    %jit3A_73 = arith.constant -2147483648 : i32
    %broadcast_in_dim3A = vector.broadcast %jit3A : i32 to vector<10x1024xi32>
    %broadcast_in_dim3A_74 = vector.broadcast %jit3A_73 : i32 to vector<10x1024xi32>
    %select_n3A = arith.select %eq3A_72, %broadcast_in_dim3A, %broadcast_in_dim3A_74 : vector<10x1024xi1>, vector<10x1024xi32>
    %xor3A = arith.xori %bitcast_convert_type3A_68, %select_n3A : vector<10x1024xi32>
    %iota3A = tpu.iota {dimensions = array<i32: 0>} : vector<10x1024xi32>
    %mul3A = arith.constant 1024 : i32
    %mul3A_75 = vector.broadcast %mul3A : i32 to vector<10x1024xi32>
    %mul3A_76 = arith.muli %iota3A, %mul3A_75 : vector<10x1024xi32>
    %iota3A_77 = tpu.iota {dimensions = array<i32: 1>} : vector<10x1024xi32>
    %add3A = arith.addi %mul3A_76, %iota3A_77 : vector<10x1024xi32>
    %gt3A = vector.broadcast %bitcast_convert_type3A : i32 to vector<10x1024xi32>
    %gt3A_78 = arith.cmpi ugt, %xor3A, %gt3A : vector<10x1024xi32>
    %eq3A_79 = vector.broadcast %bitcast_convert_type3A : i32 to vector<10x1024xi32>
    %eq3A_80 = arith.cmpi eq, %xor3A, %eq3A_79 : vector<10x1024xi32>
    %le3A = vector.broadcast %get3A_2 : i32 to vector<10x1024xi32>
    %le3A_81 = arith.cmpi sle, %add3A, %le3A : vector<10x1024xi32>
    %and3A = arith.andi %eq3A_80, %le3A_81 : vector<10x1024xi1>
    %or3A = arith.ori %gt3A_78, %and3A : vector<10x1024xi1>
    %mul3A_82 = arith.mulf %get3A_5, %get3A_5 : vector<1x16xf32>
    %reduce_sum3A = vector.shape_cast %mul3A_82 : vector<1x16xf32> to vector<1x1x16xf32>
    %reduce_sum3A_83 = arith.constant dense<0.000000e+00> : vector<1xf32>
    %reduce_sum3A_84 = vector.multi_reduction <add>, %reduce_sum3A, %reduce_sum3A_83 [1, 2] : vector<1x1x16xf32> to vector<1xf32>
    %reduce_sum3A_85 = vector.shape_cast %reduce_sum3A_84 : vector<1xf32> to vector<1x1x1xf32>
    %reduce_sum3A_86 = vector.extract %reduce_sum3A_85[0, 0, 0] : f32 from vector<1x1x1xf32>
    %sqrt3A = math.sqrt %reduce_sum3A_86 : f32
    %add3A_87 = arith.constant 1.000000e-16 : f32
    %add3A_88 = arith.addf %sqrt3A, %add3A_87 : f32
    %div3A = vector.broadcast %add3A_88 : f32 to vector<10x1024xf32>
    %div3A_89 = arith.divf %get3A_67, %div3A : vector<10x1024xf32>
    %tanh3A = math.tanh %div3A_89 : vector<10x1024xf32>
    %jit3A_90 = arith.constant 0.000000e+00 : f32
    %broadcast_in_dim3A_91 = vector.broadcast %jit3A_90 : f32 to vector<10x1024xf32>
    %select_n3A_92 = arith.select %or3A, %tanh3A, %broadcast_in_dim3A_91 : vector<10x1024xi1>, vector<10x1024xf32>
    %slice3A = vector.extract_strided_slice %select_n3A_92 {offsets = [0, 0], sizes = [1, 1024], strides = [1, 1]} : vector<10x1024xf32> to vector<1x1024xf32>
    %swap3A_93 = arith.constant 0 : index
    %swap3A_94 = arith.constant 0 : index
    %swap3A_95 = vector.load %arg6[%swap3A_93, %swap3A_94] : memref<1x10240xf32, #tpu.memory_space<vmem>>, vector<1x1024xf32>
    tpu.vector_store %arg6[%swap3A_93, %swap3A_94], %slice3A {strides = array<i32>} : memref<1x10240xf32, #tpu.memory_space<vmem>>, vector<1x1024xf32>,
    %slice3A_96 = vector.extract_strided_slice %select_n3A_92 {offsets = [1, 0], sizes = [1, 1024], strides = [1, 1]} : vector<10x1024xf32> to vector<1x1024xf32>
    %swap3A_97 = arith.constant 0 : index
    %swap3A_98 = arith.constant 1024 : index
    %swap3A_99 = vector.load %arg6[%swap3A_97, %swap3A_98] : memref<1x10240xf32, #tpu.memory_space<vmem>>, vector<1x1024xf32>
    tpu.vector_store %arg6[%swap3A_97, %swap3A_98], %slice3A_96 {strides = array<i32>} : memref<1x10240xf32, #tpu.memory_space<vmem>>, vector<1x1024xf32>,
    %slice3A_100 = vector.extract_strided_slice %select_n3A_92 {offsets = [2, 0], sizes = [1, 1024], strides = [1, 1]} : vector<10x1024xf32> to vector<1x1024xf32>
    %swap3A_101 = arith.constant 0 : index
    %swap3A_102 = arith.constant 2048 : index
    %swap3A_103 = vector.load %arg6[%swap3A_101, %swap3A_102] : memref<1x10240xf32, #tpu.memory_space<vmem>>, vector<1x1024xf32>
    tpu.vector_store %arg6[%swap3A_101, %swap3A_102], %slice3A_100 {strides = array<i32>} : memref<1x10240xf32, #tpu.memory_space<vmem>>, vector<1x1024xf32>,
    %slice3A_104 = vector.extract_strided_slice %select_n3A_92 {offsets = [3, 0], sizes = [1, 1024], strides = [1, 1]} : vector<10x1024xf32> to vector<1x1024xf32>
    %swap3A_105 = arith.constant 0 : index
    %swap3A_106 = arith.constant 3072 : index
    %swap3A_107 = vector.load %arg6[%swap3A_105, %swap3A_106] : memref<1x10240xf32, #tpu.memory_space<vmem>>, vector<1x1024xf32>
    tpu.vector_store %arg6[%swap3A_105, %swap3A_106], %slice3A_104 {strides = array<i32>} : memref<1x10240xf32, #tpu.memory_space<vmem>>, vector<1x1024xf32>,
    %slice3A_108 = vector.extract_strided_slice %select_n3A_92 {offsets = [4, 0], sizes = [1, 1024], strides = [1, 1]} : vector<10x1024xf32> to vector<1x1024xf32>
    %swap3A_109 = arith.constant 0 : index
    %swap3A_110 = arith.constant 4096 : index
    %swap3A_111 = vector.load %arg6[%swap3A_109, %swap3A_110] : memref<1x10240xf32, #tpu.memory_space<vmem>>, vector<1x1024xf32>
    tpu.vector_store %arg6[%swap3A_109, %swap3A_110], %slice3A_108 {strides = array<i32>} : memref<1x10240xf32, #tpu.memory_space<vmem>>, vector<1x1024xf32>,
    %slice3A_112 = vector.extract_strided_slice %select_n3A_92 {offsets = [5, 0], sizes = [1, 1024], strides = [1, 1]} : vector<10x1024xf32> to vector<1x1024xf32>
    %swap3A_113 = arith.constant 0 : index
    %swap3A_114 = arith.constant 5120 : index
    %swap3A_115 = vector.load %arg6[%swap3A_113, %swap3A_114] : memref<1x10240xf32, #tpu.memory_space<vmem>>, vector<1x1024xf32>
    tpu.vector_store %arg6[%swap3A_113, %swap3A_114], %slice3A_112 {strides = array<i32>} : memref<1x10240xf32, #tpu.memory_space<vmem>>, vector<1x1024xf32>,
    %slice3A_116 = vector.extract_strided_slice %select_n3A_92 {offsets = [6, 0], sizes = [1, 1024], strides = [1, 1]} : vector<10x1024xf32> to vector<1x1024xf32>
    %swap3A_117 = arith.constant 0 : index
    %swap3A_118 = arith.constant 6144 : index
    %swap3A_119 = vector.load %arg6[%swap3A_117, %swap3A_118] : memref<1x10240xf32, #tpu.memory_space<vmem>>, vector<1x1024xf32>
    tpu.vector_store %arg6[%swap3A_117, %swap3A_118], %slice3A_116 {strides = array<i32>} : memref<1x10240xf32, #tpu.memory_space<vmem>>, vector<1x1024xf32>,
    %slice3A_120 = vector.extract_strided_slice %select_n3A_92 {offsets = [7, 0], sizes = [1, 1024], strides = [1, 1]} : vector<10x1024xf32> to vector<1x1024xf32>
    %swap3A_121 = arith.constant 0 : index
    %swap3A_122 = arith.constant 7168 : index
    %swap3A_123 = vector.load %arg6[%swap3A_121, %swap3A_122] : memref<1x10240xf32, #tpu.memory_space<vmem>>, vector<1x1024xf32>
    tpu.vector_store %arg6[%swap3A_121, %swap3A_122], %slice3A_120 {strides = array<i32>} : memref<1x10240xf32, #tpu.memory_space<vmem>>, vector<1x1024xf32>,
    %slice3A_124 = vector.extract_strided_slice %select_n3A_92 {offsets = [8, 0], sizes = [1, 1024], strides = [1, 1]} : vector<10x1024xf32> to vector<1x1024xf32>
    %swap3A_125 = arith.constant 0 : index
    %swap3A_126 = arith.constant 8192 : index
    %swap3A_127 = vector.load %arg6[%swap3A_125, %swap3A_126] : memref<1x10240xf32, #tpu.memory_space<vmem>>, vector<1x1024xf32>
    tpu.vector_store %arg6[%swap3A_125, %swap3A_126], %slice3A_124 {strides = array<i32>} : memref<1x10240xf32, #tpu.memory_space<vmem>>, vector<1x1024xf32>,
    %slice3A_128 = vector.extract_strided_slice %select_n3A_92 {offsets = [9, 0], sizes = [1, 1024], strides = [1, 1]} : vector<10x1024xf32> to vector<1x1024xf32>
    %swap3A_129 = arith.constant 0 : index
    %swap3A_130 = arith.constant 9216 : index
    %swap3A_131 = vector.load %arg6[%swap3A_129, %swap3A_130] : memref<1x10240xf32, #tpu.memory_space<vmem>>, vector<1x1024xf32>
    tpu.vector_store %arg6[%swap3A_129, %swap3A_130], %slice3A_128 {strides = array<i32>} : memref<1x10240xf32, #tpu.memory_space<vmem>>, vector<1x1024xf32>,
    %get3A_132 = arith.constant 0 : index
    %get3A_133 = arith.constant 0 : index
    %get3A_134 = vector.load %arg6[%get3A_132, %get3A_133] : memref<1x10240xf32, #tpu.memory_space<vmem>>, vector<1x10240xf32>
    %slice3A_135 = vector.extract_strided_slice %get3A_134 {offsets = [0, 0], sizes = [1, 10000], strides = [1, 1]} : vector<1x10240xf32> to vector<1x10000xf32>
    %get3A_136 = arith.constant 0 : index
    %get3A_137 = arith.constant 0 : index
    %get3A_138 = vector.load %arg1[%get3A_136, %get3A_137] : memref<16x10000xf32, #tpu.memory_space<vmem>>, vector<16x10000xf32>
    %dot_general3A = arith.constant dense<0.000000e+00> : vector<1x16xf32>
    %dot_general3A_139 = tpu.matmul %slice3A_135, %get3A_138, %dot_general3A {dimension_numbers = #tpu.dot_dimension_numbers<[1], [1], [0], [0], [0, 0, 1, 0], [], []>, transpose_lhs_hint = false} : vector<1x10000xf32>, vector<16x10000xf32>, vector<1x16xf32> -> vector<1x16xf32>
    %mul3A_140 = arith.constant 2.000000e-04 : f32
    %mul3A_141 = vector.broadcast %mul3A_140 : f32 to vector<1x16xf32>
    %mul3A_142 = arith.mulf %dot_general3A_139, %mul3A_141 : vector<1x16xf32>
    %swap3A_143 = arith.constant 0 : index
    %swap3A_144 = arith.constant 0 : index
    %swap3A_145 = vector.load %arg4[%swap3A_143, %swap3A_144] : memref<1x16xf32, #tpu.memory_space<vmem>>, vector<1x16xf32>
    tpu.vector_store %arg4[%swap3A_143, %swap3A_144], %mul3A_142 {strides = array<i32>} : memref<1x16xf32, #tpu.memory_space<vmem>>, vector<1x16xf32>,
    return
  }
}

</mosaic_0001>

<sc_bundles>
// kernel: kernel.5.cloned.1.call-start
scs
__scs_entry_jumppad:
0x0: {  	(pc) =	sbr.rel $0x88, $3  }
0x1: {  	(tag) =	ssettag $0x0;
	lr =	simm.s32 $0x1  }
0x2: {  	[smem:$0x3F9D] =	sst lr;
	_ =	strace $0xD0000000  }
0x3: {  	_ = 	snop  }
0x4: {  	_ = 	snop  }
0x5: {  	_ = 	snop  }
0x6: {  	_ = 	snop  }
0x7: {  	_ = 	snop  }
__scs_overlays_trampoline_lowered:
0x8: {  	[smem:$0x3FAC] =	sst s0  }
0x9: {  	[smem:$0x3FAD] =	sst s1  }
0xa: {  	[smem:$0x3FAE] =	sst s2  }
0xb: {  	[smem:$0x3FAF] =	sst s3  }
0xc: {  	[smem:$0x3FB0] =	sst s4  }
0xd: {  	[smem:$0x3FB1] =	sst s5  }
0xe: {  	[smem:$0x3FB2] =	sst s6  }
0xf: {  	[smem:$0x3FB3] =	sst s7  }
0x10: {  	[smem:$0x3FB4] =	sst s8  }
0x11: {  	[smem:$0x3FB5] =	sst s9;
	s0 =	simm.s32 @!p0 $0x0  }
0x12: {  	s1 =	sld [smem:$0x3F9B];
	s0 =	simm.s32 @p0 $0x1  }
0x13: {  	[smem:$0x3FB6] =	sst s0;
	s0 =	simm.s32 @!p1 $0x0  }
0x14: {  	s2 =	sld [smem:$0x3F9A];
	s0 =	simm.s32 @p1 $0x1  }
0x15: {  	[smem:$0x3FB7] =	sst s0;
	s0 =	simm.s32 @!p2 $0x0  }
0x16: {  	s3 =	sld [smem:$0x3FDB];
	s0 =	simm.s32 @p2 $0x1  }
0x17: {  	s4 =	simm.s32 $0x1BF5;
	[smem:$0x3FB9] =	sst s0  }
0x18: {  	s0 =	sld [smem:$0x3F9C];
	_ =	swait.ge [sflag:s4], $0x0  }
0x19: {  	s7 =	sld [smem:$0x3F9D]  }
0x1a: {  	s8 =	sadd.s32 $0xFFFFE003, lr  }
0x1b: {  	s9 =	sadd.s32 $0xFFFFFEF7, lr;
	s5 =	simm.s32 $0xFFFFFFFF;
	p2 =	slt.u32 s8, $0xFFFFF086  }
0x1c: {  	p1 =	slt.u32 s9, $0xF7A;
	s5 =	simm.s32 @!p2 $0x0  }
0x1d: {  	s5 =	simm.s32 @p1 $0x1;
	p0 =	seq.s32 s7, s2  }
0x1e: {  	s7 =	smul.u32 @!p0 $0xF7A, s2;
	p2 =	seq.s32 @!p0 s5, $0x0  }
0x1f: {  	s9 =	smul.u32 $0xF7A, s1;
	s8 =	simm.s32 @!p0 $0x1BF5;
	p2 =	por !p2, p0  }
0x20: {  	[sflag:s8] =	ssyncset.s32 @!p0 $0xFFFFF086;
	s6 =	sadd.s32 @!p0 s3, s7;
	s7 =	simm.s32 @!p0 $0x108  }
0x21: {  	s3 =	sadd.s32 s3, s9;
	s6 =	sadd.s32 @!p0 $0x88, s6;
	s7 =	simm.s32 @p2 $0x1082  }
0x22: {  	[simem:s7], [sflag:s8] =	dma.local @!p0 [hbm:s6], $0xF7A  }
0x23: {  	s9 =	sor.u32 $0xD0000000, s2;
	s6 =	simm.s32 $0x108;
	_ =	swait.ge @!p0 [sflag:s8], $0x0  }
0x24: {  	s3 =	sadd.s32 $0x88, s3;
	s6 =	simm.s32 @!p1 $0x1082;
	[sflag:s4] =	ssyncset.s32 $0xFFFFF086  }
0x25: {  	[simem:s6], [sflag:s4] =	dma.local [hbm:s3], $0xF7A  }
0x26: {  	[smem:$0x3F9D] =	sst s1;
	(tag) =	ssettag s2;
	_ =	strace s9  }
0x27: {  	s1 =	sld [smem:$0x3FAD]  }
0x28: {  	s2 =	sld [smem:$0x3FAE]  }
0x29: {  	s4 =	sld [smem:$0x3FB0]  }
0x2a: {  	p0 =	seq.s32 s5, $0x0;
	s5 =	sld [smem:$0x3FB1]  }
0x2b: {  	s6 =	sld [smem:$0x3FB2]  }
0x2c: {  	s7 =	sld [smem:$0x3FB3]  }
0x2d: {  	s3 =	simm.s32 $0x108;
	s8 =	sld [smem:$0x3FB4]  }
0x2e: {  	s3 =	simm.s32 @!p0 $0x1082;
	s9 =	sld [smem:$0x3FB5]  }
0x2f: {  	lr =	sadd.s32 s0, s3;
	s0 =	sld [smem:$0x3FAC]  }
0x30: {  	s3 =	sld [smem:$0x3FAF]  }
0x31: {  	[smem:$0x3FB8] =	sst s10  }
0x32: {  	s10 =	sld [smem:$0x3FB6];
	_ =	sdelay $0x3  }
0x33: {  	p0 =	seq.s32 s10, $0x1;
	s10 =	sld [smem:$0x3FB8];
	_ =	sdelay $0x3  }
0x34: {  	[smem:$0x3FB8] =	sst s10  }
0x35: {  	s10 =	sld [smem:$0x3FB7];
	_ =	sdelay $0x3  }
0x36: {  	p1 =	seq.s32 s10, $0x1;
	s10 =	sld [smem:$0x3FB8];
	_ =	sdelay $0x3  }
0x37: {  	[smem:$0x3FB8] =	sst s10  }
0x38: {  	s10 =	sld [smem:$0x3FB9]  }
0x39: {  	_ = 	snop;
	(pc) =	sbr.ind lr, $3  }
0x3a: {  	_ = 	snop  }
0x3b: {  	_ = 	snop  }
0x3c: {  	p2 =	seq.s32 s10, $0x1;
	s10 =	sld [smem:$0x3FB8]  }
0x3d: {  	_ =	shalt  }
0x3e: {  	_ =	shalt  }
0x3f: {  	_ =	shalt  }
0x40: {  	_ =	shalt  }
0x41: {  	_ =	shalt  }
0x42: {  	_ =	shalt  }
0x43: {  	_ =	shalt  }
0x44: {  	_ =	shalt  }
0x45: {  	_ =	shalt  }
0x46: {  	_ =	shalt  }
0x47: {  	_ =	shalt  }
0x48: {  	_ =	shalt  }
0x49: {  	_ =	shalt  }
0x4a: {  	_ =	shalt  }
0x4b: {  	_ =	shalt  }
0x4c: {  	_ =	shalt  }
0x4d: {  	_ =	shalt  }
0x4e: {  	_ =	shalt  }
0x4f: {  	_ =	shalt  }
0x50: {  	_ =	shalt  }
0x51: {  	_ =	shalt  }
0x52: {  	_ =	shalt  }
0x53: {  	_ =	shalt  }
0x54: {  	_ =	shalt  }
0x55: {  	_ =	shalt  }
0x56: {  	_ =	shalt  }
0x57: {  	_ =	shalt  }
0x58: {  	_ =	shalt  }
0x59: {  	_ =	shalt  }
0x5a: {  	_ =	shalt  }
0x5b: {  	_ =	shalt  }
0x5c: {  	_ =	shalt  }
0x5d: {  	_ =	shalt  }
0x5e: {  	_ =	shalt  }
0x5f: {  	_ =	shalt  }
0x60: {  	_ =	shalt  }
0x61: {  	_ =	shalt  }
0x62: {  	_ =	shalt  }
0x63: {  	_ =	shalt  }
0x64: {  	_ =	shalt  }
0x65: {  	_ =	shalt  }
0x66: {  	_ =	shalt  }
0x67: {  	_ =	shalt  }
0x68: {  	_ =	shalt  }
0x69: {  	_ =	shalt  }
0x6a: {  	_ =	shalt  }
0x6b: {  	_ =	shalt  }
0x6c: {  	_ =	shalt  }
0x6d: {  	_ =	shalt  }
0x6e: {  	_ =	shalt  }
0x6f: {  	_ =	shalt  }
0x70: {  	_ =	shalt  }
0x71: {  	_ =	shalt  }
0x72: {  	_ =	shalt  }
0x73: {  	_ =	shalt  }
0x74: {  	_ =	shalt  }
0x75: {  	_ =	shalt  }
0x76: {  	_ =	shalt  }
0x77: {  	_ =	shalt  }
0x78: {  	_ =	shalt  }
0x79: {  	_ =	shalt  }
0x7a: {  	_ =	shalt  }
0x7b: {  	_ =	shalt  }
0x7c: {  	_ =	shalt  }
0x7d: {  	_ =	shalt  }
0x7e: {  	_ =	shalt  }
0x7f: {  	_ =	shalt  }
0x80: {  	_ =	shalt  }
0x81: {  	_ =	shalt  }
0x82: {  	_ =	shalt  }
0x83: {  	_ =	shalt  }
0x84: {  	_ =	shalt  }
0x85: {  	_ =	shalt  }
0x86: {  	_ =	shalt  }
0x87: {  	_ =	shalt  }
.Lfunc_end0:
.L_simem_size_0:
called_computation_lowered:
.L_overlay_start_0:
0x88: {  	s2 =	sld [smem:$0x3FD9]  }
0x89: {  	s3 =	sld [smem:$0x3FFE];
	_ =	sdelay $0x1  }
0x8a: {  	s1 =	srdreg.scid  }
0x8b: {  	s0 =	sand.u32 $0x1, s1  }
0x8c: {  	s14 =	sshll.u32 s0, $0xA;
	s2 =	sadd.s32 s3, s2  }
0x8d: {  	s2 =	sadd.s32 s2, s14  }
0x8e: {  	[smem:$0x3FC4] =	sst s2  }
0x8f: {  	_ = 	snop  }
0x90: {  	s2 =	sld [smem:$0x3FD0];
	_ =	sdelay $0x2  }
0x91: {  	s15 =	simm.s32 $0xA;
	s4 =	simm.s32 $0x10  }
0x92: {  	[smem:s4], [sflag:s15] =	dma.local [hbm:s2], $0x1  }
0x93: {  	_ =	swait.eq [sflag:s15], $0x1  }
0x94: {  	[sflag:s15] =	ssyncset.done $0x0  }
0x95: {  	[sflag:s15] =	ssyncadd.s32 $0xFFFFFFFF  }
0x96: {  	s16 =	sld [smem:$0x10];
	(tm) =	ssettm $0x1  }
0x97: {  	s17 =	sld [smem:$0x3FFB];
	_ =	sdelay $0x3  }
0x98: {  	_ =	strace s17  }
0x99: {  	s3 =	sld [smem:$0x3FFC];
	_ =	sdelay $0x3  }
0x9a: {  	_ =	strace s3  }
0x9b: {  	s3 =	sld [smem:$0x3FFD];
	_ =	sdelay $0x3  }
0x9c: {  	_ =	strace s3  }
0x9d: {  	_ =	strace $0x8FFFFFFF  }
0x9e: {  	s18 =	sld [smem:$0x3FDB];
	_ =	sdelay $0x1  }
0x9f: {  	s19 =	simm.s32 $_scs_section_size  }
0xa0: {  	s5 =	simm.s32 $_size__tile_overlayer_lowered;
	s6 =	simm.s32 $_tile_overlayer_lowered  }
0xa1: {  	s22 =	simm.s32 $0x1BFF;
	s21 =	sshll.u32 s6, $0x1;
	s3 =	sadd.s32 s19, s18  }
0xa2: {  	s7 =	simm.s32 $0x0;
	s20 =	sshll.u32 s5, $0x1;
	s5 =	sadd.s32 s21, s3  }
0xa3: {  	[timem:s7], [sflag:s22] =	dma.local [hbm:s5], s20  }
0xa4: {  	_ =	swait.ge [sflag:s22], s20  }
0xa5: {  	s4 =	ssub.s32 $0x0, s20;
	[sflag:s22] =	ssyncset.done $0x0  }
0xa6: {  	[sflag:s22] =	ssyncadd.s32 s4;
	_ =	sdelay $0x1  }
0xa7: {  	s23 =	simm.s32 $0x1B8B  }
0xa8: {  	_ =	swait.ge [sflag:s23], $0x1  }
0xa9: {  	[sflag:s23] =	ssyncset.done $0x0  }
0xaa: {  	s25 =	simm.s32 $0x1B8E;
	s24 =	sld [smem:$0x3FFE];
	[sflag:s23] =	ssyncadd.s32 $0xFFFFFFFF  }
0xab: {  	s26 =	simm.s32 $execute0_lowered;
	[smem:$0x3FD2] =	sst s25  }
0xac: {  	s5 =	sshll.u32 s26, $0x1;
	_ =	strace $0x80000046;
	[dreg:$0x1] =	wrdreg $0xFFFFFFFF  }
0xad: {  	s28 =	simm.s32 $_size_execute0_lowered;
	s3 =	sadd.s32 s3, s5;
	[dreg:$0x0] =	wrdreg $0x0  }
0xae: {  	s5 =	sshll.u32 s28, $0x1;
	[dreg:$0x2] =	wrdreg s3  }
0xaf: {  	[dreg:$0x3] =	wrdreg s5  }
0xb0: {  	[dreg:$0x4] =	wrdreg $0xC0  }
0xb1: {  	_ =	task [dreg:s7], $0x5FFFF  }
0xb2: {  	[dreg:$0x1] =	wrdreg $0xFFFFFFFF  }
0xb3: {  	[dreg:$0x0] =	wrdreg $0x60  }
0xb4: {  	[dreg:$0x2] =	wrdreg s24  }
0xb5: {  	[dreg:$0x3] =	wrdreg s16  }
0xb6: {  	[dreg:$0x4] =	wrdreg $0xE800  }
0xb7: {  	[dreg:$0x5] =	wrdreg $0x9  }
0xb8: {  	_ =	task.clear_ibuf [dreg:s7], $0x6FFFF;
	_ =	strace $0x90000046  }
0xb9: {  	s29 =	simm.s32 $0x9;
	_ =	strace $0x80000048  }
0xba: {  	_ =	swait.ge [sflag:s29], $0x1  }
0xbb: {  	[sflag:s29] =	ssyncadd.s32 $0xFFFFFFFF  }
0xbc: {  	_ =	strace $0x90000048  }
0xbd: {  	_ =	sfence  }
0xbe: {  	s30 =	sld [smem:$0x0];
	_ =	sdelay $0x2  }
0xbf: {  	s31 =	sshll.u32 s1, $0xD;
	s1 =	sshrl.u32 s1, $0x2  }
0xc0: {  	s3 =	sand.u32 $0x4000, s31;
	s1 =	sadd.s32 s1, s30  }
0xc1: {  	s0 =	sor.u32 s3, s0;
	s1 =	sshll.u32 s1, $0x11  }
0xc2: {  	s0 =	sor.u32 s1, s0  }
0xc3: {  	s0 =	sadd.s32 $0x8F2B, s0  }
0xc4: {  	[sflag:s0] =	ssyncadd.remote.s32 $0x1  }
0xc5: {  	_ =	sfence.sel $0xFFFF  }
0xc6: {  	[dreg:$0x0] =	wrdreg $0xFFFFFFFF;
	(pc) =	sbr.abs _section_cstart, $3  }
0xc7: {  	[dreg:$0x1] =	wrdreg $0xFFFFFFFF  }
0xc8: {  	_ =	task.clear_ibuf [dreg:s7], $0x2FFFF;
	_ =	strace $0x9FFFFFFF  }
0xc9: {  	(tm) =	ssettm $0x7FFFFFFF  }
tec
execute0_lowered:
.L_overlay_start_1:
0x0: {  	(tag) =	ssettag $0x1  }
0x1: {  	v2 =	vimm.s32 $0xBA98FEDC;
	v3 =	vimm.s32 $0x32107654;
	v4 =	vimm.s32 $0xDCFE98BA  }
0x2: {  	v5 =	vimm.s32 $0x54761032;
	v6 =	vimm.s32 $0xEFCDAB89;
	v7 =	vimm.s32 $0x67452301  }
0x3: {  	v2 =	vunpack.c.l.s4.s8 v2;
	v3 =	vunpack.c.l.s4.s8 v3;
	v4 =	vunpack.c.l.s4.s8 v4  }
0x4: {  	v5 =	vunpack.c.l.s4.s8 v5;
	v6 =	vunpack.c.l.s4.s8 v6;
	v7 =	vunpack.c.l.s4.s8 v7  }
0x5: {  	v2 =	vunpack.c.0.s8.s32 v2;
	v3 =	vunpack.c.0.s8.s32 v3;
	v4 =	vunpack.c.0.s8.s32 v4  }
0x6: {  	v5 =	vunpack.c.0.s8.s32 v5;
	v6 =	vunpack.c.0.s8.s32 v6;
	v7 =	vunpack.c.0.s8.s32 v7  }
0x7: {  	vm0 =	vmmov $0x1f;
	v2 =	vcombine.low v3, v2  }
0x8: {  	s0 =	rddreg [dreg:$0x0];
	s2 =	simm.s32 $0x0;
	v3 =	vcombine.low v5, v4;
	v5 =	vcombine.low v7, v6;
	v6 =	vimm.s32 $0x0  }
0x9: {  	[smem:$0x7FF] =	sst s2;
	v6 =	vsel vm0, $0xFFFFFFFF, v6  }
0xa: {  	s3 =	rddreg [dreg:$0x2];
	vm6 =	vmmov $0x3f;
	_ =	strace $0x80000047;
	[tilespmem:$0x1FF30] =	vst v6;
	v6 =	vimm.s32 $0x0  }
0xb: {  	v6 =	vsel vm6, $0xFFFFFFFF, v6  }
0xc: {  	vm7 =	vmmov $0x7f;
	[tilespmem:$0x1FF40] =	vst v6;
	v6 =	vimm.s32 $0x0  }
0xd: {  	v6 =	vsel vm7, $0xFFFFFFFF, v6  }
0xe: {  	vm4 =	vmmov $0xff;
	[tilespmem:$0x1FF50] =	vst v6;
	v6 =	vimm.s32 $0x0  }
0xf: {  	v6 =	vsel vm4, $0xFFFFFFFF, v6  }
0x10: {  	vm5 =	vmmov $0x1ff;
	[tilespmem:$0x1FF60] =	vst v6;
	v6 =	vimm.s32 $0x0  }
0x11: {  	v6 =	vsel vm5, $0xFFFFFFFF, v6  }
0x12: {  	vm6 =	vmmov $0x3ff;
	[tilespmem:$0x1FF70] =	vst v6;
	v6 =	vimm.s32 $0x0  }
0x13: {  	v6 =	vsel vm6, $0xFFFFFFFF, v6  }
0x14: {  	s5 =	stileid.u32;
	s1 =	srdreg.scid;
	s11 =	simm.s32 $0x1;
	vm7 =	vmmov $0x7ff;
	[tilespmem:$0x1FF80] =	vst v6;
	v6 =	vimm.s32 $0x0  }
0x15: {  	s28 =	simm.s32 $0xF0000000;
	s29 =	simm.s32 $0x580;
	s30 =	simm.s32 $0x500;
	v6 =	vsel vm7, $0xFFFFFFFF, v6  }
0x16: {  	s31 =	simm.s32 $0x600;
	s8 =	simm.s32 $0x5000;
	s9 =	simm.s32 $0x6000;
	vm4 =	vmmov $0xfff;
	[tilespmem:$0x1FF90] =	vst v6;
	v6 =	vimm.s32 $0x0  }
0x17: {  	s10 =	simm.s32 $0x7000;
	s7 =	simm.s32 $0x8000;
	s12 =	simm.s32 $0x9000;
	v6 =	vsel vm4, $0xFFFFFFFF, v6  }
0x18: {  	s13 =	simm.s32 $0xA000;
	s14 =	simm.s32 $0xB000;
	s15 =	simm.s32 $0xC000;
	vm5 =	vmmov $0x1fff;
	[tilespmem:$0x1FFA0] =	vst v6;
	v6 =	vimm.s32 $0x0  }
0x19: {  	s16 =	simm.s32 $0xD000;
	s17 =	simm.s32 $0xE000;
	s18 =	simm.s32 $0xF000;
	v6 =	vsel vm5, $0xFFFFFFFF, v6  }
0x1a: {  	s20 =	simm.s32 $0x0;
	s22 =	smul.u32 $0x280, s5;
	s1 =	sand.u32 $0x1, s1;
	vm6 =	vmmov $0x3fff;
	[tilespmem:$0x1FFB0] =	vst v6;
	v6 =	vimm.s32 $0x0  }
0x1b: {  	v0 =	vimm.s32 $0x76543210;
	v1 =	vimm.s32 $0xFEDCBA98;
	s6 =	sshll.u32 s5, $0x7;
	s25 =	sadd.s32 $0x4000, s3;
	s26 =	sshll.u32 s5, $0x9;
	v6 =	vsel vm6, $0xFFFFFFFF, v6  }
0x1c: {  	v1 =	vunpack.c.l.s4.s8 v1;
	s4 =	ssub.s32 $0x2, s1;
	[dreg:$0x4] =	wrdreg s25;
	s1 =	sor.u32 s1, s5;
	vm7 =	vmmov $0x7fff;
	[tilespmem:$0x1FFC0] =	vst v6;
	v6 =	vimm.s32 $0x0  }
0x1d: {  	vm11 =	vmmov $0x3;
	v0 =	vunpack.c.l.s4.s8 v0;
	s5 =	simm.s32 $0x4000;
	s23 =	sshrl.u32 s22, $0x3;
	s24 =	sshrl.u32 s4, $0x1;
	v6 =	vsel vm7, $0xFFFFFFFF, v6  }
0x1e: {  	vm12 =	vmmov $0x7;
	v1 =	vunpack.c.0.s8.s32 v1;
	p0 =	sne.s32 s1, $0x0;
	s1 =	simm.s32 $0x1000;
	s0 =	sadd.s32 s23, s0;
	[tilespmem:$0x1FFD0] =	vst v6;
	v6 =	vimm.s32 $0x0  }
0x1f: {  	vm13 =	vmmov $0xf;
	s2 =	ssub.s32 s4, s24;
	s4 =	sadd.s32 s6, s25;
	s24 =	simm.s32 $0xD0000000;
	v4 =	vunpack.c.0.s8.s32 v0;
	v6 =	vsel vm12, $0xFFFFFFFF, v6  }
0x20: {  	s25 =	sshrl.u32 s26, $0x2;
	s0 =	sadd.s32 $0x1400, s0;
	[dreg:$0x6] =	wrdreg s4;
	v0 =	vimm.s32 $0x0;
	v1 =	vand.u32 $0xF, v1;
	[tilespmem:$0x1FFE0] =	vst v6;
	v6 =	vimm.s32 $0x0  }
0x21: {  	s26 =	simm.s32 $0xE0000000;
	s2 =	smax.u32 s2, $0x1;
	[dreg:$0x5] =	wrdreg s0;
	v1 =	vcombine.low v1, v4;
	v2 =	vand.u32 $0xF, v2;
	v6 =	vsel vm13, $0xFFFFFFFF, v6  }
0x22: {  	[dreg:$0x7] =	wrdreg s2;
	s0 =	simm.s32 $0x2000;
	s2 =	simm.s32 $0x3000;
	v3 =	vand.u32 $0xF, v3;
	v4 =	vand.u32 $0xF, v5;
	v5 =	vlaneseq.u32;
	[tilespmem:$0x1FFF0] =	vst v6  }
.LBB2_1:
0x23: {  	[dreg:$0x8] =	wrdreg s20  }
0x24: {  	s4 =	simm.s32 $0x0;
	s19 =	rddreg [dreg:$0x5]  }
0x25: {  	[tilespmem:s4], [sflag:$0x1] =	stream.linear.gather [hbm4b:s19+s4], $0x280, $0x38;
	[tilespmem:$0xF50] =	vst v63  }
0x26: {  	_ =	swait.ge [sflag:s11], $0x280  }
0x27: {  	[sflag:s11] =	ssyncset.done $0x0  }
0x28: {  	s4 =	simm.s32 $0x0;
	[sflag:s11] =	ssyncadd.s32 $0xFFFFFD80  }
0x29: {  	s19 =	simm.s32 $0x40;
	v6 =	vld [tilespmem:s4+$0x0]  }
.LBB2_2:
0x2a: {  	_ =	sdelay $0x1  }
0x2b: {  	p1 =	sne.s32 s19, $0x9C0  }
.Ltmp0:
0x2c: {  	_ = 	snop;
	(pc) =	sbr.rel @p1 .LBB2_2-.Ltmp0, $4  }
0x2d: {  	v7 =	vshra.s32 v6, $0x1F  }
0x2e: {  	v8 =	vmov v6;
	v7 =	vor.u32 $0x80000000, v7  }
0x2f: {  	s20 =	sshra.s32 s19, $0x2;
	v7 =	vxor.u32 v8, v7  }
0x30: {  	s19 =	sadd.s32 $0x40, s19;
	v6 =	vld [tilespmem:s20+$0x0];
	[tilespmem:s4+$0x280] =	vst v7;
	s4 =	smov.u32 s20  }
0x31: {  	_ =	sdelay $0x3  }
0x32: {  	v7 =	vshra.s32 v6, $0x1F  }
0x33: {  	v7 =	vor.u32 $0x80000000, v7  }
0x34: {  	v6 =	vxor.u32 v6, v7  }
0x35: {  	s19 =	simm.s32 $0x0;
	v7 =	vimm.s32 $0x0;
	[tilespmem:s4+$0x280] =	vst v6;
	v6 =	vimm.s32 $0x0  }
.LBB2_4:
0x36: {  	s20 =	sshll.u32 s19, $0x2;
	s21 =	simm.s32 $0x20000000;
	s23 =	simm.s32 $0x0;
	v48 =	vimm.s32 $0x0;
	v46 =	vimm.s32 $0x0  }
0x37: {  	s4 =	simm.s32 $0x10000000;
	v33 =	vimm.s32 $0x0;
	v37 =	vimm.s32 $0x0;
	v40 =	vimm.s32 $0x0;
	s21 =	sshrl.u32 s21, s20;
	v14 =	vld [tilespmem:s23+$0x280]  }
0x38: {  	v41 =	vimm.s32 $0x0;
	v38 =	vimm.s32 $0x0;
	s4 =	sshrl.u32 s4, s20;
	v26 =	vor.u32 s21, v6;
	s21 =	simm.s32 $0x30000000  }
0x39: {  	v35 =	vimm.s32 $0x0;
	v29 =	vimm.s32 $0x0;
	s23 =	simm.s32 $0x50000000;
	v28 =	vor.u32 s4, v6;
	s4 =	sshrl.u32 s21, s20;
	s21 =	simm.s32 $0x40000000  }
0x3a: {  	v23 =	vimm.s32 $0x0;
	v20 =	vimm.s32 $0x0;
	v18 =	vimm.s32 $0x0;
	s23 =	sshrl.u32 s23, s20;
	s21 =	sshrl.u32 s21, s20  }
0x3b: {  	v16 =	vimm.s32 $0x0;
	v31 =	vor.u32 s23, v6;
	v34 =	vor.u32 s21, v6;
	s21 =	simm.s32 $0x60000000  }
0x3c: {  	s23 =	simm.s32 $0x70000000;
	v30 =	vor.u32 s4, v6;
	s4 =	sshrl.u32 s21, s20;
	vm15 =	vge.u32 v14, v28;
	vm14 =	vge.u32 v14, v26  }
0x3d: {  	s21 =	sshrl.u32 s23, s20;
	s23 =	simm.s32 $0x80000000;
	vm1 =	vge.u32 v14, v30;
	vm2 =	vge.u32 v14, v34;
	v27 =	vor.u32 s4, v6  }
0x3e: {  	s23 =	sshrl.u32 s23, s20;
	v22 =	vor.u32 s21, v6;
	s21 =	simm.s32 $0x90000000;
	v51 =	vsel vm15, $0x1, v0;
	v50 =	vsel vm14, $0x1, v0  }
0x3f: {  	v49 =	vsel vm1, $0x1, v0;
	v47 =	vsel vm2, $0x1, v0;
	v19 =	vor.u32 s23, v6;
	s4 =	sshrl.u32 s21, s20  }
0x40: {  	s23 =	simm.s32 $0xA0000000;
	vm3 =	vge.u32 v14, v27;
	vm4 =	vge.u32 v14, v22;
	v17 =	vor.u32 s4, v6  }
0x41: {  	s21 =	sshrl.u32 s23, s20;
	s23 =	simm.s32 $0xB0000000;
	vm5 =	vge.u32 v14, v19;
	v44 =	vsel vm3, $0x1, v0;
	v43 =	vsel vm4, $0x1, v0  }
0x42: {  	s23 =	sshrl.u32 s23, s20;
	v15 =	vor.u32 s21, v6;
	s21 =	simm.s32 $0xC0000000;
	vm6 =	vge.u32 v14, v17;
	v42 =	vsel vm5, $0x1, v0  }
0x43: {  	v13 =	vor.u32 s23, v6;
	s4 =	sshrl.u32 s21, s20;
	s21 =	sshrl.u32 s24, s20;
	s23 =	sshrl.u32 s26, s20;
	vm7 =	vge.u32 v14, v15;
	v39 =	vsel vm6, $0x1, v0  }
0x44: {  	v12 =	vor.u32 s4, v6;
	v11 =	vor.u32 s21, v6;
	v10 =	vor.u32 s23, v6;
	s23 =	sshrl.u32 s28, s20  }
0x45: {  	vm8 =	vge.u32 v14, v13;
	v36 =	vsel vm7, $0x1, v0;
	v8 =	vor.u32 s23, v6  }
0x46: {  	vm9 =	vge.u32 v14, v12;
	vm10 =	vge.u32 v14, v11;
	vm15 =	vge.u32 v14, v10  }
0x47: {  	v32 =	vsel vm8, $0x1, v0;
	vm0 =	vge.u32 v14, v8;
	v25 =	vsel vm9, $0x1, v0  }
0x48: {  	v21 =	vsel vm10, $0x1, v0;
	v9 =	vsel vm0, $0x1, v0;
	vm0 =	vge.u32 v14, v31  }
0x49: {  	s21 =	simm.s32 $0x10;
	s4 =	simm.s32 $0x80;
	v14 =	vimm.s32 $0x0;
	v9 =	vadd.s32 v9, v7;
	v45 =	vsel vm0, $0x1, v0  }
.LBB2_5:
0x4a: {  	p1 =	sne.s32 s4, $0x9C0;
	v24 =	vld [tilespmem:s21+$0x280];
	v48 =	vadd.s32 v51, v48;
	v46 =	vadd.s32 v50, v46;
	v50 =	vsel vm15, $0x1, v0  }
0x4b: {  	v33 =	vadd.s32 v49, v33;
	v37 =	vadd.s32 v47, v37;
	v40 =	vadd.s32 v45, v40  }
0x4c: {  	v41 =	vadd.s32 v44, v41;
	v38 =	vadd.s32 v43, v38;
	v35 =	vadd.s32 v42, v35  }
0x4d: {  	v29 =	vadd.s32 v39, v29;
	v23 =	vadd.s32 v36, v23;
	v20 =	vadd.s32 v32, v20  }
0x4e: {  	v18 =	vadd.s32 v25, v18;
	v16 =	vadd.s32 v21, v16;
	v14 =	vadd.s32 v50, v14  }
0x4f: {  	vm0 =	vge.u32 v24, v28;
	vm1 =	vge.u32 v24, v26;
	vm2 =	vge.u32 v24, v8  }
0x50: {  	vm3 =	vge.u32 v24, v30;
	vm4 =	vge.u32 v24, v34;
	v21 =	vsel vm2, $0x1, v0  }
0x51: {  	vm5 =	vge.u32 v24, v27;
	vm2 =	vge.u32 v24, v31;
	v9 =	vadd.s32 v21, v9  }
0x52: {  	vm6 =	vge.u32 v24, v22;
	vm7 =	vge.u32 v24, v19;
	vm8 =	vge.u32 v24, v17  }
0x53: {  	vm9 =	vge.u32 v24, v15;
	vm10 =	vge.u32 v24, v13;
	vm14 =	vge.u32 v24, v12  }
.Ltmp1:
0x54: {  	vm15 =	vge.u32 v24, v10;
	v51 =	vsel vm0, $0x1, v0;
	vm0 =	vge.u32 v24, v11;
	(pc) =	sbr.rel @p1 .LBB2_5-.Ltmp1, $4  }
0x55: {  	v50 =	vsel vm1, $0x1, v0;
	v49 =	vsel vm3, $0x1, v0;
	v47 =	vsel vm4, $0x1, v0  }
0x56: {  	v44 =	vsel vm5, $0x1, v0;
	v43 =	vsel vm6, $0x1, v0;
	v45 =	vsel vm2, $0x1, v0  }
0x57: {  	v42 =	vsel vm7, $0x1, v0;
	v39 =	vsel vm8, $0x1, v0;
	v36 =	vsel vm9, $0x1, v0  }
0x58: {  	s21 =	sshra.s32 s4, $0x2;
	s4 =	sadd.s32 $0x40, s4;
	v32 =	vsel vm10, $0x1, v0;
	v25 =	vsel vm14, $0x1, v0;
	v21 =	vsel vm0, $0x1, v0  }
0x59: {  	v24 =	vld [tilespmem:s21+$0x280];
	_ =	sdelay $0x4  }
0x5a: {  	vm0 =	vge.u32 v24, v28  }
0x5b: {  	v62 =	vadd.s32 v51, v48;
	v63 =	vsel vm0, $0x1, v0  }
0x5c: {  	v28 =	vadd.s32 v63, v62  }
0x5d: {  	[tilespmem:$0x580] =	vst v28  }
0x5e: {  	v52 =	vld.idx.msk [tilespmem:v1+s29+$0x0], $0xffff;
	_ =	sdelay $0x4  }
0x5f: {  	v28 =	vadd.s32 v28, v52  }
0x60: {  	[tilespmem:$0x580] =	vst v28  }
0x61: {  	v53 =	vld.idx.msk [tilespmem:v2+s29+$0x0], $0xffff;
	_ =	sdelay $0x4  }
0x62: {  	v28 =	vadd.s32 v28, v53  }
0x63: {  	[tilespmem:$0x580] =	vst v28  }
0x64: {  	v54 =	vld.idx.msk [tilespmem:v3+s29+$0x0], $0xffff;
	_ =	sdelay $0x3  }
0x65: {  	vm5 =	vge.u32 v24, v26  }
0x66: {  	v55 =	vadd.s32 v50, v46;
	v56 =	vsel vm5, $0x1, v0;
	v26 =	vadd.s32 v28, v54  }
0x67: {  	v46 =	vadd.s32 v56, v55;
	[tilespmem:$0x580] =	vst v26  }
0x68: {  	v28 =	vld.idx.msk [tilespmem:v4+s29+$0x0], $0xffff;
	[tilespmem:$0x580] =	vst v46  }
0x69: {  	v57 =	vld.idx.msk [tilespmem:v1+s29+$0x0], $0xffff;
	_ =	sdelay $0x4  }
0x6a: {  	v46 =	vadd.s32 v46, v57  }
0x6b: {  	[tilespmem:$0x580] =	vst v46  }
0x6c: {  	v58 =	vld.idx.msk [tilespmem:v2+s29+$0x0], $0xffff;
	_ =	sdelay $0x4  }
0x6d: {  	v46 =	vadd.s32 v46, v58  }
0x6e: {  	[tilespmem:$0x580] =	vst v46  }
0x6f: {  	v59 =	vld.idx.msk [tilespmem:v3+s29+$0x0], $0xffff;
	_ =	sdelay $0x3  }
0x70: {  	vm6 =	vge.u32 v24, v30  }
0x71: {  	v33 =	vadd.s32 v49, v33;
	v60 =	vsel vm6, $0x1, v0;
	v30 =	vadd.s32 v46, v59  }
0x72: {  	v46 =	vadd.s32 v60, v33;
	[tilespmem:$0x580] =	vst v30  }
0x73: {  	v33 =	vld.idx.msk [tilespmem:v4+s29+$0x0], $0xffff;
	[tilespmem:$0x580] =	vst v46  }
0x74: {  	v61 =	vld.idx.msk [tilespmem:v1+s29+$0x0], $0xffff;
	_ =	sdelay $0x4  }
0x75: {  	v46 =	vadd.s32 v46, v61  }
0x76: {  	[tilespmem:$0x580] =	vst v46  }
0x77: {  	v62 =	vld.idx.msk [tilespmem:v2+s29+$0x0], $0xffff;
	_ =	sdelay $0x4  }
0x78: {  	v46 =	vadd.s32 v46, v62  }
0x79: {  	[tilespmem:$0x580] =	vst v46  }
0x7a: {  	v63 =	vld.idx.msk [tilespmem:v3+s29+$0x0], $0xffff;
	_ =	sdelay $0x3  }
0x7b: {  	vm7 =	vge.u32 v24, v34  }
0x7c: {  	v37 =	vadd.s32 v47, v37;
	v48 =	vsel vm7, $0x1, v0;
	v34 =	vadd.s32 v46, v63  }
0x7d: {  	v46 =	vadd.s32 v48, v37;
	[tilespmem:$0x580] =	vst v34  }
0x7e: {  	v37 =	vld.idx.msk [tilespmem:v4+s29+$0x0], $0xffff;
	[tilespmem:$0x580] =	vst v46  }
0x7f: {  	v49 =	vld.idx.msk [tilespmem:v1+s29+$0x0], $0xffff;
	_ =	sdelay $0x4  }
0x80: {  	v46 =	vadd.s32 v46, v49  }
0x81: {  	[tilespmem:$0x580] =	vst v46  }
0x82: {  	v50 =	vld.idx.msk [tilespmem:v2+s29+$0x0], $0xffff;
	_ =	sdelay $0x4  }
0x83: {  	v46 =	vadd.s32 v46, v50  }
0x84: {  	[tilespmem:$0x580] =	vst v46  }
0x85: {  	v51 =	vld.idx.msk [tilespmem:v3+s29+$0x0], $0xffff;
	_ =	sdelay $0x3  }
0x86: {  	vm4 =	vge.u32 v24, v31  }
0x87: {  	v40 =	vadd.s32 v45, v40;
	v52 =	vsel vm4, $0x1, v0;
	v31 =	vadd.s32 v46, v51  }
0x88: {  	v45 =	vadd.s32 v52, v40;
	[tilespmem:$0x580] =	vst v31  }
0x89: {  	v40 =	vld.idx.msk [tilespmem:v4+s29+$0x0], $0xffff;
	[tilespmem:$0x580] =	vst v45  }
0x8a: {  	v53 =	vld.idx.msk [tilespmem:v1+s29+$0x0], $0xffff;
	_ =	sdelay $0x4  }
0x8b: {  	v45 =	vadd.s32 v45, v53  }
0x8c: {  	[tilespmem:$0x580] =	vst v45  }
0x8d: {  	v54 =	vld.idx.msk [tilespmem:v2+s29+$0x0], $0xffff;
	_ =	sdelay $0x4  }
0x8e: {  	v45 =	vadd.s32 v45, v54  }
0x8f: {  	[tilespmem:$0x580] =	vst v45  }
0x90: {  	v55 =	vld.idx.msk [tilespmem:v3+s29+$0x0], $0xffff;
	_ =	sdelay $0x3  }
0x91: {  	vm5 =	vge.u32 v24, v27  }
0x92: {  	v41 =	vadd.s32 v44, v41;
	v56 =	vsel vm5, $0x1, v0;
	v27 =	vadd.s32 v45, v55  }
0x93: {  	v44 =	vadd.s32 v56, v41;
	[tilespmem:$0x580] =	vst v27  }
0x94: {  	v41 =	vld.idx.msk [tilespmem:v4+s29+$0x0], $0xffff;
	[tilespmem:$0x580] =	vst v44  }
0x95: {  	v57 =	vld.idx.msk [tilespmem:v1+s29+$0x0], $0xffff;
	_ =	sdelay $0x4  }
0x96: {  	v44 =	vadd.s32 v44, v57  }
0x97: {  	[tilespmem:$0x580] =	vst v44  }
0x98: {  	v58 =	vld.idx.msk [tilespmem:v2+s29+$0x0], $0xffff;
	_ =	sdelay $0x4  }
0x99: {  	v44 =	vadd.s32 v44, v58  }
0x9a: {  	[tilespmem:$0x580] =	vst v44  }
0x9b: {  	v59 =	vld.idx.msk [tilespmem:v3+s29+$0x0], $0xffff;
	_ =	sdelay $0x3  }
0x9c: {  	vm6 =	vge.u32 v24, v22  }
0x9d: {  	v38 =	vadd.s32 v43, v38;
	v60 =	vsel vm6, $0x1, v0;
	v22 =	vadd.s32 v44, v59  }
0x9e: {  	v43 =	vadd.s32 v60, v38;
	[tilespmem:$0x580] =	vst v22  }
0x9f: {  	v38 =	vld.idx.msk [tilespmem:v4+s29+$0x0], $0xffff;
	[tilespmem:$0x580] =	vst v43  }
0xa0: {  	v61 =	vld.idx.msk [tilespmem:v1+s29+$0x0], $0xffff;
	_ =	sdelay $0x4  }
0xa1: {  	v43 =	vadd.s32 v43, v61  }
0xa2: {  	[tilespmem:$0x580] =	vst v43  }
0xa3: {  	v62 =	vld.idx.msk [tilespmem:v2+s29+$0x0], $0xffff;
	_ =	sdelay $0x4  }
0xa4: {  	v43 =	vadd.s32 v43, v62  }
0xa5: {  	[tilespmem:$0x580] =	vst v43  }
0xa6: {  	v63 =	vld.idx.msk [tilespmem:v3+s29+$0x0], $0xffff;
	_ =	sdelay $0x3  }
0xa7: {  	vm7 =	vge.u32 v24, v19  }
0xa8: {  	v35 =	vadd.s32 v42, v35;
	v48 =	vsel vm7, $0x1, v0;
	v19 =	vadd.s32 v43, v63  }
0xa9: {  	v35 =	vadd.s32 v48, v35;
	[tilespmem:$0x580] =	vst v19  }
0xaa: {  	v42 =	vld.idx.msk [tilespmem:v4+s29+$0x0], $0xffff;
	[tilespmem:$0x580] =	vst v35  }
0xab: {  	v49 =	vld.idx.msk [tilespmem:v1+s29+$0x0], $0xffff;
	_ =	sdelay $0x4  }
0xac: {  	v35 =	vadd.s32 v35, v49  }
0xad: {  	[tilespmem:$0x580] =	vst v35  }
0xae: {  	v50 =	vld.idx.msk [tilespmem:v2+s29+$0x0], $0xffff;
	_ =	sdelay $0x4  }
0xaf: {  	v35 =	vadd.s32 v35, v50  }
0xb0: {  	[tilespmem:$0x580] =	vst v35  }
0xb1: {  	v51 =	vld.idx.msk [tilespmem:v3+s29+$0x0], $0xffff;
	_ =	sdelay $0x3  }
0xb2: {  	vm4 =	vge.u32 v24, v17  }
0xb3: {  	v29 =	vadd.s32 v39, v29;
	v52 =	vsel vm4, $0x1, v0;
	v17 =	vadd.s32 v35, v51  }
0xb4: {  	v29 =	vadd.s32 v52, v29;
	[tilespmem:$0x580] =	vst v17  }
0xb5: {  	v35 =	vld.idx.msk [tilespmem:v4+s29+$0x0], $0xffff;
	[tilespmem:$0x580] =	vst v29  }
0xb6: {  	v53 =	vld.idx.msk [tilespmem:v1+s29+$0x0], $0xffff;
	_ =	sdelay $0x4  }
0xb7: {  	v29 =	vadd.s32 v29, v53  }
0xb8: {  	[tilespmem:$0x580] =	vst v29  }
0xb9: {  	v54 =	vld.idx.msk [tilespmem:v2+s29+$0x0], $0xffff;
	_ =	sdelay $0x4  }
0xba: {  	v29 =	vadd.s32 v29, v54  }
0xbb: {  	[tilespmem:$0x580] =	vst v29  }
0xbc: {  	v55 =	vld.idx.msk [tilespmem:v3+s29+$0x0], $0xffff;
	_ =	sdelay $0x3  }
0xbd: {  	vm5 =	vge.u32 v24, v15  }
0xbe: {  	v23 =	vadd.s32 v36, v23;
	v56 =	vsel vm5, $0x1, v0;
	v15 =	vadd.s32 v29, v55  }
0xbf: {  	v23 =	vadd.s32 v56, v23;
	[tilespmem:$0x580] =	vst v15  }
0xc0: {  	v29 =	vld.idx.msk [tilespmem:v4+s29+$0x0], $0xffff;
	[tilespmem:$0x580] =	vst v23  }
0xc1: {  	v57 =	vld.idx.msk [tilespmem:v1+s29+$0x0], $0xffff;
	_ =	sdelay $0x4  }
0xc2: {  	v23 =	vadd.s32 v23, v57  }
0xc3: {  	[tilespmem:$0x580] =	vst v23  }
0xc4: {  	v58 =	vld.idx.msk [tilespmem:v2+s29+$0x0], $0xffff;
	_ =	sdelay $0x4  }
0xc5: {  	v23 =	vadd.s32 v23, v58  }
0xc6: {  	[tilespmem:$0x580] =	vst v23  }
0xc7: {  	v59 =	vld.idx.msk [tilespmem:v3+s29+$0x0], $0xffff;
	_ =	sdelay $0x3  }
0xc8: {  	vm6 =	vge.u32 v24, v13  }
0xc9: {  	v20 =	vadd.s32 v32, v20;
	v60 =	vsel vm6, $0x1, v0;
	v13 =	vadd.s32 v23, v59  }
0xca: {  	v20 =	vadd.s32 v60, v20;
	[tilespmem:$0x580] =	vst v13  }
0xcb: {  	v23 =	vld.idx.msk [tilespmem:v4+s29+$0x0], $0xffff;
	[tilespmem:$0x580] =	vst v20  }
0xcc: {  	v61 =	vld.idx.msk [tilespmem:v1+s29+$0x0], $0xffff;
	_ =	sdelay $0x4  }
0xcd: {  	v20 =	vadd.s32 v20, v61  }
0xce: {  	[tilespmem:$0x580] =	vst v20  }
0xcf: {  	v62 =	vld.idx.msk [tilespmem:v2+s29+$0x0], $0xffff;
	_ =	sdelay $0x4  }
0xd0: {  	v20 =	vadd.s32 v20, v62  }
0xd1: {  	[tilespmem:$0x580] =	vst v20  }
0xd2: {  	v63 =	vld.idx.msk [tilespmem:v3+s29+$0x0], $0xffff;
	_ =	sdelay $0x3  }
0xd3: {  	vm7 =	vge.u32 v24, v12  }
0xd4: {  	v18 =	vadd.s32 v25, v18;
	v25 =	vsel vm7, $0x1, v0;
	v12 =	vadd.s32 v20, v63  }
0xd5: {  	v18 =	vadd.s32 v25, v18;
	[tilespmem:$0x580] =	vst v12  }
0xd6: {  	v20 =	vld.idx.msk [tilespmem:v4+s29+$0x0], $0xffff;
	[tilespmem:$0x580] =	vst v18  }
0xd7: {  	v32 =	vld.idx.msk [tilespmem:v1+s29+$0x0], $0xffff;
	_ =	sdelay $0x4  }
0xd8: {  	v18 =	vadd.s32 v18, v32  }
0xd9: {  	[tilespmem:$0x580] =	vst v18  }
0xda: {  	v36 =	vld.idx.msk [tilespmem:v2+s29+$0x0], $0xffff;
	_ =	sdelay $0x4  }
0xdb: {  	v18 =	vadd.s32 v18, v36  }
0xdc: {  	[tilespmem:$0x580] =	vst v18  }
0xdd: {  	v39 =	vld.idx.msk [tilespmem:v3+s29+$0x0], $0xffff;
	_ =	sdelay $0x3  }
0xde: {  	vm4 =	vge.u32 v24, v11  }
0xdf: {  	v16 =	vadd.s32 v21, v16;
	v44 =	vsel vm4, $0x1, v0;
	v43 =	vadd.s32 v18, v39  }
0xe0: {  	v16 =	vadd.s32 v44, v16;
	[tilespmem:$0x580] =	vst v43  }
0xe1: {  	v45 =	vld.idx.msk [tilespmem:v4+s29+$0x0], $0xffff;
	[tilespmem:$0x580] =	vst v16  }
0xe2: {  	v46 =	vld.idx.msk [tilespmem:v1+s29+$0x0], $0xffff;
	_ =	sdelay $0x4  }
0xe3: {  	v16 =	vadd.s32 v16, v46  }
0xe4: {  	[tilespmem:$0x580] =	vst v16  }
0xe5: {  	v47 =	vld.idx.msk [tilespmem:v2+s29+$0x0], $0xffff;
	_ =	sdelay $0x4  }
0xe6: {  	v16 =	vadd.s32 v16, v47  }
0xe7: {  	[tilespmem:$0x580] =	vst v16  }
0xe8: {  	v48 =	vld.idx.msk [tilespmem:v3+s29+$0x0], $0xffff;
	_ =	sdelay $0x3  }
0xe9: {  	vm5 =	vge.u32 v24, v10;
	v49 =	vsel vm15, $0x1, v0  }
0xea: {  	v14 =	vadd.s32 v49, v14;
	v51 =	vsel vm5, $0x1, v0;
	v50 =	vadd.s32 v16, v48  }
0xeb: {  	v14 =	vadd.s32 v51, v14;
	[tilespmem:$0x580] =	vst v50  }
0xec: {  	v52 =	vld.idx.msk [tilespmem:v4+s29+$0x0], $0xffff;
	[tilespmem:$0x580] =	vst v14  }
0xed: {  	v53 =	vld.idx.msk [tilespmem:v1+s29+$0x0], $0xffff;
	_ =	sdelay $0x4  }
0xee: {  	v14 =	vadd.s32 v14, v53  }
0xef: {  	[tilespmem:$0x580] =	vst v14  }
0xf0: {  	v54 =	vld.idx.msk [tilespmem:v2+s29+$0x0], $0xffff;
	_ =	sdelay $0x4  }
0xf1: {  	v14 =	vadd.s32 v14, v54  }
0xf2: {  	[tilespmem:$0x580] =	vst v14  }
0xf3: {  	v55 =	vld.idx.msk [tilespmem:v3+s29+$0x0], $0xffff;
	_ =	sdelay $0x3  }
0xf4: {  	vm6 =	vge.u32 v24, v8  }
0xf5: {  	v56 =	vsel vm6, $0x1, v0;
	v8 =	vadd.s32 v14, v55  }
0xf6: {  	v9 =	vadd.s32 v56, v9;
	[tilespmem:$0x580] =	vst v8  }
0xf7: {  	v57 =	vld.idx.msk [tilespmem:v4+s29+$0x0], $0xffff;
	[tilespmem:$0x580] =	vst v9  }
0xf8: {  	v58 =	vld.idx.msk [tilespmem:v1+s29+$0x0], $0xffff;
	_ =	sdelay $0x4  }
0xf9: {  	v9 =	vadd.s32 v9, v58  }
0xfa: {  	[tilespmem:$0x580] =	vst v9  }
0xfb: {  	v59 =	vld.idx.msk [tilespmem:v2+s29+$0x0], $0xffff;
	_ =	sdelay $0x1  }
0xfc: {  	v44 =	vld [tilespmem:$0x1FFD0]  }
0xfd: {  	v62 =	vadd.s32 v30, v33;
	v33 =	vld [tilespmem:$0x1FF40]  }
0xfe: {  	v60 =	vadd.s32 v26, v28;
	v32 =	vld [tilespmem:$0x1FF30]  }
0xff: {  	vm7 =	veq.s32 v5, $0x0;
	v63 =	vadd.s32 v34, v37;
	v34 =	vld [tilespmem:$0x1FF50];
	v9 =	vadd.s32 v9, v59  }
0x100: {  	v61 =	vsel vm7, $0x0, v60;
	v36 =	vld [tilespmem:$0x1FF60];
	[tilespmem:$0x580] =	vst v9  }
0x101: {  	v22 =	vadd.s32 v22, v38;
	v21 =	vsel vm11, v61, v62;
	v28 =	vld.idx.msk [tilespmem:v3+s29+$0x0], $0xffff  }
0x102: {  	v19 =	vadd.s32 v19, v42;
	v30 =	vadd.s32 v31, v40;
	v37 =	vld [tilespmem:$0x1FF70];
	v21 =	vsel vm12, v21, v63  }
0x103: {  	v31 =	vadd.s32 v27, v41;
	v21 =	vsel vm13, v21, v30;
	vm4 =	vnez.u8 v32;
	v39 =	vld [tilespmem:$0x1FF80]  }
0x104: {  	v17 =	vadd.s32 v17, v35;
	v40 =	vld [tilespmem:$0x1FF90];
	vm5 =	vnez.u8 v33;
	v21 =	vsel vm4, v21, v31  }
0x105: {  	v15 =	vadd.s32 v15, v29;
	v41 =	vld [tilespmem:$0x1FFA0];
	vm6 =	vnez.u8 v34;
	v21 =	vsel vm5, v21, v22  }
0x106: {  	v42 =	vld [tilespmem:$0x1FFB0];
	v19 =	vsel vm6, v21, v19;
	vm7 =	vnez.u8 v36;
	v9 =	vadd.s32 v9, v28  }
0x107: {  	vm4 =	vnez.u8 v37;
	v17 =	vsel vm7, v19, v17;
	v11 =	vadd.s32 v43, v45;
	v43 =	vld [tilespmem:$0x1FFC0];
	[tilespmem:$0x580] =	vst v9  }
0x108: {  	v13 =	vadd.s32 v13, v23;
	v15 =	vsel vm4, v17, v15;
	vm5 =	vnez.u8 v39;
	v38 =	vld.idx.msk [tilespmem:v4+s29+$0x0], $0xffff  }
0x109: {  	v12 =	vadd.s32 v12, v20;
	vm6 =	vnez.u8 v40;
	v13 =	vsel vm5, v15, v13  }
0x10a: {  	vm7 =	vnez.u8 v41;
	v12 =	vsel vm6, v13, v12  }
0x10b: {  	vm4 =	vnez.u8 v42;
	v11 =	vsel vm7, v12, v11;
	v10 =	vadd.s32 v50, v52  }
0x10c: {  	s4 =	sshll.u32 s19, $0xB;
	vm5 =	vnez.u8 v43;
	v10 =	vsel vm4, v11, v10;
	v8 =	vadd.s32 v8, v57  }
0x10d: {  	s4 =	sand.u32 $0x3FFFF800, s4;
	vm6 =	vnez.u8 v44;
	v8 =	vsel vm5, v10, v8;
	v9 =	vadd.s32 v9, v38  }
0x10e: {  	s4 =	sadd.s32 s4, s3;
	v8 =	vsel vm6, v8, v9  }
0x10f: {  	s23 =	sadd.s32 s25, s4;
	[tilespmem:$0x500] =	vst v8  }
0x110: {  	[spmem:s23] =	stream.linear.scatter [tilespmem:s30], [sflag:$0x1], $0x80, $0x38;
	[tilespmem:$0xF50] =	vst v63  }
0x111: {  	_ =	swait.ge [sflag:s11], $0x80  }
0x112: {  	[sflag:s11] =	ssyncset.done $0x0  }
0x113: {  	[sflag:s11] =	ssyncadd.s32 $0xFFFFFF80  }
0x114: {  	[bflag:$0x0] =	sbarrier.arrive $0xFFFF  }
0x115: {  	[tilespmem:s31], [sflag:$0x1] =	stream.linear.gather [spmem:s4], $0x800, $0x38;
	[tilespmem:$0xF50] =	vst v63  }
0x116: {  	_ =	swait.ge [sflag:s11], $0x800  }
0x117: {  	[sflag:s11] =	ssyncset.done $0x0  }
0x118: {  	[sflag:s11] =	ssyncadd.s32 $0xFFFFF800  }
0x119: {  	v8 =	vld [tilespmem:$0x600]  }
0x11a: {  	v45 =	vld [tilespmem:$0x680]  }
0x11b: {  	v46 =	vld [tilespmem:$0x700]  }
0x11c: {  	v47 =	vld [tilespmem:$0x780]  }
0x11d: {  	v48 =	vld [tilespmem:$0x800]  }
0x11e: {  	v49 =	vld [tilespmem:$0x880]  }
0x11f: {  	v50 =	vld [tilespmem:$0x900];
	v8 =	vadd.s32 v8, v45  }
0x120: {  	v51 =	vld [tilespmem:$0x980];
	v8 =	vadd.s32 v8, v46  }
0x121: {  	v52 =	vld [tilespmem:$0xA00];
	v8 =	vadd.s32 v8, v47  }
0x122: {  	v53 =	vld [tilespmem:$0xA80];
	v8 =	vadd.s32 v8, v48  }
0x123: {  	v54 =	vld [tilespmem:$0xB00];
	v8 =	vadd.s32 v8, v49  }
0x124: {  	v55 =	vld [tilespmem:$0xB80];
	v8 =	vadd.s32 v8, v50  }
0x125: {  	v56 =	vld [tilespmem:$0xC00];
	v8 =	vadd.s32 v8, v51  }
0x126: {  	v57 =	vld [tilespmem:$0xC80];
	v8 =	vadd.s32 v8, v52  }
0x127: {  	v58 =	vld [tilespmem:$0xD00];
	v8 =	vadd.s32 v8, v53  }
0x128: {  	v59 =	vld [tilespmem:$0xD80];
	v8 =	vadd.s32 v8, v54  }
0x129: {  	v8 =	vadd.s32 v8, v55  }
0x12a: {  	v8 =	vadd.s32 v8, v56  }
0x12b: {  	v8 =	vadd.s32 v8, v57  }
0x12c: {  	v8 =	vadd.s32 v8, v58  }
0x12d: {  	v8 =	vadd.s32 v8, v59  }
0x12e: {  	vm1 =	vcmask $0x3F04;
	vm7 =	vgt.s32 v8, $0x1387  }
0x12f: {  	vm0 =	vmand vm7, vm1  }
0x130: {  	v8 =	vsel vm0, $0x1, v0  }
0x131: {  	[tilespmem:$0x580] =	vst v8  }
0x132: {  	v60 =	vld.idx.msk [tilespmem:v1+s29+$0x0], $0xffff;
	_ =	sdelay $0x4  }
0x133: {  	v8 =	vadd.s32 v8, v60  }
0x134: {  	[tilespmem:$0x580] =	vst v8  }
0x135: {  	v61 =	vld.idx.msk [tilespmem:v2+s29+$0x0], $0xffff;
	_ =	sdelay $0x4  }
0x136: {  	v8 =	vadd.s32 v8, v61  }
0x137: {  	[tilespmem:$0x580] =	vst v8  }
0x138: {  	v62 =	vld.idx.msk [tilespmem:v3+s29+$0x0], $0xffff;
	_ =	sdelay $0x4  }
0x139: {  	v8 =	vadd.s32 v8, v62  }
0x13a: {  	[tilespmem:$0x580] =	vst v8  }
0x13b: {  	v63 =	vld.idx.msk [tilespmem:v4+s29+$0x0], $0xffff  }
0x13c: {  	s19 =	sadd.s32 $0x1, s19  }
0x13d: {  	p1 =	sne.s32 s19, $0x8  }
.Ltmp2:
0x13e: {  	_ = 	snop;
	(pc) =	sbr.rel @p1 .LBB2_4-.Ltmp2, $4  }
0x13f: {  	_ = 	snop  }
0x140: {  	s23 =	ssub.s32 $0x1C, s20;
	v8 =	vadd.s32 v8, v63  }
0x141: {  	v8 =	vshll.u32 v8, s23  }
0x142: {  	v6 =	vor.u32 v6, v8  }
0x143: {  	s19 =	simm.s32 $0x0  }
0x144: {  	v8 =	vld [tilespmem:s19+$0x280]  }
0x145: {  	v7 =	vimm.s32 $0x0;
	s4 =	simm.s32 $0x40  }
.LBB2_8:
0x146: {  	p1 =	sne.s32 s4, $0x9C0  }
.Ltmp3:
0x147: {  	_ = 	snop;
	(pc) =	sbr.rel @p1 .LBB2_8-.Ltmp3, $4  }
0x148: {  	_ = 	snop  }
0x149: {  	s19 =	sshra.s32 s4, $0x2;
	s4 =	sadd.s32 $0x40, s4;
	vm0 =	vgt.u32 v8, v6  }
0x14a: {  	v8 =	vld [tilespmem:s19+$0x280];
	v9 =	vsel vm0, $0x1, v0  }
0x14b: {  	v7 =	vadd.s32 v9, v7  }
0x14c: {  	_ =	sdelay $0x2  }
0x14d: {  	vm0 =	vgt.u32 v8, v6  }
0x14e: {  	v8 =	vsel vm0, $0x1, v0  }
0x14f: {  	v7 =	vadd.s32 v8, v7  }
0x150: {  	[tilespmem:$0x580] =	vst v7  }
0x151: {  	v8 =	vld.idx.msk [tilespmem:v1+s29+$0x0], $0xffff;
	_ =	sdelay $0x4  }
0x152: {  	v7 =	vadd.s32 v7, v8  }
0x153: {  	[tilespmem:$0x580] =	vst v7  }
0x154: {  	v8 =	vld.idx.msk [tilespmem:v2+s29+$0x0], $0xffff;
	_ =	sdelay $0x4  }
0x155: {  	v7 =	vadd.s32 v7, v8  }
0x156: {  	[tilespmem:$0x580] =	vst v7  }
0x157: {  	v8 =	vld.idx.msk [tilespmem:v3+s29+$0x0], $0xffff;
	_ =	sdelay $0x4  }
0x158: {  	v7 =	vadd.s32 v7, v8  }
0x159: {  	[tilespmem:$0x580] =	vst v7  }
0x15a: {  	v8 =	vld.idx.msk [tilespmem:v4+s29+$0x0], $0xffff;
	_ =	sdelay $0x4  }
0x15b: {  	vm15 =	vcmask $0x308;
	v7 =	vadd.s32 v7, v8  }
0x15c: {  	v7 =	vsel vm15, $0x0, v7  }
0x15d: {  	s4 =	rddreg [dreg:$0x6];
	[tilespmem:$0x500] =	vst v7  }
0x15e: {  	[spmem:s4] =	stream.linear.scatter [tilespmem:s30], [sflag:$0x1], $0x80, $0x38;
	[tilespmem:$0xF50] =	vst v63  }
0x15f: {  	_ =	swait.ge [sflag:s11], $0x80  }
0x160: {  	[sflag:s11] =	ssyncset.done $0x0  }
0x161: {  	[sflag:s11] =	ssyncadd.s32 $0xFFFFFF80  }
0x162: {  	[bflag:$0x0] =	sbarrier.arrive $0xFFFF  }
0x163: {  	s23 =	rddreg [dreg:$0x4]  }
0x164: {  	[tilespmem:s31], [sflag:$0x1] =	stream.linear.gather [spmem:s23], $0x800, $0x38;
	[tilespmem:$0xF50] =	vst v63  }
0x165: {  	_ =	swait.ge [sflag:s11], $0x800  }
0x166: {  	[sflag:s11] =	ssyncset.done $0x0  }
0x167: {  	[sflag:s11] =	ssyncadd.s32 $0xFFFFF800  }
0x168: {  	v7 =	vld [tilespmem:$0x600]  }
0x169: {  	v8 =	vld [tilespmem:$0x680]  }
0x16a: {  	v9 =	vld [tilespmem:$0x700]  }
0x16b: {  	v10 =	vld [tilespmem:$0x780]  }
0x16c: {  	v11 =	vld [tilespmem:$0x800]  }
0x16d: {  	v12 =	vld [tilespmem:$0x880]  }
0x16e: {  	v7 =	vadd.s32 v7, v8;
	v8 =	vld [tilespmem:$0x900]  }
0x16f: {  	v7 =	vadd.s32 v7, v9;
	v9 =	vld [tilespmem:$0x980]  }
0x170: {  	v7 =	vadd.s32 v7, v10;
	v10 =	vld [tilespmem:$0xA00]  }
0x171: {  	v7 =	vadd.s32 v7, v11;
	v11 =	vld [tilespmem:$0xA80]  }
0x172: {  	v62 =	vld [tilespmem:$0xB00];
	v7 =	vadd.s32 v7, v12  }
0x173: {  	v7 =	vadd.s32 v7, v8;
	v8 =	vld [tilespmem:$0xB80]  }
0x174: {  	v7 =	vadd.s32 v7, v9;
	v9 =	vld [tilespmem:$0xC00]  }
0x175: {  	v7 =	vadd.s32 v7, v10;
	v10 =	vld [tilespmem:$0xC80]  }
0x176: {  	v7 =	vadd.s32 v7, v11;
	v11 =	vld [tilespmem:$0xD00]  }
0x177: {  	v63 =	vld [tilespmem:$0xD80];
	v7 =	vadd.s32 v7, v62  }
0x178: {  	v7 =	vadd.s32 v7, v8  }
0x179: {  	v7 =	vadd.s32 v7, v9  }
0x17a: {  	v7 =	vadd.s32 v7, v10  }
0x17b: {  	v7 =	vadd.s32 v7, v11  }
0x17c: {  	v7 =	vadd.s32 v7, v63  }
0x17d: {  	v7 =	vsel vm15, $0x0, v7  }
0x17e: {  	[tilespmem:$0x580] =	vst v7  }
0x17f: {  	v8 =	vld.idx.msk [tilespmem:v1+s29+$0x0], $0xffff;
	_ =	sdelay $0x4  }
0x180: {  	v7 =	vadd.s32 v7, v8  }
0x181: {  	[tilespmem:$0x580] =	vst v7  }
0x182: {  	v8 =	vld.idx.msk [tilespmem:v2+s29+$0x0], $0xffff;
	_ =	sdelay $0x4  }
0x183: {  	v7 =	vadd.s32 v7, v8  }
0x184: {  	[tilespmem:$0x580] =	vst v7  }
0x185: {  	v8 =	vld.idx.msk [tilespmem:v3+s29+$0x0], $0xffff;
	_ =	sdelay $0x4  }
0x186: {  	v7 =	vadd.s32 v7, v8  }
0x187: {  	[tilespmem:$0x580] =	vst v7  }
0x188: {  	v8 =	vld.idx.msk [tilespmem:v4+s29+$0x0], $0xffff;
	_ =	sdelay $0x4  }
0x189: {  	v7 =	vadd.s32 v8, v7  }
0x18a: {  	s19 =	simm.s32 $0x0;
	v9 =	vimm.s32 $0x0;
	v8 =	vimm.s32 $0x0;
	v7 =	vsub.s32 $0x1388, v7  }
.LBB2_10:
0x18b: {  	vm13 =	vmmov vm11;
	v17 =	vor.u32 s22, v5;
	v48 =	vimm.s32 $0x0  }
0x18c: {  	v39 =	vimm.s32 $0x0;
	v41 =	vimm.s32 $0x0;
	v44 =	vimm.s32 $0x0  }
0x18d: {  	s20 =	sshll.u32 s19, $0x2;
	v42 =	vimm.s32 $0x0;
	v38 =	vimm.s32 $0x0;
	v34 =	vimm.s32 $0x0  }
0x18e: {  	s23 =	simm.s32 $0x0;
	v29 =	vimm.s32 $0x0;
	v26 =	vimm.s32 $0x0;
	v23 =	vimm.s32 $0x0;
	s4 =	sshrl.u32 s1, s20  }
0x18f: {  	v21 =	vimm.s32 $0x0;
	v19 =	vimm.s32 $0x0;
	s21 =	sshrl.u32 s0, s20;
	v11 =	vld [tilespmem:s23+$0x280];
	s23 =	sshrl.u32 s8, s20;
	v35 =	vor.u32 s4, v8;
	s4 =	sshrl.u32 s2, s20  }
0x190: {  	v33 =	vor.u32 s21, v8;
	s21 =	sshrl.u32 s5, s20;
	v27 =	vor.u32 s23, v8;
	s23 =	sshrl.u32 s7, s20;
	v36 =	vor.u32 s4, v8  }
0x191: {  	v30 =	vor.u32 s21, v8;
	s4 =	sshrl.u32 s9, s20;
	v20 =	vor.u32 s23, v8;
	vm1 =	vlt.s32 v17, v35  }
0x192: {  	s21 =	sshrl.u32 s10, s20;
	s23 =	sshrl.u32 s14, s20;
	vm3 =	vlt.s32 v17, v33;
	vm6 =	vlt.s32 v17, v27;
	v24 =	vor.u32 s4, v8  }
0x193: {  	v22 =	vor.u32 s21, v8;
	s4 =	sshrl.u32 s12, s20;
	v15 =	vor.u32 s23, v8;
	vm4 =	vlt.s32 v17, v36  }
0x194: {  	s21 =	sshrl.u32 s13, s20;
	s23 =	sshrl.u32 s17, s20;
	vm5 =	vlt.s32 v17, v30;
	vm8 =	vlt.s32 v17, v20;
	v18 =	vor.u32 s4, v8  }
0x195: {  	v16 =	vor.u32 s21, v8;
	s4 =	sshrl.u32 s15, s20;
	s21 =	sshrl.u32 s16, s20;
	v12 =	vor.u32 s23, v8;
	vm7 =	vlt.s32 v17, v22  }
0x196: {  	s23 =	sshrl.u32 s18, s20;
	vm14 =	vlt.s32 v17, v15;
	v14 =	vor.u32 s4, v8;
	v13 =	vor.u32 s21, v8  }
0x197: {  	v10 =	vor.u32 s23, v8;
	vm0 =	veq.s32 v11, v6;
	vm9 =	vlt.s32 v17, v18  }
0x198: {  	vm10 =	vlt.s32 v17, v16;
	vm12 =	vlt.s32 v17, v12;
	vm2 =	vlt.s32 v17, v10  }
0x199: {  	vm15 =	vlt.s32 v17, v14;
	vm11 =	vlt.s32 v17, v13;
	vm1 =	vmand vm1, vm0  }
0x19a: {  	vm3 =	vmand vm3, vm0;
	vm4 =	vmand vm4, vm0;
	vm5 =	vmand vm5, vm0  }
0x19b: {  	vm6 =	vmand vm6, vm0;
	vm7 =	vmand vm7, vm0;
	vm8 =	vmand vm8, vm0  }
0x19c: {  	vm9 =	vmand vm9, vm0;
	vm10 =	vmand vm10, vm0;
	vm14 =	vmand vm14, vm0  }
0x19d: {  	vm2 =	vmand vm2, vm0;
	vm15 =	vmand vm15, vm0;
	vm11 =	vmand vm11, vm0  }
0x19e: {  	v53 =	vsel vm3, $0x1, v0;
	v52 =	vsel vm4, $0x1, v0;
	v51 =	vsel vm5, $0x1, v0  }
0x19f: {  	v49 =	vsel vm6, $0x1, v0;
	v46 =	vsel vm7, $0x1, v0;
	v45 =	vsel vm8, $0x1, v0  }
0x1a0: {  	v43 =	vsel vm9, $0x1, v0;
	v40 =	vsel vm10, $0x1, v0;
	v37 =	vsel vm14, $0x1, v0  }
0x1a1: {  	v11 =	vsel vm2, $0x1, v0;
	vm2 =	vlt.s32 v17, v24;
	v17 =	vsel vm1, $0x1, v0  }
0x1a2: {  	v31 =	vsel vm15, $0x1, v0;
	v28 =	vsel vm11, $0x1, v0;
	v11 =	vadd.s32 v11, v9  }
0x1a3: {  	vm2 =	vmand vm2, vm0;
	vm0 =	vmand vm12, vm0;
	v50 =	vadd.s32 v17, v9  }
0x1a4: {  	s23 =	simm.s32 $0x10;
	s21 =	simm.s32 $0x80;
	s4 =	smov.u32 s22;
	v17 =	vimm.s32 $0x0;
	v47 =	vsel vm2, $0x1, v0;
	v25 =	vsel vm0, $0x1, v0  }
.LBB2_11:
0x1a5: {  	p1 =	sne.s32 s21, $0x9C0;
	v32 =	vld [tilespmem:s23+$0x280];
	v48 =	vadd.s32 v53, v48;
	v39 =	vadd.s32 v52, v39;
	v41 =	vadd.s32 v51, v41  }
0x1a6: {  	v44 =	vadd.s32 v49, v44;
	v42 =	vadd.s32 v47, v42;
	v38 =	vadd.s32 v46, v38  }
0x1a7: {  	v34 =	vadd.s32 v45, v34;
	v29 =	vadd.s32 v43, v29;
	v26 =	vadd.s32 v40, v26  }
0x1a8: {  	v23 =	vadd.s32 v37, v23;
	v21 =	vadd.s32 v31, v21;
	v19 =	vadd.s32 v28, v19;
	s4 =	sadd.s32 $0x10, s4  }
0x1a9: {  	v17 =	vadd.s32 v25, v17;
	v28 =	vor.u32 s4, v5  }
0x1aa: {  	vm0 =	vlt.s32 v28, v35;
	vm1 =	vlt.s32 v28, v10;
	vm15 =	veq.s32 v32, v6  }
0x1ab: {  	vm2 =	vlt.s32 v28, v33;
	vm3 =	vlt.s32 v28, v36;
	vm1 =	vmand vm1, vm15  }
0x1ac: {  	vm4 =	vlt.s32 v28, v30;
	vm5 =	vlt.s32 v28, v27;
	v25 =	vsel vm1, $0x1, v0  }
0x1ad: {  	vm6 =	vlt.s32 v28, v22;
	vm1 =	vlt.s32 v28, v24;
	v11 =	vadd.s32 v25, v11  }
0x1ae: {  	vm7 =	vlt.s32 v28, v20;
	vm8 =	vlt.s32 v28, v18;
	vm9 =	vlt.s32 v28, v16  }
0x1af: {  	vm10 =	vlt.s32 v28, v15;
	vm11 =	vlt.s32 v28, v14;
	vm12 =	vlt.s32 v28, v13  }
0x1b0: {  	vm14 =	vlt.s32 v28, v12;
	vm0 =	vmand vm0, vm15;
	vm2 =	vmand vm2, vm15  }
0x1b1: {  	vm3 =	vmand vm3, vm15;
	vm4 =	vmand vm4, vm15;
	vm5 =	vmand vm5, vm15  }
0x1b2: {  	vm6 =	vmand vm6, vm15;
	vm7 =	vmand vm7, vm15;
	vm1 =	vmand vm1, vm15  }
0x1b3: {  	vm8 =	vmand vm8, vm15;
	vm9 =	vmand vm9, vm15;
	vm10 =	vmand vm10, vm15  }
0x1b4: {  	vm11 =	vmand vm11, vm15;
	vm12 =	vmand vm12, vm15;
	vm14 =	vmand vm14, vm15  }
.Ltmp4:
0x1b5: {  	v53 =	vsel vm2, $0x1, v0;
	v52 =	vsel vm3, $0x1, v0;
	v25 =	vsel vm0, $0x1, v0;
	(pc) =	sbr.rel @p1 .LBB2_11-.Ltmp4, $4  }
0x1b6: {  	v51 =	vsel vm4, $0x1, v0;
	v49 =	vsel vm5, $0x1, v0;
	v47 =	vsel vm1, $0x1, v0  }
0x1b7: {  	v46 =	vsel vm6, $0x1, v0;
	v45 =	vsel vm7, $0x1, v0;
	v43 =	vsel vm8, $0x1, v0  }
0x1b8: {  	v40 =	vsel vm9, $0x1, v0;
	v37 =	vsel vm10, $0x1, v0;
	v31 =	vsel vm11, $0x1, v0  }
0x1b9: {  	s23 =	sshra.s32 s21, $0x2;
	s21 =	sadd.s32 $0x40, s21;
	v28 =	vsel vm12, $0x1, v0;
	v50 =	vadd.s32 v25, v50;
	v25 =	vsel vm14, $0x1, v0  }
0x1ba: {  	v54 =	vld [tilespmem:s23+$0x280];
	_ =	sdelay $0x2  }
0x1bb: {  	s4 =	sadd.s32 $0x10, s4  }
0x1bc: {  	v32 =	vor.u32 s4, v5  }
0x1bd: {  	vm0 =	vlt.s32 v32, v35;
	vm15 =	veq.s32 v54, v6  }
0x1be: {  	vm0 =	vmand vm0, vm15  }
0x1bf: {  	v58 =	vsel vm0, $0x1, v0  }
0x1c0: {  	v35 =	vadd.s32 v58, v50  }
0x1c1: {  	[tilespmem:$0x580] =	vst v35  }
0x1c2: {  	v59 =	vld.idx.msk [tilespmem:v1+s29+$0x0], $0xffff;
	_ =	sdelay $0x4  }
0x1c3: {  	v35 =	vadd.s32 v35, v59  }
0x1c4: {  	[tilespmem:$0x580] =	vst v35  }
0x1c5: {  	v60 =	vld.idx.msk [tilespmem:v2+s29+$0x0], $0xffff;
	_ =	sdelay $0x4  }
0x1c6: {  	v35 =	vadd.s32 v35, v60  }
0x1c7: {  	[tilespmem:$0x580] =	vst v35  }
0x1c8: {  	v61 =	vld.idx.msk [tilespmem:v3+s29+$0x0], $0xffff;
	_ =	sdelay $0x2  }
0x1c9: {  	vm5 =	vlt.s32 v32, v33  }
0x1ca: {  	vm0 =	vmand vm5, vm15  }
0x1cb: {  	v62 =	vadd.s32 v53, v48;
	v63 =	vsel vm0, $0x1, v0;
	v33 =	vadd.s32 v35, v61  }
0x1cc: {  	v48 =	vadd.s32 v63, v62;
	[tilespmem:$0x580] =	vst v33  }
0x1cd: {  	v35 =	vld.idx.msk [tilespmem:v4+s29+$0x0], $0xffff;
	[tilespmem:$0x580] =	vst v48  }
0x1ce: {  	v53 =	vld.idx.msk [tilespmem:v1+s29+$0x0], $0xffff;
	_ =	sdelay $0x4  }
0x1cf: {  	v48 =	vadd.s32 v48, v53  }
0x1d0: {  	[tilespmem:$0x580] =	vst v48  }
0x1d1: {  	v54 =	vld.idx.msk [tilespmem:v2+s29+$0x0], $0xffff;
	_ =	sdelay $0x4  }
0x1d2: {  	v48 =	vadd.s32 v48, v54  }
0x1d3: {  	[tilespmem:$0x580] =	vst v48  }
0x1d4: {  	v55 =	vld.idx.msk [tilespmem:v3+s29+$0x0], $0xffff;
	_ =	sdelay $0x2  }
0x1d5: {  	vm6 =	vlt.s32 v32, v36  }
0x1d6: {  	vm0 =	vmand vm6, vm15  }
0x1d7: {  	v39 =	vadd.s32 v52, v39;
	v56 =	vsel vm0, $0x1, v0;
	v36 =	vadd.s32 v48, v55  }
0x1d8: {  	v48 =	vadd.s32 v56, v39;
	[tilespmem:$0x580] =	vst v36  }
0x1d9: {  	v39 =	vld.idx.msk [tilespmem:v4+s29+$0x0], $0xffff;
	[tilespmem:$0x580] =	vst v48  }
0x1da: {  	v57 =	vld.idx.msk [tilespmem:v1+s29+$0x0], $0xffff;
	_ =	sdelay $0x4  }
0x1db: {  	v48 =	vadd.s32 v48, v57  }
0x1dc: {  	[tilespmem:$0x580] =	vst v48  }
0x1dd: {  	v58 =	vld.idx.msk [tilespmem:v2+s29+$0x0], $0xffff;
	_ =	sdelay $0x4  }
0x1de: {  	v48 =	vadd.s32 v48, v58  }
0x1df: {  	[tilespmem:$0x580] =	vst v48  }
0x1e0: {  	v59 =	vld.idx.msk [tilespmem:v3+s29+$0x0], $0xffff;
	_ =	sdelay $0x2  }
0x1e1: {  	vm7 =	vlt.s32 v32, v30  }
0x1e2: {  	vm0 =	vmand vm7, vm15  }
0x1e3: {  	v41 =	vadd.s32 v51, v41;
	v60 =	vsel vm0, $0x1, v0;
	v30 =	vadd.s32 v48, v59  }
0x1e4: {  	v48 =	vadd.s32 v60, v41;
	[tilespmem:$0x580] =	vst v30  }
0x1e5: {  	v41 =	vld.idx.msk [tilespmem:v4+s29+$0x0], $0xffff;
	[tilespmem:$0x580] =	vst v48  }
0x1e6: {  	v61 =	vld.idx.msk [tilespmem:v1+s29+$0x0], $0xffff;
	_ =	sdelay $0x4  }
0x1e7: {  	v48 =	vadd.s32 v48, v61  }
0x1e8: {  	[tilespmem:$0x580] =	vst v48  }
0x1e9: {  	v62 =	vld.idx.msk [tilespmem:v2+s29+$0x0], $0xffff;
	_ =	sdelay $0x4  }
0x1ea: {  	v48 =	vadd.s32 v48, v62  }
0x1eb: {  	[tilespmem:$0x580] =	vst v48  }
0x1ec: {  	v63 =	vld.idx.msk [tilespmem:v3+s29+$0x0], $0xffff;
	_ =	sdelay $0x2  }
0x1ed: {  	vm4 =	vlt.s32 v32, v27  }
0x1ee: {  	vm0 =	vmand vm4, vm15  }
0x1ef: {  	v44 =	vadd.s32 v49, v44;
	v52 =	vsel vm0, $0x1, v0;
	v27 =	vadd.s32 v48, v63  }
0x1f0: {  	v48 =	vadd.s32 v52, v44;
	[tilespmem:$0x580] =	vst v27  }
0x1f1: {  	v44 =	vld.idx.msk [tilespmem:v4+s29+$0x0], $0xffff;
	[tilespmem:$0x580] =	vst v48  }
0x1f2: {  	v53 =	vld.idx.msk [tilespmem:v1+s29+$0x0], $0xffff;
	_ =	sdelay $0x4  }
0x1f3: {  	v48 =	vadd.s32 v48, v53  }
0x1f4: {  	[tilespmem:$0x580] =	vst v48  }
0x1f5: {  	v54 =	vld.idx.msk [tilespmem:v2+s29+$0x0], $0xffff;
	_ =	sdelay $0x4  }
0x1f6: {  	v48 =	vadd.s32 v48, v54  }
0x1f7: {  	[tilespmem:$0x580] =	vst v48  }
0x1f8: {  	v55 =	vld.idx.msk [tilespmem:v3+s29+$0x0], $0xffff;
	_ =	sdelay $0x2  }
0x1f9: {  	vm5 =	vlt.s32 v32, v24  }
0x1fa: {  	vm0 =	vmand vm5, vm15  }
0x1fb: {  	v42 =	vadd.s32 v47, v42;
	v56 =	vsel vm0, $0x1, v0;
	v24 =	vadd.s32 v48, v55  }
0x1fc: {  	v47 =	vadd.s32 v56, v42;
	[tilespmem:$0x580] =	vst v24  }
0x1fd: {  	v42 =	vld.idx.msk [tilespmem:v4+s29+$0x0], $0xffff;
	[tilespmem:$0x580] =	vst v47  }
0x1fe: {  	v57 =	vld.idx.msk [tilespmem:v1+s29+$0x0], $0xffff;
	_ =	sdelay $0x4  }
0x1ff: {  	v47 =	vadd.s32 v47, v57  }
0x200: {  	[tilespmem:$0x580] =	vst v47  }
0x201: {  	v58 =	vld.idx.msk [tilespmem:v2+s29+$0x0], $0xffff;
	_ =	sdelay $0x4  }
0x202: {  	v47 =	vadd.s32 v47, v58  }
0x203: {  	[tilespmem:$0x580] =	vst v47  }
0x204: {  	v59 =	vld.idx.msk [tilespmem:v3+s29+$0x0], $0xffff;
	_ =	sdelay $0x2  }
0x205: {  	vm6 =	vlt.s32 v32, v22  }
0x206: {  	vm0 =	vmand vm6, vm15  }
0x207: {  	v38 =	vadd.s32 v46, v38;
	v60 =	vsel vm0, $0x1, v0;
	v22 =	vadd.s32 v47, v59  }
0x208: {  	v46 =	vadd.s32 v60, v38;
	[tilespmem:$0x580] =	vst v22  }
0x209: {  	v38 =	vld.idx.msk [tilespmem:v4+s29+$0x0], $0xffff;
	[tilespmem:$0x580] =	vst v46  }
0x20a: {  	v61 =	vld.idx.msk [tilespmem:v1+s29+$0x0], $0xffff;
	_ =	sdelay $0x4  }
0x20b: {  	v46 =	vadd.s32 v46, v61  }
0x20c: {  	[tilespmem:$0x580] =	vst v46  }
0x20d: {  	v62 =	vld.idx.msk [tilespmem:v2+s29+$0x0], $0xffff;
	_ =	sdelay $0x4  }
0x20e: {  	v46 =	vadd.s32 v46, v62  }
0x20f: {  	[tilespmem:$0x580] =	vst v46  }
0x210: {  	v63 =	vld.idx.msk [tilespmem:v3+s29+$0x0], $0xffff;
	_ =	sdelay $0x2  }
0x211: {  	vm7 =	vlt.s32 v32, v20  }
0x212: {  	vm0 =	vmand vm7, vm15  }
0x213: {  	v34 =	vadd.s32 v45, v34;
	v48 =	vsel vm0, $0x1, v0;
	v20 =	vadd.s32 v46, v63  }
0x214: {  	v45 =	vadd.s32 v48, v34;
	[tilespmem:$0x580] =	vst v20  }
0x215: {  	v34 =	vld.idx.msk [tilespmem:v4+s29+$0x0], $0xffff;
	[tilespmem:$0x580] =	vst v45  }
0x216: {  	v49 =	vld.idx.msk [tilespmem:v1+s29+$0x0], $0xffff;
	_ =	sdelay $0x4  }
0x217: {  	v45 =	vadd.s32 v45, v49  }
0x218: {  	[tilespmem:$0x580] =	vst v45  }
0x219: {  	v50 =	vld.idx.msk [tilespmem:v2+s29+$0x0], $0xffff;
	_ =	sdelay $0x4  }
0x21a: {  	v45 =	vadd.s32 v45, v50  }
0x21b: {  	[tilespmem:$0x580] =	vst v45  }
0x21c: {  	v51 =	vld.idx.msk [tilespmem:v3+s29+$0x0], $0xffff;
	_ =	sdelay $0x2  }
0x21d: {  	vm4 =	vlt.s32 v32, v18  }
0x21e: {  	vm0 =	vmand vm4, vm15  }
0x21f: {  	v29 =	vadd.s32 v43, v29;
	v52 =	vsel vm0, $0x1, v0;
	v18 =	vadd.s32 v45, v51  }
0x220: {  	v29 =	vadd.s32 v52, v29;
	[tilespmem:$0x580] =	vst v18  }
0x221: {  	v43 =	vld.idx.msk [tilespmem:v4+s29+$0x0], $0xffff;
	[tilespmem:$0x580] =	vst v29  }
0x222: {  	v53 =	vld.idx.msk [tilespmem:v1+s29+$0x0], $0xffff;
	_ =	sdelay $0x4  }
0x223: {  	v29 =	vadd.s32 v29, v53  }
0x224: {  	[tilespmem:$0x580] =	vst v29  }
0x225: {  	v54 =	vld.idx.msk [tilespmem:v2+s29+$0x0], $0xffff;
	_ =	sdelay $0x4  }
0x226: {  	v29 =	vadd.s32 v29, v54  }
0x227: {  	[tilespmem:$0x580] =	vst v29  }
0x228: {  	v55 =	vld.idx.msk [tilespmem:v3+s29+$0x0], $0xffff;
	_ =	sdelay $0x2  }
0x229: {  	vm5 =	vlt.s32 v32, v16  }
0x22a: {  	vm0 =	vmand vm5, vm15  }
0x22b: {  	v26 =	vadd.s32 v40, v26;
	v56 =	vsel vm0, $0x1, v0;
	v16 =	vadd.s32 v29, v55  }
0x22c: {  	v26 =	vadd.s32 v56, v26;
	[tilespmem:$0x580] =	vst v16  }
0x22d: {  	v29 =	vld.idx.msk [tilespmem:v4+s29+$0x0], $0xffff;
	[tilespmem:$0x580] =	vst v26  }
0x22e: {  	v57 =	vld.idx.msk [tilespmem:v1+s29+$0x0], $0xffff;
	_ =	sdelay $0x4  }
0x22f: {  	v26 =	vadd.s32 v26, v57  }
0x230: {  	[tilespmem:$0x580] =	vst v26  }
0x231: {  	v58 =	vld.idx.msk [tilespmem:v2+s29+$0x0], $0xffff;
	_ =	sdelay $0x4  }
0x232: {  	v26 =	vadd.s32 v26, v58  }
0x233: {  	[tilespmem:$0x580] =	vst v26  }
0x234: {  	v59 =	vld.idx.msk [tilespmem:v3+s29+$0x0], $0xffff;
	_ =	sdelay $0x2  }
0x235: {  	vm6 =	vlt.s32 v32, v15  }
0x236: {  	vm0 =	vmand vm6, vm15  }
0x237: {  	v23 =	vadd.s32 v37, v23;
	v60 =	vsel vm0, $0x1, v0;
	v15 =	vadd.s32 v26, v59  }
0x238: {  	v23 =	vadd.s32 v60, v23;
	[tilespmem:$0x580] =	vst v15  }
0x239: {  	v26 =	vld.idx.msk [tilespmem:v4+s29+$0x0], $0xffff;
	[tilespmem:$0x580] =	vst v23  }
0x23a: {  	v61 =	vld.idx.msk [tilespmem:v1+s29+$0x0], $0xffff;
	_ =	sdelay $0x4  }
0x23b: {  	v23 =	vadd.s32 v23, v61  }
0x23c: {  	[tilespmem:$0x580] =	vst v23  }
0x23d: {  	v62 =	vld.idx.msk [tilespmem:v2+s29+$0x0], $0xffff;
	_ =	sdelay $0x4  }
0x23e: {  	v23 =	vadd.s32 v23, v62  }
0x23f: {  	[tilespmem:$0x580] =	vst v23  }
0x240: {  	v63 =	vld.idx.msk [tilespmem:v3+s29+$0x0], $0xffff;
	_ =	sdelay $0x2  }
0x241: {  	vm7 =	vlt.s32 v32, v14  }
0x242: {  	vm0 =	vmand vm7, vm15  }
0x243: {  	v21 =	vadd.s32 v31, v21;
	v40 =	vsel vm0, $0x1, v0;
	v14 =	vadd.s32 v23, v63  }
0x244: {  	v21 =	vadd.s32 v40, v21;
	[tilespmem:$0x580] =	vst v14  }
0x245: {  	v23 =	vld.idx.msk [tilespmem:v4+s29+$0x0], $0xffff;
	[tilespmem:$0x580] =	vst v21  }
0x246: {  	v45 =	vld.idx.msk [tilespmem:v1+s29+$0x0], $0xffff;
	_ =	sdelay $0x4  }
0x247: {  	v21 =	vadd.s32 v21, v45  }
0x248: {  	[tilespmem:$0x580] =	vst v21  }
0x249: {  	v46 =	vld.idx.msk [tilespmem:v2+s29+$0x0], $0xffff;
	_ =	sdelay $0x4  }
0x24a: {  	v21 =	vadd.s32 v21, v46  }
0x24b: {  	[tilespmem:$0x580] =	vst v21  }
0x24c: {  	v47 =	vld.idx.msk [tilespmem:v3+s29+$0x0], $0xffff;
	_ =	sdelay $0x2  }
0x24d: {  	vm4 =	vlt.s32 v32, v13  }
0x24e: {  	vm0 =	vmand vm4, vm15  }
0x24f: {  	v19 =	vadd.s32 v28, v19;
	v48 =	vsel vm0, $0x1, v0;
	v13 =	vadd.s32 v21, v47  }
0x250: {  	v19 =	vadd.s32 v48, v19;
	[tilespmem:$0x580] =	vst v13  }
0x251: {  	v49 =	vld.idx.msk [tilespmem:v4+s29+$0x0], $0xffff;
	[tilespmem:$0x580] =	vst v19  }
0x252: {  	v50 =	vld.idx.msk [tilespmem:v1+s29+$0x0], $0xffff;
	_ =	sdelay $0x4  }
0x253: {  	v19 =	vadd.s32 v19, v50  }
0x254: {  	[tilespmem:$0x580] =	vst v19  }
0x255: {  	v51 =	vld.idx.msk [tilespmem:v2+s29+$0x0], $0xffff;
	_ =	sdelay $0x4  }
0x256: {  	v19 =	vadd.s32 v19, v51  }
0x257: {  	[tilespmem:$0x580] =	vst v19  }
0x258: {  	v52 =	vld.idx.msk [tilespmem:v3+s29+$0x0], $0xffff;
	_ =	sdelay $0x2  }
0x259: {  	vm5 =	vlt.s32 v32, v12  }
0x25a: {  	vm0 =	vmand vm5, vm15  }
0x25b: {  	v17 =	vadd.s32 v25, v17;
	v54 =	vsel vm0, $0x1, v0;
	v53 =	vadd.s32 v19, v52  }
0x25c: {  	v17 =	vadd.s32 v54, v17;
	[tilespmem:$0x580] =	vst v53  }
0x25d: {  	v55 =	vld.idx.msk [tilespmem:v4+s29+$0x0], $0xffff;
	[tilespmem:$0x580] =	vst v17  }
0x25e: {  	v56 =	vld.idx.msk [tilespmem:v1+s29+$0x0], $0xffff;
	_ =	sdelay $0x4  }
0x25f: {  	v17 =	vadd.s32 v17, v56  }
0x260: {  	[tilespmem:$0x580] =	vst v17  }
0x261: {  	v57 =	vld.idx.msk [tilespmem:v2+s29+$0x0], $0xffff;
	_ =	sdelay $0x4  }
0x262: {  	v17 =	vadd.s32 v17, v57  }
0x263: {  	[tilespmem:$0x580] =	vst v17  }
0x264: {  	v58 =	vld.idx.msk [tilespmem:v3+s29+$0x0], $0xffff;
	_ =	sdelay $0x2  }
0x265: {  	vm6 =	vlt.s32 v32, v10  }
0x266: {  	vm0 =	vmand vm6, vm15  }
0x267: {  	v59 =	vsel vm0, $0x1, v0;
	v10 =	vadd.s32 v17, v58  }
0x268: {  	v11 =	vadd.s32 v59, v11;
	[tilespmem:$0x580] =	vst v10  }
0x269: {  	v60 =	vld.idx.msk [tilespmem:v4+s29+$0x0], $0xffff;
	[tilespmem:$0x580] =	vst v11  }
0x26a: {  	v61 =	vld.idx.msk [tilespmem:v1+s29+$0x0], $0xffff;
	_ =	sdelay $0x4  }
0x26b: {  	v11 =	vadd.s32 v11, v61  }
0x26c: {  	v37 =	vld [tilespmem:$0x1FFE0];
	[tilespmem:$0x580] =	vst v11  }
0x26d: {  	v62 =	vld.idx.msk [tilespmem:v2+s29+$0x0], $0xffff  }
0x26e: {  	v27 =	vadd.s32 v27, v44;
	v44 =	vld [tilespmem:$0x1FF70]  }
0x26f: {  	v40 =	vld [tilespmem:$0x1FF30]  }
0x270: {  	v63 =	vadd.s32 v33, v35;
	v33 =	vadd.s32 v36, v39;
	v39 =	vld [tilespmem:$0x1FFF0]  }
0x271: {  	v24 =	vadd.s32 v24, v42;
	v42 =	vld [tilespmem:$0x1FF50]  }
0x272: {  	vm7 =	veq.s32 v5, $0x0;
	v35 =	vadd.s32 v30, v41;
	v41 =	vld [tilespmem:$0x1FF40];
	v11 =	vadd.s32 v11, v62  }
0x273: {  	v18 =	vadd.s32 v18, v43;
	v43 =	vld [tilespmem:$0x1FF60];
	v32 =	vsel vm7, $0x0, v63;
	[tilespmem:$0x580] =	vst v11  }
0x274: {  	vm12 =	vnez.u8 v37;
	v25 =	vsel vm13, v32, v33;
	v36 =	vld.idx.msk [tilespmem:v3+s29+$0x0], $0xffff  }
0x275: {  	vm11 =	vmmov vm13;
	v48 =	vld [tilespmem:$0x1FFA0];
	v25 =	vsel vm12, v25, v35;
	vm13 =	vnez.u8 v39  }
0x276: {  	vm4 =	vnez.u8 v40;
	v22 =	vadd.s32 v22, v38;
	v25 =	vsel vm13, v25, v27;
	v46 =	vld [tilespmem:$0x1FF80]  }
0x277: {  	v20 =	vadd.s32 v20, v34;
	vm5 =	vnez.u8 v41;
	v24 =	vsel vm4, v25, v24;
	v47 =	vld [tilespmem:$0x1FF90]  }
0x278: {  	vm6 =	vnez.u8 v42;
	v22 =	vsel vm5, v24, v22;
	v13 =	vadd.s32 v13, v49;
	v49 =	vld [tilespmem:$0x1FFB0]  }
0x279: {  	vm7 =	vnez.u8 v43;
	v20 =	vsel vm6, v22, v20;
	v50 =	vld [tilespmem:$0x1FFC0];
	v11 =	vadd.s32 v11, v36  }
0x27a: {  	v16 =	vadd.s32 v16, v29;
	vm4 =	vnez.u8 v44;
	v18 =	vsel vm7, v20, v18;
	v51 =	vld [tilespmem:$0x1FFD0];
	[tilespmem:$0x580] =	vst v11  }
0x27b: {  	v15 =	vadd.s32 v15, v26;
	v16 =	vsel vm4, v18, v16;
	vm5 =	vnez.u8 v46;
	v45 =	vld.idx.msk [tilespmem:v4+s29+$0x0], $0xffff  }
0x27c: {  	v14 =	vadd.s32 v14, v23;
	v15 =	vsel vm5, v16, v15;
	vm6 =	vnez.u8 v47  }
0x27d: {  	vm7 =	vnez.u8 v48;
	v14 =	vsel vm6, v15, v14  }
0x27e: {  	s21 =	sshll.u32 s19, $0xB;
	v13 =	vsel vm7, v14, v13;
	vm4 =	vnez.u8 v49;
	v12 =	vadd.s32 v53, v55  }
0x27f: {  	s4 =	sand.u32 $0x3FFFF800, s21;
	vm5 =	vnez.u8 v50;
	v12 =	vsel vm4, v13, v12;
	v10 =	vadd.s32 v10, v60  }
0x280: {  	s4 =	sadd.s32 s4, s3;
	vm6 =	vnez.u8 v51;
	v10 =	vsel vm5, v12, v10;
	v11 =	vadd.s32 v11, v45  }
0x281: {  	s4 =	sadd.s32 $0x4800, s4;
	v10 =	vsel vm6, v10, v11  }
0x282: {  	s21 =	sadd.s32 s6, s4;
	[tilespmem:$0x500] =	vst v10  }
0x283: {  	[spmem:s21] =	stream.linear.scatter [tilespmem:s30], [sflag:$0x1], $0x80, $0x38;
	[tilespmem:$0xF50] =	vst v63  }
0x284: {  	_ =	swait.ge [sflag:s11], $0x80  }
0x285: {  	[sflag:s11] =	ssyncset.done $0x0  }
0x286: {  	[sflag:s11] =	ssyncadd.s32 $0xFFFFFF80  }
0x287: {  	[bflag:$0x0] =	sbarrier.arrive $0xFFFF  }
0x288: {  	[tilespmem:s31], [sflag:$0x1] =	stream.linear.gather [spmem:s4], $0x800, $0x38;
	[tilespmem:$0xF50] =	vst v63  }
0x289: {  	_ =	swait.ge [sflag:s11], $0x800  }
0x28a: {  	[sflag:s11] =	ssyncset.done $0x0  }
0x28b: {  	[sflag:s11] =	ssyncadd.s32 $0xFFFFF800  }
0x28c: {  	v10 =	vld [tilespmem:$0x600]  }
0x28d: {  	v11 =	vld [tilespmem:$0x680]  }
0x28e: {  	v52 =	vld [tilespmem:$0x700]  }
0x28f: {  	v53 =	vld [tilespmem:$0x780]  }
0x290: {  	v54 =	vld [tilespmem:$0x800]  }
0x291: {  	v55 =	vld [tilespmem:$0x880]  }
0x292: {  	v10 =	vadd.s32 v10, v11;
	v11 =	vld [tilespmem:$0x900]  }
0x293: {  	v56 =	vld [tilespmem:$0x980];
	v10 =	vadd.s32 v10, v52  }
0x294: {  	v57 =	vld [tilespmem:$0xA00];
	v10 =	vadd.s32 v10, v53  }
0x295: {  	v58 =	vld [tilespmem:$0xA80];
	v10 =	vadd.s32 v10, v54  }
0x296: {  	v59 =	vld [tilespmem:$0xB00];
	v10 =	vadd.s32 v10, v55  }
0x297: {  	v10 =	vadd.s32 v10, v11;
	v11 =	vld [tilespmem:$0xB80]  }
0x298: {  	v60 =	vld [tilespmem:$0xC00];
	v10 =	vadd.s32 v10, v56  }
0x299: {  	v61 =	vld [tilespmem:$0xC80];
	v10 =	vadd.s32 v10, v57  }
0x29a: {  	v62 =	vld [tilespmem:$0xD00];
	v10 =	vadd.s32 v10, v58  }
0x29b: {  	v63 =	vld [tilespmem:$0xD80];
	v10 =	vadd.s32 v10, v59  }
0x29c: {  	v10 =	vadd.s32 v10, v11  }
0x29d: {  	v10 =	vadd.s32 v10, v60  }
0x29e: {  	v10 =	vadd.s32 v10, v61  }
0x29f: {  	v10 =	vadd.s32 v10, v62  }
0x2a0: {  	v10 =	vadd.s32 v10, v63  }
0x2a1: {  	vm1 =	vcmask $0x3F04;
	vm7 =	vlt.s32 v10, v7  }
0x2a2: {  	vm0 =	vmand vm7, vm1  }
0x2a3: {  	v10 =	vsel vm0, $0x1, v0  }
0x2a4: {  	[tilespmem:$0x580] =	vst v10  }
0x2a5: {  	v11 =	vld.idx.msk [tilespmem:v1+s29+$0x0], $0xffff;
	_ =	sdelay $0x4  }
0x2a6: {  	v10 =	vadd.s32 v10, v11  }
0x2a7: {  	[tilespmem:$0x580] =	vst v10  }
0x2a8: {  	v11 =	vld.idx.msk [tilespmem:v2+s29+$0x0], $0xffff;
	_ =	sdelay $0x4  }
0x2a9: {  	v10 =	vadd.s32 v10, v11  }
0x2aa: {  	[tilespmem:$0x580] =	vst v10  }
0x2ab: {  	v11 =	vld.idx.msk [tilespmem:v3+s29+$0x0], $0xffff;
	_ =	sdelay $0x4  }
0x2ac: {  	v10 =	vadd.s32 v10, v11  }
0x2ad: {  	[tilespmem:$0x580] =	vst v10  }
0x2ae: {  	v11 =	vld.idx.msk [tilespmem:v4+s29+$0x0], $0xffff  }
0x2af: {  	s19 =	sadd.s32 $0x1, s19  }
0x2b0: {  	p1 =	sne.s32 s19, $0x4  }
.Ltmp5:
0x2b1: {  	_ = 	snop;
	(pc) =	sbr.rel @p1 .LBB2_10-.Ltmp5, $4  }
0x2b2: {  	_ = 	snop  }
0x2b3: {  	s23 =	ssub.s32 $0xC, s20;
	v10 =	vadd.s32 v10, v11  }
0x2b4: {  	v10 =	vshll.u32 v10, s23  }
0x2b5: {  	v8 =	vor.u32 v8, v10  }
0x2b6: {  	vm0 =	vcmask @!p0 $0x3F08  }
0x2b7: {  	v7 =	vsel @!p0 vm0, $0x0, v8;
	vm0 =	vmmov @!p0 $0x1  }
0x2b8: {  	v6 =	vsel @!p0 vm0, v6, v7  }
0x2b9: {  	s4 =	simm.s32 @!p0 $0x0;
	s19 =	simm.s32 @!p0 $0xE00;
	s20 =	rddreg [dreg:$0x1];
	[tilespmem:$0xE00] =	vst @!p0 v6  }
0x2ba: {  	[hbm4b:s20+s4] =	stream.linear.scatter @!p0 [tilespmem:s19], [sflag:$0x1], $0x80, $0x38;
	[tilespmem:$0xF50] =	vst v63  }
0x2bb: {  	s4 =	simm.s32 @!p0 $0x1  }
0x2bc: {  	_ =	swait.ge @!p0 [sflag:s4], $0x80  }
0x2bd: {  	s21 =	rddreg [dreg:$0x8]  }
0x2be: {  	s23 =	rddreg [dreg:$0x7];
	s20 =	sadd.s32 $0x1, s21  }
0x2bf: {  	p1 =	sne.s32 s20, s23  }
.Ltmp6:
0x2c0: {  	_ = 	snop;
	(pc) =	sbr.rel @p1 .LBB2_1-.Ltmp6, $3  }
0x2c1: {  	_ =	sdelay $0x1  }
0x2c2: {  	[sflag:s4] =	ssyncset.done @!p0 $0x0  }
0x2c3: {  	[sflag:s4] =	ssyncadd.s32 @!p0 $0xFFFFFF80  }
0x2c4: {  	_ =	sfence.sel $0x180000  }
0x2c5: {  	[bflag:$0x0] =	sbarrier.arrive $0xFFFF  }
0x2c6: {  	_ =	strace $0x90000047  }
0x2c7: {  	s0 =	stileid.u32;
	[bflag:$0x2] =	sbarrier.arrive $0xFFFF  }
0x2c8: {  	p0 =	sne.s32 s0, $0x0;
	s0 =	rddreg [dreg:$0x3]  }
0x2c9: {  	s0 =	sadd.s32 @!p0 $0x100000, s0  }
0x2ca: {  	[sflag:s0] =	ssyncadd.tile.s32 @!p0 $0x1;
	_ =	shalt  }
.Lfunc_end2:
_tile_overlayer_lowered:
.L_overlay_start_2:
0x2cb: {  	(tag) =	ssettag $0x2  }
0x2cc: {  	s0 =	rddreg [dreg:$0x0];
	s2 =	stileid.u32  }
0x2cd: {  	s1 =	rddreg [dreg:$0x1];
	p0 =	sne.s32 s2, $0x0  }
0x2ce: {  	s3 =	rddreg [dreg:$0x2];
	[bflag:$0x3] =	sbarrier.arrive $0xFFFF;
	s2 =	simm.s32 @!p0 $0x1C01  }
0x2cf: {  	[timem:s3], [sflag:s2] =	dma.local @!p0 [hbm:s0], s1  }
0x2d0: {  	s0 =	simm.s32 @!p0 $0x1  }
0x2d1: {  	_ =	swait.ge @!p0 [sflag:s0], s1  }
0x2d2: {  	s1 =	ssub.s32 @!p0 $0x0, s1;
	[sflag:s0] =	ssyncset.done @!p0 $0x0  }
0x2d3: {  	[sflag:s0] =	ssyncadd.s32 @!p0 s1  }
0x2d4: {  	[bflag:$0x3] =	sbarrier.arrive $0xFFFF  }
0x2d5: {  	_ =	shalt  }

</sc_bundles>
